<compile_context>
chip_gen: v7x
topology: tpu7x:2x2x1
jax: 0.10.2.dev20260603
libtpu: 0.0.44.dev20260713+nightly
codegen_flags: <defaults>
</compile_context>

<pallas_src>
import jax
import jax.numpy as jnp
from jax import lax
from jax.experimental import pallas as pl
from jax.experimental.pallas import tpu as pltpu
from jax.experimental.pallas import tpu_sc as plsc

N = 10000
E = 320000
D = 128
DL = 64

NC = 2
NS = 16
NW = NC * NS

EPW = E // NW
EPW_PAD = 10240
DCH = 128
DNCH = EPW_PAD // DCH
CH = 64
NCH = EPW_PAD // CH
HCH = NCH // 2
NBUF = 4
ACC_N = 10112
ROWS_PER_TILE = ACC_N // NS

_mesh = lambda: plsc.VectorSubcoreMesh(
    core_axis_name="c", subcore_axis_name="s", num_cores=NC, num_subcores=NS)


def _wid():
    return lax.axis_index("s") * NC + lax.axis_index("c")


def _deg_body(dstb, ones_hbm, zeros_hbm, out, dst_v, ones_v, acc_sh, sem):
    c = lax.axis_index("c")
    s = lax.axis_index("s")
    w = _wid()
    base = s * ROWS_PER_TILE
    pltpu.sync_copy(zeros_hbm, acc_sh.at[pl.ds(base, ROWS_PER_TILE)])
    pltpu.sync_copy(ones_hbm, ones_v)
    pltpu.sync_copy(dstb.at[w], dst_v)
    plsc.subcore_barrier()

    K = 8

    def body(i, carry):
        for k in range(K):
            pltpu.async_copy(ones_v, acc_sh.at[dst_v.at[i * K + k]], sem,
                             add=True)
        for k in range(K):
            pltpu.make_async_copy(ones_v, acc_sh.at[dst_v.at[0]], sem).wait()
        return carry

    lax.fori_loop(0, DNCH // K, body, 0)
    plsc.subcore_barrier()
    pltpu.sync_copy(acc_sh.at[pl.ds(base, ROWS_PER_TILE)],
                    out.at[c, pl.ds(base, ROWS_PER_TILE)])


def _deg_call(dstb, onesCH, zerosD):
    return pl.kernel(
        _deg_body,
        out_type=jax.ShapeDtypeStruct((NC, ACC_N, D), jnp.float32),
        mesh=_mesh(),
        scratch_types=[
            pltpu.VMEM((DNCH, DCH), jnp.int32),
            pltpu.VMEM((DCH, D), jnp.float32),
            pltpu.VMEM_SHARED((ACC_N, D), jnp.float32),
            pltpu.SemaphoreType.DMA,
        ],
    )(dstb, onesCH, zerosD)


def _make_spmm():
    def body(rows_hbm, srcb, dstb, zeros_hbm, out, src_v, dst_v, buf, acc_sh,
             gsems, ssems):
        c = lax.axis_index("c")
        s = lax.axis_index("s")
        w = _wid()
        pltpu.sync_copy(
            zeros_hbm, acc_sh.at[pl.ds(s * ROWS_PER_TILE, ROWS_PER_TILE)])
        plsc.subcore_barrier()

        def gather_start(j, b):
            idx = src_v.at[pl.ds(j * CH, CH)]
            pltpu.make_async_copy(rows_hbm.at[idx], buf.at[b],
                                  gsems[b]).start()

        def gather_wait(b):
            pltpu.make_async_copy(rows_hbm.at[src_v.at[pl.ds(0, CH)]],
                                  buf.at[b], gsems[b]).wait()

        def scatter_start(j, b):
            pltpu.async_copy(buf.at[b], acc_sh.at[dst_v.at[j]], ssems[b],
                             add=True)

        def scatter_wait(b):
            pltpu.make_async_copy(buf.at[b], acc_sh.at[dst_v.at[0]],
                                  ssems[b]).wait()

        def body_fn(i, carry):
            for b in range(NBUF):
                j = i * NBUF + b
                gather_wait(b)
                scatter_start(j, b)

                @pl.when(j + NBUF < HCH)
                def _():
                    scatter_wait(b)
                    gather_start(j + NBUF, b)

            return carry

        for half in range(2):
            pltpu.sync_copy(srcb.at[w, pl.ds(half * HCH * CH, HCH * CH)],
                            src_v)
            pltpu.sync_copy(dstb.at[w, pl.ds(half * HCH, HCH)], dst_v)
            for b in range(NBUF):
                gather_start(b, b)
            lax.fori_loop(0, HCH // NBUF, body_fn, 0)
            for b in range(NBUF):
                scatter_wait(b)
        plsc.subcore_barrier()
        pltpu.sync_copy(acc_sh.at[pl.ds(s * ROWS_PER_TILE, ROWS_PER_TILE)],
                        out.at[c, pl.ds(s * ROWS_PER_TILE, ROWS_PER_TILE)])

    def call(rows, srcb, dstb, zerosD):
        return pl.kernel(
            body,
            out_type=jax.ShapeDtypeStruct((NC, ACC_N, D), jnp.float32),
            mesh=_mesh(),
            scratch_types=[
                pltpu.VMEM((HCH * CH,), jnp.int32),
                pltpu.VMEM((HCH, CH), jnp.int32),
                pltpu.VMEM((NBUF, CH, D), jnp.float32),
                pltpu.VMEM_SHARED((ACC_N, D), jnp.float32),
                [pltpu.SemaphoreType.DMA] * NBUF,
                [pltpu.SemaphoreType.DMA] * NBUF,
            ],
        )(rows, srcb, dstb, zerosD)

    return call


_spmm_call = _make_spmm()

BN = 1024
GRID = -(-N // BN)


def _tc2_body(degp_ref, x_ref, w_ref, dinv_ref, h_ref, xs_ref):
    deg = degp_ref[0, :, 0:1] + degp_ref[1, :, 0:1] + 1.0
    dv = lax.rsqrt(deg)
    dinv_ref[...] = dv
    h = jnp.dot(x_ref[...], w_ref[...], preferred_element_type=jnp.float32)
    h_ref[...] = h
    xs_ref[...] = dv * h


def _tc2(degp, x, W1):
    return pl.pallas_call(
        _tc2_body,
        grid=(GRID,),
        in_specs=[
            pl.BlockSpec((NC, BN, D), lambda i: (0, i, 0)),
            pl.BlockSpec((BN, D), lambda i: (i, 0)),
            pl.BlockSpec((D, D), lambda i: (0, 0)),
        ],
        out_specs=[
            pl.BlockSpec((BN, 1), lambda i: (i, 0)),
            pl.BlockSpec((BN, D), lambda i: (i, 0)),
            pl.BlockSpec((BN, D), lambda i: (i, 0)),
        ],
        out_shape=[
            jax.ShapeDtypeStruct((N, 1), jnp.float32),
            jax.ShapeDtypeStruct((N, D), jnp.float32),
            jax.ShapeDtypeStruct((N, D), jnp.float32),
        ],
    )(degp, x, W1)


def _tc4_body(p_ref, dinv_ref, h_ref, wcat_ref, b1_ref, hp_ref, hps_ref):
    dv = dinv_ref[...]
    agg = dv * (p_ref[0] + p_ref[1]) + (dv * dv) * h_ref[...]
    hidden = jnp.maximum(agg + b1_ref[...], 0.0)
    hp = jnp.dot(hidden, wcat_ref[...], preferred_element_type=jnp.float32)
    hp_ref[...] = hp
    hps_ref[...] = dv * hp


def _tc4(P, dinv, h, Wcat, b1):
    return pl.pallas_call(
        _tc4_body,
        grid=(GRID,),
        in_specs=[
            pl.BlockSpec((NC, BN, D), lambda i: (0, i, 0)),
            pl.BlockSpec((BN, 1), lambda i: (i, 0)),
            pl.BlockSpec((BN, D), lambda i: (i, 0)),
            pl.BlockSpec((D, D), lambda i: (0, 0)),
            pl.BlockSpec((1, D), lambda i: (0, 0)),
        ],
        out_specs=[
            pl.BlockSpec((BN, D), lambda i: (i, 0)),
            pl.BlockSpec((BN, D), lambda i: (i, 0)),
        ],
        out_shape=[
            jax.ShapeDtypeStruct((N, D), jnp.float32),
            jax.ShapeDtypeStruct((N, D), jnp.float32),
        ],
    )(P, dinv, h, Wcat, b1)


def _tc6_body(q_ref, dinv_ref, hp_ref, bcat_ref, out_ref):
    dv = dinv_ref[...]
    out_ref[...] = (dv * (q_ref[0] + q_ref[1]) + (dv * dv) * hp_ref[...]
                    + bcat_ref[...])


def _tc6(Q, dinv, hp, bcat):
    return pl.pallas_call(
        _tc6_body,
        grid=(GRID,),
        in_specs=[
            pl.BlockSpec((NC, BN, D), lambda i: (0, i, 0)),
            pl.BlockSpec((BN, 1), lambda i: (i, 0)),
            pl.BlockSpec((BN, D), lambda i: (i, 0)),
            pl.BlockSpec((1, D), lambda i: (0, 0)),
        ],
        out_specs=pl.BlockSpec((BN, D), lambda i: (i, 0)),
        out_shape=jax.ShapeDtypeStruct((N, D), jnp.float32),
    )(Q, dinv, hp, bcat)


def kernel(x, edge_index, W1, b1, Wmu, bmu, Wls, bls):
    src = edge_index[0].reshape(NW, EPW)
    dst = edge_index[1].reshape(NW, EPW)
    srcb = jnp.concatenate(
        [src, jnp.zeros((NW, EPW_PAD - EPW), jnp.int32)], axis=1)
    dstf = jnp.concatenate(
        [dst, jnp.full((NW, EPW_PAD - EPW), N, jnp.int32)], axis=1)
    dstb_deg = dstf.reshape(NW, DNCH, DCH)
    dstb = dstf.reshape(NW, NCH, CH)

    zerosD = jnp.zeros((ROWS_PER_TILE, D), jnp.float32)
    onesCH = jnp.ones((DCH, D), jnp.float32)

    Wcat = jnp.concatenate([Wmu, Wls], axis=1)
    bcat = jnp.concatenate([bmu, bls]).reshape(1, D)

    degp = _deg_call(dstb_deg, onesCH, zerosD)
    dinv, h, xs = _tc2(degp, x, W1)
    P = _spmm_call(xs, srcb, dstb, zerosD)
    hp, hps = _tc4(P, dinv, h, Wcat, b1.reshape(1, D))
    Q = _spmm_call(hps, srcb, dstb, zerosD)
    out = _tc6(Q, dinv, hp, bcat)
    return (out[:, :DL], out[:, DL:])

# --- scband reference (transcript-rebuilt; emitter-appended) ---
"""Pipeline reference for scband-graph-encoder-41850161332368 (READ-ONLY COPY).

The authoritative reference and input builder live on the scoring server;
editing this copy changes nothing except your own understanding.
"""

import jax, jax.numpy as jnp
import numpy as np

N = 10000
E = 320000
D_IN = 128
D_H = 128
D_LAT = 64


def gcn_conv(x, edge_index, W, b):
    # Faithful PyG GCNConv: add self-loops, symmetric deg^{-1/2} normalization,
    # linear transform, message passing (scatter-add into dst), plus bias.
    n = x.shape[0]
    src = edge_index[0]
    dst = edge_index[1]
    loop = jnp.arange(n, dtype=edge_index.dtype)
    src = jnp.concatenate([src, loop])
    dst = jnp.concatenate([dst, loop])
    deg = jnp.zeros((n,), dtype=x.dtype).at[dst].add(jnp.ones_like(src, dtype=x.dtype))
    dinv = jnp.where(deg > 0, jax.lax.rsqrt(jnp.maximum(deg, 1e-12)), 0.0)
    norm = dinv[src] * dinv[dst]
    h = x @ W  # linear transform (GCNConv lin, no bias inside lin)
    msg = jnp.take(h, src, axis=0) * norm[:, None]
    out = jax.ops.segment_sum(msg, dst, num_segments=n)
    return out + b


def setup_inputs(seed: int = 0) -> dict:
    key = jax.random.key(seed)
    ks = jax.random.split(key, 9)
    x = jax.random.normal(ks[0], (N, D_IN), dtype=jnp.float32)
    edge_index = jax.random.randint(ks[1], (2, E), 0, N, dtype=jnp.int32)
    W1 = jax.random.normal(ks[2], (D_IN, D_H), dtype=jnp.float32) * (1.0 / np.sqrt(D_IN))
    b1 = jnp.zeros((D_H,), dtype=jnp.float32)
    Wmu = jax.random.normal(ks[3], (D_H, D_LAT), dtype=jnp.float32) * (1.0 / np.sqrt(D_H))
    bmu = jnp.zeros((D_LAT,), dtype=jnp.float32)
    Wls = jax.random.normal(ks[4], (D_H, D_LAT), dtype=jnp.float32) * (1.0 / np.sqrt(D_H))
    bls = jnp.zeros((D_LAT,), dtype=jnp.float32)
    return {"x": x, "edge_index": edge_index, "W1": W1, "b1": b1,
            "Wmu": Wmu, "bmu": bmu, "Wls": Wls, "bls": bls}


def reference(x, edge_index, W1, b1, Wmu, bmu, Wls, bls):
    # GraphEncoder.forward with cond_embed=None, n_addon_latent=0, dropout=0 (eval)
    hidden = jax.nn.relu(gcn_conv(x, edge_index, W1, b1))
    mu = gcn_conv(hidden, edge_index, Wmu, bmu)
    logstd = gcn_conv(hidden, edge_index, Wls, bls)
    return (mu, logstd)

if __name__ == "__main__":
    import jax
    _d = setup_inputs()
    print(jax.jit(kernel)(*tuple(_d.values())))

</pallas_src>

<mosaic_0001>
#map = affine_map<(d0, d1) -> (0, 0)>
#map1 = affine_map<(d0, d1) -> (0, 0, 0)>
module attributes {stable_mosaic.version = 14 : i64} {
  func.func @body(%arg0: i32, %arg1: i32, %arg2: memref<10000x128xf32, #tpu.memory_space<hbm>>, %arg3: memref<32x10240xi32, #tpu.memory_space<hbm>>, %arg4: memref<32x160x64xi32, #tpu.memory_space<hbm>>, %arg5: memref<632x128xf32, #tpu.memory_space<hbm>>, %arg6: memref<2x10112x128xf32, #tpu.memory_space<hbm>>, %arg7: memref<5120xi32, #tpu.memory_space<vmem>>, %arg8: memref<80x64xi32, #tpu.memory_space<vmem>>, %arg9: memref<4x64x128xf32, #tpu.memory_space<vmem>>, %arg10: memref<10112x128xf32, #tpu.memory_space<vmem_shared>>, %arg11: memref<!tpu.dma_semaphore, #tpu.memory_space<semaphore_mem>>, %arg12: memref<!tpu.dma_semaphore, #tpu.memory_space<semaphore_mem>>, %arg13: memref<!tpu.dma_semaphore, #tpu.memory_space<semaphore_mem>>, %arg14: memref<!tpu.dma_semaphore, #tpu.memory_space<semaphore_mem>>, %arg15: memref<!tpu.dma_semaphore, #tpu.memory_space<semaphore_mem>>, %arg16: memref<!tpu.dma_semaphore, #tpu.memory_space<semaphore_mem>>, %arg17: memref<!tpu.dma_semaphore, #tpu.memory_space<semaphore_mem>>, %arg18: memref<!tpu.dma_semaphore, #tpu.memory_space<semaphore_mem>>) attributes {dimension_semantics = [#tpu.dimension_semantics<core_parallel>, #tpu.dimension_semantics<subcore_parallel>], iteration_bounds = array<i64: 2, 16>, scalar_prefetch = 0 : i64, scratch_operands = 12 : i64, tpu.core_type = #tpu.core_type<sc_vector_subcore>, window_params = [{transform_indices = #map}, {transform_indices = #map}, {transform_indices = #map1}, {transform_indices = #map}, {transform_indices = #map1}]} {
    %mul3A = arith.constant 2 : i32
    %mul3A_0 = arith.muli %arg1, %mul3A : i32
    %add3A = arith.addi %mul3A_0, %arg0 : i32
    %mul3A_1 = arith.constant 632 : i32
    %mul3A_2 = arith.muli %arg1, %mul3A_1 : i32
    "tpu.region"() ({
      %run_scoped3A = tpu.sem_alloc : memref<!tpu.dma_semaphore, #tpu.memory_space<semaphore_mem>>
      %dma_start3A_193 = arith.constant 0 : i32
      %dma_start3A_194 = tpu.memref_slice %arg10[%mul3A_2, %dma_start3A_193] : memref<10112x128xf32, #tpu.memory_space<vmem_shared>> -> memref<632x128xf32, #tpu.memory_space<vmem_shared>>
      tpu.enqueue_dma source(%arg5 : memref<632x128xf32, #tpu.memory_space<hbm>>) target(%dma_start3A_194 : memref<632x128xf32, #tpu.memory_space<vmem_shared>>) target_semaphore(%run_scoped3A : memref<!tpu.dma_semaphore, #tpu.memory_space<semaphore_mem>>)
      %dma_wait3A_195 = arith.constant 0 : i32
      %dma_wait3A_196 = tpu.memref_slice %arg10[%mul3A_2, %dma_wait3A_195] : memref<10112x128xf32, #tpu.memory_space<vmem_shared>> -> memref<632x128xf32, #tpu.memory_space<vmem_shared>>
      tpu.wait_dma2 semaphore(%run_scoped3A : memref<!tpu.dma_semaphore, #tpu.memory_space<semaphore_mem>>) src(%arg5 : memref<632x128xf32, #tpu.memory_space<hbm>>) dst(%dma_wait3A_196 : memref<632x128xf32, #tpu.memory_space<vmem_shared>>)
      tpu.yield
    }) : () -> ()
    %barrier3A = arith.constant 0 : index
    tpu.barrier barrier_id(%barrier3A)
    "tpu.region"() ({
      %run_scoped3A = tpu.sem_alloc : memref<!tpu.dma_semaphore, #tpu.memory_space<semaphore_mem>>
      %dma_start3A_193 = arith.constant 0 : i32
      %dma_start3A_194 = tpu.memref_slice %arg3[%add3A, %dma_start3A_193] : memref<32x10240xi32, #tpu.memory_space<hbm>> -> memref<1x5120xi32, #tpu.memory_space<hbm>>
      %dma_start3A_195 = tpu.memref_squeeze %dma_start3A_194 : memref<1x5120xi32, #tpu.memory_space<hbm>> -> memref<5120xi32, #tpu.memory_space<hbm>>
      %dma_start3A_196 = arith.constant 0 : i32
      %dma_start3A_197 = tpu.memref_slice %arg3[%add3A, %dma_start3A_196] : memref<32x10240xi32, #tpu.memory_space<hbm>> -> memref<1x5120xi32, #tpu.memory_space<hbm>>
      %dma_start3A_198 = tpu.memref_squeeze %dma_start3A_197 : memref<1x5120xi32, #tpu.memory_space<hbm>> -> memref<5120xi32, #tpu.memory_space<hbm>>
      tpu.enqueue_dma source(%dma_start3A_198 : memref<5120xi32, #tpu.memory_space<hbm>>) target(%arg7 : memref<5120xi32, #tpu.memory_space<vmem>>) target_semaphore(%run_scoped3A : memref<!tpu.dma_semaphore, #tpu.memory_space<semaphore_mem>>)
      %dma_wait3A_199 = arith.constant 0 : i32
      %dma_wait3A_200 = tpu.memref_slice %arg3[%add3A, %dma_wait3A_199] : memref<32x10240xi32, #tpu.memory_space<hbm>> -> memref<1x5120xi32, #tpu.memory_space<hbm>>
      %dma_wait3A_201 = tpu.memref_squeeze %dma_wait3A_200 : memref<1x5120xi32, #tpu.memory_space<hbm>> -> memref<5120xi32, #tpu.memory_space<hbm>>
      %dma_wait3A_202 = arith.constant 0 : i32
      %dma_wait3A_203 = tpu.memref_slice %arg3[%add3A, %dma_wait3A_202] : memref<32x10240xi32, #tpu.memory_space<hbm>> -> memref<1x5120xi32, #tpu.memory_space<hbm>>
      %dma_wait3A_204 = tpu.memref_squeeze %dma_wait3A_203 : memref<1x5120xi32, #tpu.memory_space<hbm>> -> memref<5120xi32, #tpu.memory_space<hbm>>
      tpu.wait_dma2 semaphore(%run_scoped3A : memref<!tpu.dma_semaphore, #tpu.memory_space<semaphore_mem>>) src(%dma_wait3A_204 : memref<5120xi32, #tpu.memory_space<hbm>>) dst(%arg7 : memref<5120xi32, #tpu.memory_space<vmem>>)
      tpu.yield
    }) : () -> ()
    "tpu.region"() ({
      %run_scoped3A = tpu.sem_alloc : memref<!tpu.dma_semaphore, #tpu.memory_space<semaphore_mem>>
      %dma_start3A_193 = arith.constant 0 : i32
      %dma_start3A_194 = arith.constant 0 : i32
      %dma_start3A_195 = tpu.memref_slice %arg4[%add3A, %dma_start3A_193, %dma_start3A_194] : memref<32x160x64xi32, #tpu.memory_space<hbm>> -> memref<1x80x64xi32, #tpu.memory_space<hbm>>
      %dma_start3A_196 = tpu.memref_squeeze %dma_start3A_195 : memref<1x80x64xi32, #tpu.memory_space<hbm>> -> memref<80x64xi32, #tpu.memory_space<hbm>>
      %dma_start3A_197 = arith.constant 0 : i32
      %dma_start3A_198 = arith.constant 0 : i32
      %dma_start3A_199 = tpu.memref_slice %arg4[%add3A, %dma_start3A_197, %dma_start3A_198] : memref<32x160x64xi32, #tpu.memory_space<hbm>> -> memref<1x80x64xi32, #tpu.memory_space<hbm>>
      %dma_start3A_200 = tpu.memref_squeeze %dma_start3A_199 : memref<1x80x64xi32, #tpu.memory_space<hbm>> -> memref<80x64xi32, #tpu.memory_space<hbm>>
      tpu.enqueue_dma source(%dma_start3A_200 : memref<80x64xi32, #tpu.memory_space<hbm>>) target(%arg8 : memref<80x64xi32, #tpu.memory_space<vmem>>) target_semaphore(%run_scoped3A : memref<!tpu.dma_semaphore, #tpu.memory_space<semaphore_mem>>)
      %dma_wait3A_201 = arith.constant 0 : i32
      %dma_wait3A_202 = arith.constant 0 : i32
      %dma_wait3A_203 = tpu.memref_slice %arg4[%add3A, %dma_wait3A_201, %dma_wait3A_202] : memref<32x160x64xi32, #tpu.memory_space<hbm>> -> memref<1x80x64xi32, #tpu.memory_space<hbm>>
      %dma_wait3A_204 = tpu.memref_squeeze %dma_wait3A_203 : memref<1x80x64xi32, #tpu.memory_space<hbm>> -> memref<80x64xi32, #tpu.memory_space<hbm>>
      %dma_wait3A_205 = arith.constant 0 : i32
      %dma_wait3A_206 = arith.constant 0 : i32
      %dma_wait3A_207 = tpu.memref_slice %arg4[%add3A, %dma_wait3A_205, %dma_wait3A_206] : memref<32x160x64xi32, #tpu.memory_space<hbm>> -> memref<1x80x64xi32, #tpu.memory_space<hbm>>
      %dma_wait3A_208 = tpu.memref_squeeze %dma_wait3A_207 : memref<1x80x64xi32, #tpu.memory_space<hbm>> -> memref<80x64xi32, #tpu.memory_space<hbm>>
      tpu.wait_dma2 semaphore(%run_scoped3A : memref<!tpu.dma_semaphore, #tpu.memory_space<semaphore_mem>>) src(%dma_wait3A_208 : memref<80x64xi32, #tpu.memory_space<hbm>>) dst(%arg8 : memref<80x64xi32, #tpu.memory_space<vmem>>)
      tpu.yield
    }) : () -> ()
    %dma_start3A = arith.constant 0 : i32
    %dma_start3A_3 = arith.constant 0 : i32
    %dma_start3A_4 = arith.constant 0 : i32
    %dma_start3A_5 = tpu.memref_slice %arg9[%dma_start3A, %dma_start3A_3, %dma_start3A_4] : memref<4x64x128xf32, #tpu.memory_space<vmem>> -> memref<1x64x128xf32, #tpu.memory_space<vmem>>
    %dma_start3A_6 = tpu.memref_squeeze %dma_start3A_5 : memref<1x64x128xf32, #tpu.memory_space<vmem>> -> memref<64x128xf32, #tpu.memory_space<vmem>>
    %dma_start3A_7 = arith.constant 0 : i32
    %dma_start3A_8 = tpu.memref_slice %arg7[%dma_start3A_7] : memref<5120xi32, #tpu.memory_space<vmem>> -> memref<64xi32, #tpu.memory_space<vmem>>
    %dma_start3A_9 = arith.constant 0 : i32
    %dma_start3A_10 = arith.constant 0 : i32
    %dma_start3A_11 = tpu.memref_slice %arg2[%dma_start3A_9, %dma_start3A_10] : memref<10000x128xf32, #tpu.memory_space<hbm>> -> memref<10000x128xf32, #tpu.memory_space<hbm>>
    tpu.enqueue_indirect_dma source(%dma_start3A_11 : memref<10000x128xf32, #tpu.memory_space<hbm>>) target(%dma_start3A_6 : memref<64x128xf32, #tpu.memory_space<vmem>>) offsets(%dma_start3A_8 : memref<64xi32, #tpu.memory_space<vmem>>) semaphore(%arg11 : memref<!tpu.dma_semaphore, #tpu.memory_space<semaphore_mem>>)
    %dma_start3A_12 = arith.constant 1 : i32
    %dma_start3A_13 = arith.constant 0 : i32
    %dma_start3A_14 = arith.constant 0 : i32
    %dma_start3A_15 = tpu.memref_slice %arg9[%dma_start3A_12, %dma_start3A_13, %dma_start3A_14] : memref<4x64x128xf32, #tpu.memory_space<vmem>> -> memref<1x64x128xf32, #tpu.memory_space<vmem>>
    %dma_start3A_16 = tpu.memref_squeeze %dma_start3A_15 : memref<1x64x128xf32, #tpu.memory_space<vmem>> -> memref<64x128xf32, #tpu.memory_space<vmem>>
    %dma_start3A_17 = arith.constant 64 : i32
    %dma_start3A_18 = tpu.memref_slice %arg7[%dma_start3A_17] : memref<5120xi32, #tpu.memory_space<vmem>> -> memref<64xi32, #tpu.memory_space<vmem>>
    %dma_start3A_19 = arith.constant 0 : i32
    %dma_start3A_20 = arith.constant 0 : i32
    %dma_start3A_21 = tpu.memref_slice %arg2[%dma_start3A_19, %dma_start3A_20] : memref<10000x128xf32, #tpu.memory_space<hbm>> -> memref<10000x128xf32, #tpu.memory_space<hbm>>
    tpu.enqueue_indirect_dma source(%dma_start3A_21 : memref<10000x128xf32, #tpu.memory_space<hbm>>) target(%dma_start3A_16 : memref<64x128xf32, #tpu.memory_space<vmem>>) offsets(%dma_start3A_18 : memref<64xi32, #tpu.memory_space<vmem>>) semaphore(%arg12 : memref<!tpu.dma_semaphore, #tpu.memory_space<semaphore_mem>>)
    %dma_start3A_22 = arith.constant 2 : i32
    %dma_start3A_23 = arith.constant 0 : i32
    %dma_start3A_24 = arith.constant 0 : i32
    %dma_start3A_25 = tpu.memref_slice %arg9[%dma_start3A_22, %dma_start3A_23, %dma_start3A_24] : memref<4x64x128xf32, #tpu.memory_space<vmem>> -> memref<1x64x128xf32, #tpu.memory_space<vmem>>
    %dma_start3A_26 = tpu.memref_squeeze %dma_start3A_25 : memref<1x64x128xf32, #tpu.memory_space<vmem>> -> memref<64x128xf32, #tpu.memory_space<vmem>>
    %dma_start3A_27 = arith.constant 128 : i32
    %dma_start3A_28 = tpu.memref_slice %arg7[%dma_start3A_27] : memref<5120xi32, #tpu.memory_space<vmem>> -> memref<64xi32, #tpu.memory_space<vmem>>
    %dma_start3A_29 = arith.constant 0 : i32
    %dma_start3A_30 = arith.constant 0 : i32
    %dma_start3A_31 = tpu.memref_slice %arg2[%dma_start3A_29, %dma_start3A_30] : memref<10000x128xf32, #tpu.memory_space<hbm>> -> memref<10000x128xf32, #tpu.memory_space<hbm>>
    tpu.enqueue_indirect_dma source(%dma_start3A_31 : memref<10000x128xf32, #tpu.memory_space<hbm>>) target(%dma_start3A_26 : memref<64x128xf32, #tpu.memory_space<vmem>>) offsets(%dma_start3A_28 : memref<64xi32, #tpu.memory_space<vmem>>) semaphore(%arg13 : memref<!tpu.dma_semaphore, #tpu.memory_space<semaphore_mem>>)
    %dma_start3A_32 = arith.constant 3 : i32
    %dma_start3A_33 = arith.constant 0 : i32
    %dma_start3A_34 = arith.constant 0 : i32
    %dma_start3A_35 = tpu.memref_slice %arg9[%dma_start3A_32, %dma_start3A_33, %dma_start3A_34] : memref<4x64x128xf32, #tpu.memory_space<vmem>> -> memref<1x64x128xf32, #tpu.memory_space<vmem>>
    %dma_start3A_36 = tpu.memref_squeeze %dma_start3A_35 : memref<1x64x128xf32, #tpu.memory_space<vmem>> -> memref<64x128xf32, #tpu.memory_space<vmem>>
    %dma_start3A_37 = arith.constant 192 : i32
    %dma_start3A_38 = tpu.memref_slice %arg7[%dma_start3A_37] : memref<5120xi32, #tpu.memory_space<vmem>> -> memref<64xi32, #tpu.memory_space<vmem>>
    %dma_start3A_39 = arith.constant 0 : i32
    %dma_start3A_40 = arith.constant 0 : i32
    %dma_start3A_41 = tpu.memref_slice %arg2[%dma_start3A_39, %dma_start3A_40] : memref<10000x128xf32, #tpu.memory_space<hbm>> -> memref<10000x128xf32, #tpu.memory_space<hbm>>
    tpu.enqueue_indirect_dma source(%dma_start3A_41 : memref<10000x128xf32, #tpu.memory_space<hbm>>) target(%dma_start3A_36 : memref<64x128xf32, #tpu.memory_space<vmem>>) offsets(%dma_start3A_38 : memref<64xi32, #tpu.memory_space<vmem>>) semaphore(%arg14 : memref<!tpu.dma_semaphore, #tpu.memory_space<semaphore_mem>>)
    %scan3A = arith.constant 0 : i32
    %scan3A_42 = arith.constant 0 : i32
    %scan3A_43 = arith.constant 20 : i32
    %scan3A_44 = arith.addi %scan3A_42, %scan3A_43 : i32
    %scan3A_45 = arith.constant 1 : i32
    scf.for %scan3A_193 = %scan3A_42 to %scan3A_44 step %scan3A_45  : i32 {
      %mul3A_194 = arith.constant 4 : i32
      %mul3A_195 = arith.muli %scan3A_193, %mul3A_194 : i32
      %add3A_196 = arith.constant 0 : i32
      %add3A_197 = arith.addi %mul3A_195, %add3A_196 : i32
      %dma_wait3A_198 = arith.constant 0 : i32
      %dma_wait3A_199 = arith.constant 0 : i32
      %dma_wait3A_200 = arith.constant 0 : i32
      %dma_wait3A_201 = tpu.memref_slice %arg9[%dma_wait3A_198, %dma_wait3A_199, %dma_wait3A_200] : memref<4x64x128xf32, #tpu.memory_space<vmem>> -> memref<1x64x128xf32, #tpu.memory_space<vmem>>
      %dma_wait3A_202 = tpu.memref_squeeze %dma_wait3A_201 : memref<1x64x128xf32, #tpu.memory_space<vmem>> -> memref<64x128xf32, #tpu.memory_space<vmem>>
      %dma_wait3A_203 = arith.constant 0 : i32
      %dma_wait3A_204 = tpu.memref_slice %arg7[%dma_wait3A_203] : memref<5120xi32, #tpu.memory_space<vmem>> -> memref<64xi32, #tpu.memory_space<vmem>>
      %dma_wait3A_205 = arith.constant 0 : i32
      %dma_wait3A_206 = arith.constant 0 : i32
      %dma_wait3A_207 = tpu.memref_slice %arg2[%dma_wait3A_205, %dma_wait3A_206] : memref<10000x128xf32, #tpu.memory_space<hbm>> -> memref<10000x128xf32, #tpu.memory_space<hbm>>
      tpu.wait_indirect_dma semaphore(%arg11 : memref<!tpu.dma_semaphore, #tpu.memory_space<semaphore_mem>>) src(%dma_wait3A_207 : memref<10000x128xf32, #tpu.memory_space<hbm>>) dst(%dma_wait3A_202 : memref<64x128xf32, #tpu.memory_space<vmem>>)
      %dma_start3A_208 = arith.constant 0 : i32
      %dma_start3A_209 = arith.constant 0 : i32
      %dma_start3A_210 = arith.constant 0 : i32
      %dma_start3A_211 = tpu.memref_slice %arg9[%dma_start3A_208, %dma_start3A_209, %dma_start3A_210] : memref<4x64x128xf32, #tpu.memory_space<vmem>> -> memref<1x64x128xf32, #tpu.memory_space<vmem>>
      %dma_start3A_212 = tpu.memref_squeeze %dma_start3A_211 : memref<1x64x128xf32, #tpu.memory_space<vmem>> -> memref<64x128xf32, #tpu.memory_space<vmem>>
      %dma_start3A_213 = arith.constant 0 : i32
      %dma_start3A_214 = tpu.memref_slice %arg8[%add3A_197, %dma_start3A_213] : memref<80x64xi32, #tpu.memory_space<vmem>> -> memref<1x64xi32, #tpu.memory_space<vmem>>
      %dma_start3A_215 = tpu.memref_squeeze %dma_start3A_214 : memref<1x64xi32, #tpu.memory_space<vmem>> -> memref<64xi32, #tpu.memory_space<vmem>>
      %dma_start3A_216 = arith.constant 0 : i32
      %dma_start3A_217 = arith.constant 0 : i32
      %dma_start3A_218 = tpu.memref_slice %arg10[%dma_start3A_216, %dma_start3A_217] : memref<10112x128xf32, #tpu.memory_space<vmem_shared>> -> memref<10112x128xf32, #tpu.memory_space<vmem_shared>>
      tpu.enqueue_indirect_dma source(%dma_start3A_212 : memref<64x128xf32, #tpu.memory_space<vmem>>) target(%dma_start3A_218 : memref<10112x128xf32, #tpu.memory_space<vmem_shared>>) offsets(%dma_start3A_215 : memref<64xi32, #tpu.memory_space<vmem>>) semaphore(%arg15 : memref<!tpu.dma_semaphore, #tpu.memory_space<semaphore_mem>>) {add = true}
      %add3A_219 = arith.constant 4 : i32
      %add3A_220 = arith.addi %add3A_197, %add3A_219 : i32
      %lt3A = arith.constant 80 : i32
      %lt3A_221 = arith.cmpi slt, %add3A_220, %lt3A : i32
      %convert_element_type3A = arith.extui %lt3A_221 : i1 to i32
      %cond3A = arith.constant 0 : i32
      %cond3A_222 = arith.cmpi ne, %convert_element_type3A, %cond3A : i32
      scf.if %cond3A_222 {
        %dma_wait3A_319 = arith.constant 0 : i32
        %dma_wait3A_320 = arith.constant 0 : i32
        %dma_wait3A_321 = arith.constant 0 : i32
        %dma_wait3A_322 = arith.constant 0 : i32
        %dma_wait3A_323 = tpu.memref_slice %arg9[%dma_wait3A_319, %dma_wait3A_321, %dma_wait3A_322] : memref<4x64x128xf32, #tpu.memory_space<vmem>> -> memref<1x64x128xf32, #tpu.memory_space<vmem>>
        %dma_wait3A_324 = tpu.memref_squeeze %dma_wait3A_323 : memref<1x64x128xf32, #tpu.memory_space<vmem>> -> memref<64x128xf32, #tpu.memory_space<vmem>>
        %dma_wait3A_325 = arith.constant 0 : i32
        %dma_wait3A_326 = tpu.memref_slice %arg8[%dma_wait3A_320, %dma_wait3A_325] : memref<80x64xi32, #tpu.memory_space<vmem>> -> memref<1x64xi32, #tpu.memory_space<vmem>>
        %dma_wait3A_327 = tpu.memref_squeeze %dma_wait3A_326 : memref<1x64xi32, #tpu.memory_space<vmem>> -> memref<64xi32, #tpu.memory_space<vmem>>
        %dma_wait3A_328 = arith.constant 0 : i32
        %dma_wait3A_329 = arith.constant 0 : i32
        %dma_wait3A_330 = tpu.memref_slice %arg10[%dma_wait3A_328, %dma_wait3A_329] : memref<10112x128xf32, #tpu.memory_space<vmem_shared>> -> memref<10112x128xf32, #tpu.memory_space<vmem_shared>>
        tpu.wait_indirect_dma semaphore(%arg15 : memref<!tpu.dma_semaphore, #tpu.memory_space<semaphore_mem>>) src(%dma_wait3A_324 : memref<64x128xf32, #tpu.memory_space<vmem>>) dst(%dma_wait3A_330 : memref<10112x128xf32, #tpu.memory_space<vmem_shared>>)
        %add3A_331 = arith.constant 4 : i32
        %add3A_332 = arith.addi %add3A_197, %add3A_331 : i32
        %mul3A_333 = arith.constant 64 : i32
        %mul3A_334 = arith.muli %add3A_332, %mul3A_333 : i32
        %dma_start3A_335 = arith.constant 0 : i32
        %dma_start3A_336 = arith.constant 0 : i32
        %dma_start3A_337 = arith.constant 0 : i32
        %dma_start3A_338 = tpu.memref_slice %arg9[%dma_start3A_335, %dma_start3A_336, %dma_start3A_337] : memref<4x64x128xf32, #tpu.memory_space<vmem>> -> memref<1x64x128xf32, #tpu.memory_space<vmem>>
        %dma_start3A_339 = tpu.memref_squeeze %dma_start3A_338 : memref<1x64x128xf32, #tpu.memory_space<vmem>> -> memref<64x128xf32, #tpu.memory_space<vmem>>
        %dma_start3A_340 = tpu.memref_slice %arg7[%mul3A_334] : memref<5120xi32, #tpu.memory_space<vmem>> -> memref<64xi32, #tpu.memory_space<vmem>>
        %dma_start3A_341 = arith.constant 0 : i32
        %dma_start3A_342 = arith.constant 0 : i32
        %dma_start3A_343 = tpu.memref_slice %arg2[%dma_start3A_341, %dma_start3A_342] : memref<10000x128xf32, #tpu.memory_space<hbm>> -> memref<10000x128xf32, #tpu.memory_space<hbm>>
        tpu.enqueue_indirect_dma source(%dma_start3A_343 : memref<10000x128xf32, #tpu.memory_space<hbm>>) target(%dma_start3A_339 : memref<64x128xf32, #tpu.memory_space<vmem>>) offsets(%dma_start3A_340 : memref<64xi32, #tpu.memory_space<vmem>>) semaphore(%arg11 : memref<!tpu.dma_semaphore, #tpu.memory_space<semaphore_mem>>)
      } else {
      }
      %mul3A_223 = arith.constant 4 : i32
      %mul3A_224 = arith.muli %scan3A_193, %mul3A_223 : i32
      %add3A_225 = arith.constant 1 : i32
      %add3A_226 = arith.addi %mul3A_224, %add3A_225 : i32
      %dma_wait3A_227 = arith.constant 1 : i32
      %dma_wait3A_228 = arith.constant 0 : i32
      %dma_wait3A_229 = arith.constant 0 : i32
      %dma_wait3A_230 = tpu.memref_slice %arg9[%dma_wait3A_227, %dma_wait3A_228, %dma_wait3A_229] : memref<4x64x128xf32, #tpu.memory_space<vmem>> -> memref<1x64x128xf32, #tpu.memory_space<vmem>>
      %dma_wait3A_231 = tpu.memref_squeeze %dma_wait3A_230 : memref<1x64x128xf32, #tpu.memory_space<vmem>> -> memref<64x128xf32, #tpu.memory_space<vmem>>
      %dma_wait3A_232 = arith.constant 0 : i32
      %dma_wait3A_233 = tpu.memref_slice %arg7[%dma_wait3A_232] : memref<5120xi32, #tpu.memory_space<vmem>> -> memref<64xi32, #tpu.memory_space<vmem>>
      %dma_wait3A_234 = arith.constant 0 : i32
      %dma_wait3A_235 = arith.constant 0 : i32
      %dma_wait3A_236 = tpu.memref_slice %arg2[%dma_wait3A_234, %dma_wait3A_235] : memref<10000x128xf32, #tpu.memory_space<hbm>> -> memref<10000x128xf32, #tpu.memory_space<hbm>>
      tpu.wait_indirect_dma semaphore(%arg12 : memref<!tpu.dma_semaphore, #tpu.memory_space<semaphore_mem>>) src(%dma_wait3A_236 : memref<10000x128xf32, #tpu.memory_space<hbm>>) dst(%dma_wait3A_231 : memref<64x128xf32, #tpu.memory_space<vmem>>)
      %dma_start3A_237 = arith.constant 1 : i32
      %dma_start3A_238 = arith.constant 0 : i32
      %dma_start3A_239 = arith.constant 0 : i32
      %dma_start3A_240 = tpu.memref_slice %arg9[%dma_start3A_237, %dma_start3A_238, %dma_start3A_239] : memref<4x64x128xf32, #tpu.memory_space<vmem>> -> memref<1x64x128xf32, #tpu.memory_space<vmem>>
      %dma_start3A_241 = tpu.memref_squeeze %dma_start3A_240 : memref<1x64x128xf32, #tpu.memory_space<vmem>> -> memref<64x128xf32, #tpu.memory_space<vmem>>
      %dma_start3A_242 = arith.constant 0 : i32
      %dma_start3A_243 = tpu.memref_slice %arg8[%add3A_226, %dma_start3A_242] : memref<80x64xi32, #tpu.memory_space<vmem>> -> memref<1x64xi32, #tpu.memory_space<vmem>>
      %dma_start3A_244 = tpu.memref_squeeze %dma_start3A_243 : memref<1x64xi32, #tpu.memory_space<vmem>> -> memref<64xi32, #tpu.memory_space<vmem>>
      %dma_start3A_245 = arith.constant 0 : i32
      %dma_start3A_246 = arith.constant 0 : i32
      %dma_start3A_247 = tpu.memref_slice %arg10[%dma_start3A_245, %dma_start3A_246] : memref<10112x128xf32, #tpu.memory_space<vmem_shared>> -> memref<10112x128xf32, #tpu.memory_space<vmem_shared>>
      tpu.enqueue_indirect_dma source(%dma_start3A_241 : memref<64x128xf32, #tpu.memory_space<vmem>>) target(%dma_start3A_247 : memref<10112x128xf32, #tpu.memory_space<vmem_shared>>) offsets(%dma_start3A_244 : memref<64xi32, #tpu.memory_space<vmem>>) semaphore(%arg16 : memref<!tpu.dma_semaphore, #tpu.memory_space<semaphore_mem>>) {add = true}
      %add3A_248 = arith.constant 4 : i32
      %add3A_249 = arith.addi %add3A_226, %add3A_248 : i32
      %lt3A_250 = arith.constant 80 : i32
      %lt3A_251 = arith.cmpi slt, %add3A_249, %lt3A_250 : i32
      %convert_element_type3A_252 = arith.extui %lt3A_251 : i1 to i32
      %cond3A_253 = arith.constant 0 : i32
      %cond3A_254 = arith.cmpi ne, %convert_element_type3A_252, %cond3A_253 : i32
      scf.if %cond3A_254 {
        %dma_wait3A_319 = arith.constant 1 : i32
        %dma_wait3A_320 = arith.constant 0 : i32
        %dma_wait3A_321 = arith.constant 0 : i32
        %dma_wait3A_322 = arith.constant 0 : i32
        %dma_wait3A_323 = tpu.memref_slice %arg9[%dma_wait3A_319, %dma_wait3A_321, %dma_wait3A_322] : memref<4x64x128xf32, #tpu.memory_space<vmem>> -> memref<1x64x128xf32, #tpu.memory_space<vmem>>
        %dma_wait3A_324 = tpu.memref_squeeze %dma_wait3A_323 : memref<1x64x128xf32, #tpu.memory_space<vmem>> -> memref<64x128xf32, #tpu.memory_space<vmem>>
        %dma_wait3A_325 = arith.constant 0 : i32
        %dma_wait3A_326 = tpu.memref_slice %arg8[%dma_wait3A_320, %dma_wait3A_325] : memref<80x64xi32, #tpu.memory_space<vmem>> -> memref<1x64xi32, #tpu.memory_space<vmem>>
        %dma_wait3A_327 = tpu.memref_squeeze %dma_wait3A_326 : memref<1x64xi32, #tpu.memory_space<vmem>> -> memref<64xi32, #tpu.memory_space<vmem>>
        %dma_wait3A_328 = arith.constant 0 : i32
        %dma_wait3A_329 = arith.constant 0 : i32
        %dma_wait3A_330 = tpu.memref_slice %arg10[%dma_wait3A_328, %dma_wait3A_329] : memref<10112x128xf32, #tpu.memory_space<vmem_shared>> -> memref<10112x128xf32, #tpu.memory_space<vmem_shared>>
        tpu.wait_indirect_dma semaphore(%arg16 : memref<!tpu.dma_semaphore, #tpu.memory_space<semaphore_mem>>) src(%dma_wait3A_324 : memref<64x128xf32, #tpu.memory_space<vmem>>) dst(%dma_wait3A_330 : memref<10112x128xf32, #tpu.memory_space<vmem_shared>>)
        %add3A_331 = arith.constant 4 : i32
        %add3A_332 = arith.addi %add3A_226, %add3A_331 : i32
        %mul3A_333 = arith.constant 64 : i32
        %mul3A_334 = arith.muli %add3A_332, %mul3A_333 : i32
        %dma_start3A_335 = arith.constant 1 : i32
        %dma_start3A_336 = arith.constant 0 : i32
        %dma_start3A_337 = arith.constant 0 : i32
        %dma_start3A_338 = tpu.memref_slice %arg9[%dma_start3A_335, %dma_start3A_336, %dma_start3A_337] : memref<4x64x128xf32, #tpu.memory_space<vmem>> -> memref<1x64x128xf32, #tpu.memory_space<vmem>>
        %dma_start3A_339 = tpu.memref_squeeze %dma_start3A_338 : memref<1x64x128xf32, #tpu.memory_space<vmem>> -> memref<64x128xf32, #tpu.memory_space<vmem>>
        %dma_start3A_340 = tpu.memref_slice %arg7[%mul3A_334] : memref<5120xi32, #tpu.memory_space<vmem>> -> memref<64xi32, #tpu.memory_space<vmem>>
        %dma_start3A_341 = arith.constant 0 : i32
        %dma_start3A_342 = arith.constant 0 : i32
        %dma_start3A_343 = tpu.memref_slice %arg2[%dma_start3A_341, %dma_start3A_342] : memref<10000x128xf32, #tpu.memory_space<hbm>> -> memref<10000x128xf32, #tpu.memory_space<hbm>>
        tpu.enqueue_indirect_dma source(%dma_start3A_343 : memref<10000x128xf32, #tpu.memory_space<hbm>>) target(%dma_start3A_339 : memref<64x128xf32, #tpu.memory_space<vmem>>) offsets(%dma_start3A_340 : memref<64xi32, #tpu.memory_space<vmem>>) semaphore(%arg12 : memref<!tpu.dma_semaphore, #tpu.memory_space<semaphore_mem>>)
      } else {
      }
      %mul3A_255 = arith.constant 4 : i32
      %mul3A_256 = arith.muli %scan3A_193, %mul3A_255 : i32
      %add3A_257 = arith.constant 2 : i32
      %add3A_258 = arith.addi %mul3A_256, %add3A_257 : i32
      %dma_wait3A_259 = arith.constant 2 : i32
      %dma_wait3A_260 = arith.constant 0 : i32
      %dma_wait3A_261 = arith.constant 0 : i32
      %dma_wait3A_262 = tpu.memref_slice %arg9[%dma_wait3A_259, %dma_wait3A_260, %dma_wait3A_261] : memref<4x64x128xf32, #tpu.memory_space<vmem>> -> memref<1x64x128xf32, #tpu.memory_space<vmem>>
      %dma_wait3A_263 = tpu.memref_squeeze %dma_wait3A_262 : memref<1x64x128xf32, #tpu.memory_space<vmem>> -> memref<64x128xf32, #tpu.memory_space<vmem>>
      %dma_wait3A_264 = arith.constant 0 : i32
      %dma_wait3A_265 = tpu.memref_slice %arg7[%dma_wait3A_264] : memref<5120xi32, #tpu.memory_space<vmem>> -> memref<64xi32, #tpu.memory_space<vmem>>
      %dma_wait3A_266 = arith.constant 0 : i32
      %dma_wait3A_267 = arith.constant 0 : i32
      %dma_wait3A_268 = tpu.memref_slice %arg2[%dma_wait3A_266, %dma_wait3A_267] : memref<10000x128xf32, #tpu.memory_space<hbm>> -> memref<10000x128xf32, #tpu.memory_space<hbm>>
      tpu.wait_indirect_dma semaphore(%arg13 : memref<!tpu.dma_semaphore, #tpu.memory_space<semaphore_mem>>) src(%dma_wait3A_268 : memref<10000x128xf32, #tpu.memory_space<hbm>>) dst(%dma_wait3A_263 : memref<64x128xf32, #tpu.memory_space<vmem>>)
      %dma_start3A_269 = arith.constant 2 : i32
      %dma_start3A_270 = arith.constant 0 : i32
      %dma_start3A_271 = arith.constant 0 : i32
      %dma_start3A_272 = tpu.memref_slice %arg9[%dma_start3A_269, %dma_start3A_270, %dma_start3A_271] : memref<4x64x128xf32, #tpu.memory_space<vmem>> -> memref<1x64x128xf32, #tpu.memory_space<vmem>>
      %dma_start3A_273 = tpu.memref_squeeze %dma_start3A_272 : memref<1x64x128xf32, #tpu.memory_space<vmem>> -> memref<64x128xf32, #tpu.memory_space<vmem>>
      %dma_start3A_274 = arith.constant 0 : i32
      %dma_start3A_275 = tpu.memref_slice %arg8[%add3A_258, %dma_start3A_274] : memref<80x64xi32, #tpu.memory_space<vmem>> -> memref<1x64xi32, #tpu.memory_space<vmem>>
      %dma_start3A_276 = tpu.memref_squeeze %dma_start3A_275 : memref<1x64xi32, #tpu.memory_space<vmem>> -> memref<64xi32, #tpu.memory_space<vmem>>
      %dma_start3A_277 = arith.constant 0 : i32
      %dma_start3A_278 = arith.constant 0 : i32
      %dma_start3A_279 = tpu.memref_slice %arg10[%dma_start3A_277, %dma_start3A_278] : memref<10112x128xf32, #tpu.memory_space<vmem_shared>> -> memref<10112x128xf32, #tpu.memory_space<vmem_shared>>
      tpu.enqueue_indirect_dma source(%dma_start3A_273 : memref<64x128xf32, #tpu.memory_space<vmem>>) target(%dma_start3A_279 : memref<10112x128xf32, #tpu.memory_space<vmem_shared>>) offsets(%dma_start3A_276 : memref<64xi32, #tpu.memory_space<vmem>>) semaphore(%arg17 : memref<!tpu.dma_semaphore, #tpu.memory_space<semaphore_mem>>) {add = true}
      %add3A_280 = arith.constant 4 : i32
      %add3A_281 = arith.addi %add3A_258, %add3A_280 : i32
      %lt3A_282 = arith.constant 80 : i32
      %lt3A_283 = arith.cmpi slt, %add3A_281, %lt3A_282 : i32
      %convert_element_type3A_284 = arith.extui %lt3A_283 : i1 to i32
      %cond3A_285 = arith.constant 0 : i32
      %cond3A_286 = arith.cmpi ne, %convert_element_type3A_284, %cond3A_285 : i32
      scf.if %cond3A_286 {
        %dma_wait3A_319 = arith.constant 2 : i32
        %dma_wait3A_320 = arith.constant 0 : i32
        %dma_wait3A_321 = arith.constant 0 : i32
        %dma_wait3A_322 = arith.constant 0 : i32
        %dma_wait3A_323 = tpu.memref_slice %arg9[%dma_wait3A_319, %dma_wait3A_321, %dma_wait3A_322] : memref<4x64x128xf32, #tpu.memory_space<vmem>> -> memref<1x64x128xf32, #tpu.memory_space<vmem>>
        %dma_wait3A_324 = tpu.memref_squeeze %dma_wait3A_323 : memref<1x64x128xf32, #tpu.memory_space<vmem>> -> memref<64x128xf32, #tpu.memory_space<vmem>>
        %dma_wait3A_325 = arith.constant 0 : i32
        %dma_wait3A_326 = tpu.memref_slice %arg8[%dma_wait3A_320, %dma_wait3A_325] : memref<80x64xi32, #tpu.memory_space<vmem>> -> memref<1x64xi32, #tpu.memory_space<vmem>>
        %dma_wait3A_327 = tpu.memref_squeeze %dma_wait3A_326 : memref<1x64xi32, #tpu.memory_space<vmem>> -> memref<64xi32, #tpu.memory_space<vmem>>
        %dma_wait3A_328 = arith.constant 0 : i32
        %dma_wait3A_329 = arith.constant 0 : i32
        %dma_wait3A_330 = tpu.memref_slice %arg10[%dma_wait3A_328, %dma_wait3A_329] : memref<10112x128xf32, #tpu.memory_space<vmem_shared>> -> memref<10112x128xf32, #tpu.memory_space<vmem_shared>>
        tpu.wait_indirect_dma semaphore(%arg17 : memref<!tpu.dma_semaphore, #tpu.memory_space<semaphore_mem>>) src(%dma_wait3A_324 : memref<64x128xf32, #tpu.memory_space<vmem>>) dst(%dma_wait3A_330 : memref<10112x128xf32, #tpu.memory_space<vmem_shared>>)
        %add3A_331 = arith.constant 4 : i32
        %add3A_332 = arith.addi %add3A_258, %add3A_331 : i32
        %mul3A_333 = arith.constant 64 : i32
        %mul3A_334 = arith.muli %add3A_332, %mul3A_333 : i32
        %dma_start3A_335 = arith.constant 2 : i32
        %dma_start3A_336 = arith.constant 0 : i32
        %dma_start3A_337 = arith.constant 0 : i32
        %dma_start3A_338 = tpu.memref_slice %arg9[%dma_start3A_335, %dma_start3A_336, %dma_start3A_337] : memref<4x64x128xf32, #tpu.memory_space<vmem>> -> memref<1x64x128xf32, #tpu.memory_space<vmem>>
        %dma_start3A_339 = tpu.memref_squeeze %dma_start3A_338 : memref<1x64x128xf32, #tpu.memory_space<vmem>> -> memref<64x128xf32, #tpu.memory_space<vmem>>
        %dma_start3A_340 = tpu.memref_slice %arg7[%mul3A_334] : memref<5120xi32, #tpu.memory_space<vmem>> -> memref<64xi32, #tpu.memory_space<vmem>>
        %dma_start3A_341 = arith.constant 0 : i32
        %dma_start3A_342 = arith.constant 0 : i32
        %dma_start3A_343 = tpu.memref_slice %arg2[%dma_start3A_341, %dma_start3A_342] : memref<10000x128xf32, #tpu.memory_space<hbm>> -> memref<10000x128xf32, #tpu.memory_space<hbm>>
        tpu.enqueue_indirect_dma source(%dma_start3A_343 : memref<10000x128xf32, #tpu.memory_space<hbm>>) target(%dma_start3A_339 : memref<64x128xf32, #tpu.memory_space<vmem>>) offsets(%dma_start3A_340 : memref<64xi32, #tpu.memory_space<vmem>>) semaphore(%arg13 : memref<!tpu.dma_semaphore, #tpu.memory_space<semaphore_mem>>)
      } else {
      }
      %mul3A_287 = arith.constant 4 : i32
      %mul3A_288 = arith.muli %scan3A_193, %mul3A_287 : i32
      %add3A_289 = arith.constant 3 : i32
      %add3A_290 = arith.addi %mul3A_288, %add3A_289 : i32
      %dma_wait3A_291 = arith.constant 3 : i32
      %dma_wait3A_292 = arith.constant 0 : i32
      %dma_wait3A_293 = arith.constant 0 : i32
      %dma_wait3A_294 = tpu.memref_slice %arg9[%dma_wait3A_291, %dma_wait3A_292, %dma_wait3A_293] : memref<4x64x128xf32, #tpu.memory_space<vmem>> -> memref<1x64x128xf32, #tpu.memory_space<vmem>>
      %dma_wait3A_295 = tpu.memref_squeeze %dma_wait3A_294 : memref<1x64x128xf32, #tpu.memory_space<vmem>> -> memref<64x128xf32, #tpu.memory_space<vmem>>
      %dma_wait3A_296 = arith.constant 0 : i32
      %dma_wait3A_297 = tpu.memref_slice %arg7[%dma_wait3A_296] : memref<5120xi32, #tpu.memory_space<vmem>> -> memref<64xi32, #tpu.memory_space<vmem>>
      %dma_wait3A_298 = arith.constant 0 : i32
      %dma_wait3A_299 = arith.constant 0 : i32
      %dma_wait3A_300 = tpu.memref_slice %arg2[%dma_wait3A_298, %dma_wait3A_299] : memref<10000x128xf32, #tpu.memory_space<hbm>> -> memref<10000x128xf32, #tpu.memory_space<hbm>>
      tpu.wait_indirect_dma semaphore(%arg14 : memref<!tpu.dma_semaphore, #tpu.memory_space<semaphore_mem>>) src(%dma_wait3A_300 : memref<10000x128xf32, #tpu.memory_space<hbm>>) dst(%dma_wait3A_295 : memref<64x128xf32, #tpu.memory_space<vmem>>)
      %dma_start3A_301 = arith.constant 3 : i32
      %dma_start3A_302 = arith.constant 0 : i32
      %dma_start3A_303 = arith.constant 0 : i32
      %dma_start3A_304 = tpu.memref_slice %arg9[%dma_start3A_301, %dma_start3A_302, %dma_start3A_303] : memref<4x64x128xf32, #tpu.memory_space<vmem>> -> memref<1x64x128xf32, #tpu.memory_space<vmem>>
      %dma_start3A_305 = tpu.memref_squeeze %dma_start3A_304 : memref<1x64x128xf32, #tpu.memory_space<vmem>> -> memref<64x128xf32, #tpu.memory_space<vmem>>
      %dma_start3A_306 = arith.constant 0 : i32
      %dma_start3A_307 = tpu.memref_slice %arg8[%add3A_290, %dma_start3A_306] : memref<80x64xi32, #tpu.memory_space<vmem>> -> memref<1x64xi32, #tpu.memory_space<vmem>>
      %dma_start3A_308 = tpu.memref_squeeze %dma_start3A_307 : memref<1x64xi32, #tpu.memory_space<vmem>> -> memref<64xi32, #tpu.memory_space<vmem>>
      %dma_start3A_309 = arith.constant 0 : i32
      %dma_start3A_310 = arith.constant 0 : i32
      %dma_start3A_311 = tpu.memref_slice %arg10[%dma_start3A_309, %dma_start3A_310] : memref<10112x128xf32, #tpu.memory_space<vmem_shared>> -> memref<10112x128xf32, #tpu.memory_space<vmem_shared>>
      tpu.enqueue_indirect_dma source(%dma_start3A_305 : memref<64x128xf32, #tpu.memory_space<vmem>>) target(%dma_start3A_311 : memref<10112x128xf32, #tpu.memory_space<vmem_shared>>) offsets(%dma_start3A_308 : memref<64xi32, #tpu.memory_space<vmem>>) semaphore(%arg18 : memref<!tpu.dma_semaphore, #tpu.memory_space<semaphore_mem>>) {add = true}
      %add3A_312 = arith.constant 4 : i32
      %add3A_313 = arith.addi %add3A_290, %add3A_312 : i32
      %lt3A_314 = arith.constant 80 : i32
      %lt3A_315 = arith.cmpi slt, %add3A_313, %lt3A_314 : i32
      %convert_element_type3A_316 = arith.extui %lt3A_315 : i1 to i32
      %cond3A_317 = arith.constant 0 : i32
      %cond3A_318 = arith.cmpi ne, %convert_element_type3A_316, %cond3A_317 : i32
      scf.if %cond3A_318 {
        %dma_wait3A_319 = arith.constant 3 : i32
        %dma_wait3A_320 = arith.constant 0 : i32
        %dma_wait3A_321 = arith.constant 0 : i32
        %dma_wait3A_322 = arith.constant 0 : i32
        %dma_wait3A_323 = tpu.memref_slice %arg9[%dma_wait3A_319, %dma_wait3A_321, %dma_wait3A_322] : memref<4x64x128xf32, #tpu.memory_space<vmem>> -> memref<1x64x128xf32, #tpu.memory_space<vmem>>
        %dma_wait3A_324 = tpu.memref_squeeze %dma_wait3A_323 : memref<1x64x128xf32, #tpu.memory_space<vmem>> -> memref<64x128xf32, #tpu.memory_space<vmem>>
        %dma_wait3A_325 = arith.constant 0 : i32
        %dma_wait3A_326 = tpu.memref_slice %arg8[%dma_wait3A_320, %dma_wait3A_325] : memref<80x64xi32, #tpu.memory_space<vmem>> -> memref<1x64xi32, #tpu.memory_space<vmem>>
        %dma_wait3A_327 = tpu.memref_squeeze %dma_wait3A_326 : memref<1x64xi32, #tpu.memory_space<vmem>> -> memref<64xi32, #tpu.memory_space<vmem>>
        %dma_wait3A_328 = arith.constant 0 : i32
        %dma_wait3A_329 = arith.constant 0 : i32
        %dma_wait3A_330 = tpu.memref_slice %arg10[%dma_wait3A_328, %dma_wait3A_329] : memref<10112x128xf32, #tpu.memory_space<vmem_shared>> -> memref<10112x128xf32, #tpu.memory_space<vmem_shared>>
        tpu.wait_indirect_dma semaphore(%arg18 : memref<!tpu.dma_semaphore, #tpu.memory_space<semaphore_mem>>) src(%dma_wait3A_324 : memref<64x128xf32, #tpu.memory_space<vmem>>) dst(%dma_wait3A_330 : memref<10112x128xf32, #tpu.memory_space<vmem_shared>>)
        %add3A_331 = arith.constant 4 : i32
        %add3A_332 = arith.addi %add3A_290, %add3A_331 : i32
        %mul3A_333 = arith.constant 64 : i32
        %mul3A_334 = arith.muli %add3A_332, %mul3A_333 : i32
        %dma_start3A_335 = arith.constant 3 : i32
        %dma_start3A_336 = arith.constant 0 : i32
        %dma_start3A_337 = arith.constant 0 : i32
        %dma_start3A_338 = tpu.memref_slice %arg9[%dma_start3A_335, %dma_start3A_336, %dma_start3A_337] : memref<4x64x128xf32, #tpu.memory_space<vmem>> -> memref<1x64x128xf32, #tpu.memory_space<vmem>>
        %dma_start3A_339 = tpu.memref_squeeze %dma_start3A_338 : memref<1x64x128xf32, #tpu.memory_space<vmem>> -> memref<64x128xf32, #tpu.memory_space<vmem>>
        %dma_start3A_340 = tpu.memref_slice %arg7[%mul3A_334] : memref<5120xi32, #tpu.memory_space<vmem>> -> memref<64xi32, #tpu.memory_space<vmem>>
        %dma_start3A_341 = arith.constant 0 : i32
        %dma_start3A_342 = arith.constant 0 : i32
        %dma_start3A_343 = tpu.memref_slice %arg2[%dma_start3A_341, %dma_start3A_342] : memref<10000x128xf32, #tpu.memory_space<hbm>> -> memref<10000x128xf32, #tpu.memory_space<hbm>>
        tpu.enqueue_indirect_dma source(%dma_start3A_343 : memref<10000x128xf32, #tpu.memory_space<hbm>>) target(%dma_start3A_339 : memref<64x128xf32, #tpu.memory_space<vmem>>) offsets(%dma_start3A_340 : memref<64xi32, #tpu.memory_space<vmem>>) semaphore(%arg14 : memref<!tpu.dma_semaphore, #tpu.memory_space<semaphore_mem>>)
      } else {
      }
    }
    %scan3A_46 = arith.constant 20 : i32
    %dma_wait3A = arith.constant 0 : i32
    %dma_wait3A_47 = arith.constant 0 : i32
    %dma_wait3A_48 = arith.constant 0 : i32
    %dma_wait3A_49 = arith.constant 0 : i32
    %dma_wait3A_50 = tpu.memref_slice %arg9[%dma_wait3A, %dma_wait3A_48, %dma_wait3A_49] : memref<4x64x128xf32, #tpu.memory_space<vmem>> -> memref<1x64x128xf32, #tpu.memory_space<vmem>>
    %dma_wait3A_51 = tpu.memref_squeeze %dma_wait3A_50 : memref<1x64x128xf32, #tpu.memory_space<vmem>> -> memref<64x128xf32, #tpu.memory_space<vmem>>
    %dma_wait3A_52 = arith.constant 0 : i32
    %dma_wait3A_53 = tpu.memref_slice %arg8[%dma_wait3A_47, %dma_wait3A_52] : memref<80x64xi32, #tpu.memory_space<vmem>> -> memref<1x64xi32, #tpu.memory_space<vmem>>
    %dma_wait3A_54 = tpu.memref_squeeze %dma_wait3A_53 : memref<1x64xi32, #tpu.memory_space<vmem>> -> memref<64xi32, #tpu.memory_space<vmem>>
    %dma_wait3A_55 = arith.constant 0 : i32
    %dma_wait3A_56 = arith.constant 0 : i32
    %dma_wait3A_57 = tpu.memref_slice %arg10[%dma_wait3A_55, %dma_wait3A_56] : memref<10112x128xf32, #tpu.memory_space<vmem_shared>> -> memref<10112x128xf32, #tpu.memory_space<vmem_shared>>
    tpu.wait_indirect_dma semaphore(%arg15 : memref<!tpu.dma_semaphore, #tpu.memory_space<semaphore_mem>>) src(%dma_wait3A_51 : memref<64x128xf32, #tpu.memory_space<vmem>>) dst(%dma_wait3A_57 : memref<10112x128xf32, #tpu.memory_space<vmem_shared>>)
    %dma_wait3A_58 = arith.constant 1 : i32
    %dma_wait3A_59 = arith.constant 0 : i32
    %dma_wait3A_60 = arith.constant 0 : i32
    %dma_wait3A_61 = arith.constant 0 : i32
    %dma_wait3A_62 = tpu.memref_slice %arg9[%dma_wait3A_58, %dma_wait3A_60, %dma_wait3A_61] : memref<4x64x128xf32, #tpu.memory_space<vmem>> -> memref<1x64x128xf32, #tpu.memory_space<vmem>>
    %dma_wait3A_63 = tpu.memref_squeeze %dma_wait3A_62 : memref<1x64x128xf32, #tpu.memory_space<vmem>> -> memref<64x128xf32, #tpu.memory_space<vmem>>
    %dma_wait3A_64 = arith.constant 0 : i32
    %dma_wait3A_65 = tpu.memref_slice %arg8[%dma_wait3A_59, %dma_wait3A_64] : memref<80x64xi32, #tpu.memory_space<vmem>> -> memref<1x64xi32, #tpu.memory_space<vmem>>
    %dma_wait3A_66 = tpu.memref_squeeze %dma_wait3A_65 : memref<1x64xi32, #tpu.memory_space<vmem>> -> memref<64xi32, #tpu.memory_space<vmem>>
    %dma_wait3A_67 = arith.constant 0 : i32
    %dma_wait3A_68 = arith.constant 0 : i32
    %dma_wait3A_69 = tpu.memref_slice %arg10[%dma_wait3A_67, %dma_wait3A_68] : memref<10112x128xf32, #tpu.memory_space<vmem_shared>> -> memref<10112x128xf32, #tpu.memory_space<vmem_shared>>
    tpu.wait_indirect_dma semaphore(%arg16 : memref<!tpu.dma_semaphore, #tpu.memory_space<semaphore_mem>>) src(%dma_wait3A_63 : memref<64x128xf32, #tpu.memory_space<vmem>>) dst(%dma_wait3A_69 : memref<10112x128xf32, #tpu.memory_space<vmem_shared>>)
    %dma_wait3A_70 = arith.constant 2 : i32
    %dma_wait3A_71 = arith.constant 0 : i32
    %dma_wait3A_72 = arith.constant 0 : i32
    %dma_wait3A_73 = arith.constant 0 : i32
    %dma_wait3A_74 = tpu.memref_slice %arg9[%dma_wait3A_70, %dma_wait3A_72, %dma_wait3A_73] : memref<4x64x128xf32, #tpu.memory_space<vmem>> -> memref<1x64x128xf32, #tpu.memory_space<vmem>>
    %dma_wait3A_75 = tpu.memref_squeeze %dma_wait3A_74 : memref<1x64x128xf32, #tpu.memory_space<vmem>> -> memref<64x128xf32, #tpu.memory_space<vmem>>
    %dma_wait3A_76 = arith.constant 0 : i32
    %dma_wait3A_77 = tpu.memref_slice %arg8[%dma_wait3A_71, %dma_wait3A_76] : memref<80x64xi32, #tpu.memory_space<vmem>> -> memref<1x64xi32, #tpu.memory_space<vmem>>
    %dma_wait3A_78 = tpu.memref_squeeze %dma_wait3A_77 : memref<1x64xi32, #tpu.memory_space<vmem>> -> memref<64xi32, #tpu.memory_space<vmem>>
    %dma_wait3A_79 = arith.constant 0 : i32
    %dma_wait3A_80 = arith.constant 0 : i32
    %dma_wait3A_81 = tpu.memref_slice %arg10[%dma_wait3A_79, %dma_wait3A_80] : memref<10112x128xf32, #tpu.memory_space<vmem_shared>> -> memref<10112x128xf32, #tpu.memory_space<vmem_shared>>
    tpu.wait_indirect_dma semaphore(%arg17 : memref<!tpu.dma_semaphore, #tpu.memory_space<semaphore_mem>>) src(%dma_wait3A_75 : memref<64x128xf32, #tpu.memory_space<vmem>>) dst(%dma_wait3A_81 : memref<10112x128xf32, #tpu.memory_space<vmem_shared>>)
    %dma_wait3A_82 = arith.constant 3 : i32
    %dma_wait3A_83 = arith.constant 0 : i32
    %dma_wait3A_84 = arith.constant 0 : i32
    %dma_wait3A_85 = arith.constant 0 : i32
    %dma_wait3A_86 = tpu.memref_slice %arg9[%dma_wait3A_82, %dma_wait3A_84, %dma_wait3A_85] : memref<4x64x128xf32, #tpu.memory_space<vmem>> -> memref<1x64x128xf32, #tpu.memory_space<vmem>>
    %dma_wait3A_87 = tpu.memref_squeeze %dma_wait3A_86 : memref<1x64x128xf32, #tpu.memory_space<vmem>> -> memref<64x128xf32, #tpu.memory_space<vmem>>
    %dma_wait3A_88 = arith.constant 0 : i32
    %dma_wait3A_89 = tpu.memref_slice %arg8[%dma_wait3A_83, %dma_wait3A_88] : memref<80x64xi32, #tpu.memory_space<vmem>> -> memref<1x64xi32, #tpu.memory_space<vmem>>
    %dma_wait3A_90 = tpu.memref_squeeze %dma_wait3A_89 : memref<1x64xi32, #tpu.memory_space<vmem>> -> memref<64xi32, #tpu.memory_space<vmem>>
    %dma_wait3A_91 = arith.constant 0 : i32
    %dma_wait3A_92 = arith.constant 0 : i32
    %dma_wait3A_93 = tpu.memref_slice %arg10[%dma_wait3A_91, %dma_wait3A_92] : memref<10112x128xf32, #tpu.memory_space<vmem_shared>> -> memref<10112x128xf32, #tpu.memory_space<vmem_shared>>
    tpu.wait_indirect_dma semaphore(%arg18 : memref<!tpu.dma_semaphore, #tpu.memory_space<semaphore_mem>>) src(%dma_wait3A_87 : memref<64x128xf32, #tpu.memory_space<vmem>>) dst(%dma_wait3A_93 : memref<10112x128xf32, #tpu.memory_space<vmem_shared>>)
    "tpu.region"() ({
      %run_scoped3A = tpu.sem_alloc : memref<!tpu.dma_semaphore, #tpu.memory_space<semaphore_mem>>
      %dma_start3A_193 = arith.constant 5120 : i32
      %dma_start3A_194 = tpu.memref_slice %arg3[%add3A, %dma_start3A_193] : memref<32x10240xi32, #tpu.memory_space<hbm>> -> memref<1x5120xi32, #tpu.memory_space<hbm>>
      %dma_start3A_195 = tpu.memref_squeeze %dma_start3A_194 : memref<1x5120xi32, #tpu.memory_space<hbm>> -> memref<5120xi32, #tpu.memory_space<hbm>>
      %dma_start3A_196 = arith.constant 5120 : i32
      %dma_start3A_197 = tpu.memref_slice %arg3[%add3A, %dma_start3A_196] : memref<32x10240xi32, #tpu.memory_space<hbm>> -> memref<1x5120xi32, #tpu.memory_space<hbm>>
      %dma_start3A_198 = tpu.memref_squeeze %dma_start3A_197 : memref<1x5120xi32, #tpu.memory_space<hbm>> -> memref<5120xi32, #tpu.memory_space<hbm>>
      tpu.enqueue_dma source(%dma_start3A_198 : memref<5120xi32, #tpu.memory_space<hbm>>) target(%arg7 : memref<5120xi32, #tpu.memory_space<vmem>>) target_semaphore(%run_scoped3A : memref<!tpu.dma_semaphore, #tpu.memory_space<semaphore_mem>>)
      %dma_wait3A_199 = arith.constant 5120 : i32
      %dma_wait3A_200 = tpu.memref_slice %arg3[%add3A, %dma_wait3A_199] : memref<32x10240xi32, #tpu.memory_space<hbm>> -> memref<1x5120xi32, #tpu.memory_space<hbm>>
      %dma_wait3A_201 = tpu.memref_squeeze %dma_wait3A_200 : memref<1x5120xi32, #tpu.memory_space<hbm>> -> memref<5120xi32, #tpu.memory_space<hbm>>
      %dma_wait3A_202 = arith.constant 5120 : i32
      %dma_wait3A_203 = tpu.memref_slice %arg3[%add3A, %dma_wait3A_202] : memref<32x10240xi32, #tpu.memory_space<hbm>> -> memref<1x5120xi32, #tpu.memory_space<hbm>>
      %dma_wait3A_204 = tpu.memref_squeeze %dma_wait3A_203 : memref<1x5120xi32, #tpu.memory_space<hbm>> -> memref<5120xi32, #tpu.memory_space<hbm>>
      tpu.wait_dma2 semaphore(%run_scoped3A : memref<!tpu.dma_semaphore, #tpu.memory_space<semaphore_mem>>) src(%dma_wait3A_204 : memref<5120xi32, #tpu.memory_space<hbm>>) dst(%arg7 : memref<5120xi32, #tpu.memory_space<vmem>>)
      tpu.yield
    }) : () -> ()
    "tpu.region"() ({
      %run_scoped3A = tpu.sem_alloc : memref<!tpu.dma_semaphore, #tpu.memory_space<semaphore_mem>>
      %dma_start3A_193 = arith.constant 80 : i32
      %dma_start3A_194 = arith.constant 0 : i32
      %dma_start3A_195 = tpu.memref_slice %arg4[%add3A, %dma_start3A_193, %dma_start3A_194] : memref<32x160x64xi32, #tpu.memory_space<hbm>> -> memref<1x80x64xi32, #tpu.memory_space<hbm>>
      %dma_start3A_196 = tpu.memref_squeeze %dma_start3A_195 : memref<1x80x64xi32, #tpu.memory_space<hbm>> -> memref<80x64xi32, #tpu.memory_space<hbm>>
      %dma_start3A_197 = arith.constant 80 : i32
      %dma_start3A_198 = arith.constant 0 : i32
      %dma_start3A_199 = tpu.memref_slice %arg4[%add3A, %dma_start3A_197, %dma_start3A_198] : memref<32x160x64xi32, #tpu.memory_space<hbm>> -> memref<1x80x64xi32, #tpu.memory_space<hbm>>
      %dma_start3A_200 = tpu.memref_squeeze %dma_start3A_199 : memref<1x80x64xi32, #tpu.memory_space<hbm>> -> memref<80x64xi32, #tpu.memory_space<hbm>>
      tpu.enqueue_dma source(%dma_start3A_200 : memref<80x64xi32, #tpu.memory_space<hbm>>) target(%arg8 : memref<80x64xi32, #tpu.memory_space<vmem>>) target_semaphore(%run_scoped3A : memref<!tpu.dma_semaphore, #tpu.memory_space<semaphore_mem>>)
      %dma_wait3A_201 = arith.constant 80 : i32
      %dma_wait3A_202 = arith.constant 0 : i32
      %dma_wait3A_203 = tpu.memref_slice %arg4[%add3A, %dma_wait3A_201, %dma_wait3A_202] : memref<32x160x64xi32, #tpu.memory_space<hbm>> -> memref<1x80x64xi32, #tpu.memory_space<hbm>>
      %dma_wait3A_204 = tpu.memref_squeeze %dma_wait3A_203 : memref<1x80x64xi32, #tpu.memory_space<hbm>> -> memref<80x64xi32, #tpu.memory_space<hbm>>
      %dma_wait3A_205 = arith.constant 80 : i32
      %dma_wait3A_206 = arith.constant 0 : i32
      %dma_wait3A_207 = tpu.memref_slice %arg4[%add3A, %dma_wait3A_205, %dma_wait3A_206] : memref<32x160x64xi32, #tpu.memory_space<hbm>> -> memref<1x80x64xi32, #tpu.memory_space<hbm>>
      %dma_wait3A_208 = tpu.memref_squeeze %dma_wait3A_207 : memref<1x80x64xi32, #tpu.memory_space<hbm>> -> memref<80x64xi32, #tpu.memory_space<hbm>>
      tpu.wait_dma2 semaphore(%run_scoped3A : memref<!tpu.dma_semaphore, #tpu.memory_space<semaphore_mem>>) src(%dma_wait3A_208 : memref<80x64xi32, #tpu.memory_space<hbm>>) dst(%arg8 : memref<80x64xi32, #tpu.memory_space<vmem>>)
      tpu.yield
    }) : () -> ()
    %dma_start3A_94 = arith.constant 0 : i32
    %dma_start3A_95 = arith.constant 0 : i32
    %dma_start3A_96 = arith.constant 0 : i32
    %dma_start3A_97 = tpu.memref_slice %arg9[%dma_start3A_94, %dma_start3A_95, %dma_start3A_96] : memref<4x64x128xf32, #tpu.memory_space<vmem>> -> memref<1x64x128xf32, #tpu.memory_space<vmem>>
    %dma_start3A_98 = tpu.memref_squeeze %dma_start3A_97 : memref<1x64x128xf32, #tpu.memory_space<vmem>> -> memref<64x128xf32, #tpu.memory_space<vmem>>
    %dma_start3A_99 = arith.constant 0 : i32
    %dma_start3A_100 = tpu.memref_slice %arg7[%dma_start3A_99] : memref<5120xi32, #tpu.memory_space<vmem>> -> memref<64xi32, #tpu.memory_space<vmem>>
    %dma_start3A_101 = arith.constant 0 : i32
    %dma_start3A_102 = arith.constant 0 : i32
    %dma_start3A_103 = tpu.memref_slice %arg2[%dma_start3A_101, %dma_start3A_102] : memref<10000x128xf32, #tpu.memory_space<hbm>> -> memref<10000x128xf32, #tpu.memory_space<hbm>>
    tpu.enqueue_indirect_dma source(%dma_start3A_103 : memref<10000x128xf32, #tpu.memory_space<hbm>>) target(%dma_start3A_98 : memref<64x128xf32, #tpu.memory_space<vmem>>) offsets(%dma_start3A_100 : memref<64xi32, #tpu.memory_space<vmem>>) semaphore(%arg11 : memref<!tpu.dma_semaphore, #tpu.memory_space<semaphore_mem>>)
    %dma_start3A_104 = arith.constant 1 : i32
    %dma_start3A_105 = arith.constant 0 : i32
    %dma_start3A_106 = arith.constant 0 : i32
    %dma_start3A_107 = tpu.memref_slice %arg9[%dma_start3A_104, %dma_start3A_105, %dma_start3A_106] : memref<4x64x128xf32, #tpu.memory_space<vmem>> -> memref<1x64x128xf32, #tpu.memory_space<vmem>>
    %dma_start3A_108 = tpu.memref_squeeze %dma_start3A_107 : memref<1x64x128xf32, #tpu.memory_space<vmem>> -> memref<64x128xf32, #tpu.memory_space<vmem>>
    %dma_start3A_109 = arith.constant 64 : i32
    %dma_start3A_110 = tpu.memref_slice %arg7[%dma_start3A_109] : memref<5120xi32, #tpu.memory_space<vmem>> -> memref<64xi32, #tpu.memory_space<vmem>>
    %dma_start3A_111 = arith.constant 0 : i32
    %dma_start3A_112 = arith.constant 0 : i32
    %dma_start3A_113 = tpu.memref_slice %arg2[%dma_start3A_111, %dma_start3A_112] : memref<10000x128xf32, #tpu.memory_space<hbm>> -> memref<10000x128xf32, #tpu.memory_space<hbm>>
    tpu.enqueue_indirect_dma source(%dma_start3A_113 : memref<10000x128xf32, #tpu.memory_space<hbm>>) target(%dma_start3A_108 : memref<64x128xf32, #tpu.memory_space<vmem>>) offsets(%dma_start3A_110 : memref<64xi32, #tpu.memory_space<vmem>>) semaphore(%arg12 : memref<!tpu.dma_semaphore, #tpu.memory_space<semaphore_mem>>)
    %dma_start3A_114 = arith.constant 2 : i32
    %dma_start3A_115 = arith.constant 0 : i32
    %dma_start3A_116 = arith.constant 0 : i32
    %dma_start3A_117 = tpu.memref_slice %arg9[%dma_start3A_114, %dma_start3A_115, %dma_start3A_116] : memref<4x64x128xf32, #tpu.memory_space<vmem>> -> memref<1x64x128xf32, #tpu.memory_space<vmem>>
    %dma_start3A_118 = tpu.memref_squeeze %dma_start3A_117 : memref<1x64x128xf32, #tpu.memory_space<vmem>> -> memref<64x128xf32, #tpu.memory_space<vmem>>
    %dma_start3A_119 = arith.constant 128 : i32
    %dma_start3A_120 = tpu.memref_slice %arg7[%dma_start3A_119] : memref<5120xi32, #tpu.memory_space<vmem>> -> memref<64xi32, #tpu.memory_space<vmem>>
    %dma_start3A_121 = arith.constant 0 : i32
    %dma_start3A_122 = arith.constant 0 : i32
    %dma_start3A_123 = tpu.memref_slice %arg2[%dma_start3A_121, %dma_start3A_122] : memref<10000x128xf32, #tpu.memory_space<hbm>> -> memref<10000x128xf32, #tpu.memory_space<hbm>>
    tpu.enqueue_indirect_dma source(%dma_start3A_123 : memref<10000x128xf32, #tpu.memory_space<hbm>>) target(%dma_start3A_118 : memref<64x128xf32, #tpu.memory_space<vmem>>) offsets(%dma_start3A_120 : memref<64xi32, #tpu.memory_space<vmem>>) semaphore(%arg13 : memref<!tpu.dma_semaphore, #tpu.memory_space<semaphore_mem>>)
    %dma_start3A_124 = arith.constant 3 : i32
    %dma_start3A_125 = arith.constant 0 : i32
    %dma_start3A_126 = arith.constant 0 : i32
    %dma_start3A_127 = tpu.memref_slice %arg9[%dma_start3A_124, %dma_start3A_125, %dma_start3A_126] : memref<4x64x128xf32, #tpu.memory_space<vmem>> -> memref<1x64x128xf32, #tpu.memory_space<vmem>>
    %dma_start3A_128 = tpu.memref_squeeze %dma_start3A_127 : memref<1x64x128xf32, #tpu.memory_space<vmem>> -> memref<64x128xf32, #tpu.memory_space<vmem>>
    %dma_start3A_129 = arith.constant 192 : i32
    %dma_start3A_130 = tpu.memref_slice %arg7[%dma_start3A_129] : memref<5120xi32, #tpu.memory_space<vmem>> -> memref<64xi32, #tpu.memory_space<vmem>>
    %dma_start3A_131 = arith.constant 0 : i32
    %dma_start3A_132 = arith.constant 0 : i32
    %dma_start3A_133 = tpu.memref_slice %arg2[%dma_start3A_131, %dma_start3A_132] : memref<10000x128xf32, #tpu.memory_space<hbm>> -> memref<10000x128xf32, #tpu.memory_space<hbm>>
    tpu.enqueue_indirect_dma source(%dma_start3A_133 : memref<10000x128xf32, #tpu.memory_space<hbm>>) target(%dma_start3A_128 : memref<64x128xf32, #tpu.memory_space<vmem>>) offsets(%dma_start3A_130 : memref<64xi32, #tpu.memory_space<vmem>>) semaphore(%arg14 : memref<!tpu.dma_semaphore, #tpu.memory_space<semaphore_mem>>)
    %scan3A_134 = arith.constant 0 : i32
    %scan3A_135 = arith.constant 0 : i32
    %scan3A_136 = arith.constant 20 : i32
    %scan3A_137 = arith.addi %scan3A_135, %scan3A_136 : i32
    %scan3A_138 = arith.constant 1 : i32
    scf.for %scan3A_193 = %scan3A_135 to %scan3A_137 step %scan3A_138  : i32 {
      %mul3A_194 = arith.constant 4 : i32
      %mul3A_195 = arith.muli %scan3A_193, %mul3A_194 : i32
      %add3A_196 = arith.constant 0 : i32
      %add3A_197 = arith.addi %mul3A_195, %add3A_196 : i32
      %dma_wait3A_198 = arith.constant 0 : i32
      %dma_wait3A_199 = arith.constant 0 : i32
      %dma_wait3A_200 = arith.constant 0 : i32
      %dma_wait3A_201 = tpu.memref_slice %arg9[%dma_wait3A_198, %dma_wait3A_199, %dma_wait3A_200] : memref<4x64x128xf32, #tpu.memory_space<vmem>> -> memref<1x64x128xf32, #tpu.memory_space<vmem>>
      %dma_wait3A_202 = tpu.memref_squeeze %dma_wait3A_201 : memref<1x64x128xf32, #tpu.memory_space<vmem>> -> memref<64x128xf32, #tpu.memory_space<vmem>>
      %dma_wait3A_203 = arith.constant 0 : i32
      %dma_wait3A_204 = tpu.memref_slice %arg7[%dma_wait3A_203] : memref<5120xi32, #tpu.memory_space<vmem>> -> memref<64xi32, #tpu.memory_space<vmem>>
      %dma_wait3A_205 = arith.constant 0 : i32
      %dma_wait3A_206 = arith.constant 0 : i32
      %dma_wait3A_207 = tpu.memref_slice %arg2[%dma_wait3A_205, %dma_wait3A_206] : memref<10000x128xf32, #tpu.memory_space<hbm>> -> memref<10000x128xf32, #tpu.memory_space<hbm>>
      tpu.wait_indirect_dma semaphore(%arg11 : memref<!tpu.dma_semaphore, #tpu.memory_space<semaphore_mem>>) src(%dma_wait3A_207 : memref<10000x128xf32, #tpu.memory_space<hbm>>) dst(%dma_wait3A_202 : memref<64x128xf32, #tpu.memory_space<vmem>>)
      %dma_start3A_208 = arith.constant 0 : i32
      %dma_start3A_209 = arith.constant 0 : i32
      %dma_start3A_210 = arith.constant 0 : i32
      %dma_start3A_211 = tpu.memref_slice %arg9[%dma_start3A_208, %dma_start3A_209, %dma_start3A_210] : memref<4x64x128xf32, #tpu.memory_space<vmem>> -> memref<1x64x128xf32, #tpu.memory_space<vmem>>
      %dma_start3A_212 = tpu.memref_squeeze %dma_start3A_211 : memref<1x64x128xf32, #tpu.memory_space<vmem>> -> memref<64x128xf32, #tpu.memory_space<vmem>>
      %dma_start3A_213 = arith.constant 0 : i32
      %dma_start3A_214 = tpu.memref_slice %arg8[%add3A_197, %dma_start3A_213] : memref<80x64xi32, #tpu.memory_space<vmem>> -> memref<1x64xi32, #tpu.memory_space<vmem>>
      %dma_start3A_215 = tpu.memref_squeeze %dma_start3A_214 : memref<1x64xi32, #tpu.memory_space<vmem>> -> memref<64xi32, #tpu.memory_space<vmem>>
      %dma_start3A_216 = arith.constant 0 : i32
      %dma_start3A_217 = arith.constant 0 : i32
      %dma_start3A_218 = tpu.memref_slice %arg10[%dma_start3A_216, %dma_start3A_217] : memref<10112x128xf32, #tpu.memory_space<vmem_shared>> -> memref<10112x128xf32, #tpu.memory_space<vmem_shared>>
      tpu.enqueue_indirect_dma source(%dma_start3A_212 : memref<64x128xf32, #tpu.memory_space<vmem>>) target(%dma_start3A_218 : memref<10112x128xf32, #tpu.memory_space<vmem_shared>>) offsets(%dma_start3A_215 : memref<64xi32, #tpu.memory_space<vmem>>) semaphore(%arg15 : memref<!tpu.dma_semaphore, #tpu.memory_space<semaphore_mem>>) {add = true}
      %add3A_219 = arith.constant 4 : i32
      %add3A_220 = arith.addi %add3A_197, %add3A_219 : i32
      %lt3A = arith.constant 80 : i32
      %lt3A_221 = arith.cmpi slt, %add3A_220, %lt3A : i32
      %convert_element_type3A = arith.extui %lt3A_221 : i1 to i32
      %cond3A = arith.constant 0 : i32
      %cond3A_222 = arith.cmpi ne, %convert_element_type3A, %cond3A : i32
      scf.if %cond3A_222 {
        %dma_wait3A_319 = arith.constant 0 : i32
        %dma_wait3A_320 = arith.constant 0 : i32
        %dma_wait3A_321 = arith.constant 0 : i32
        %dma_wait3A_322 = arith.constant 0 : i32
        %dma_wait3A_323 = tpu.memref_slice %arg9[%dma_wait3A_319, %dma_wait3A_321, %dma_wait3A_322] : memref<4x64x128xf32, #tpu.memory_space<vmem>> -> memref<1x64x128xf32, #tpu.memory_space<vmem>>
        %dma_wait3A_324 = tpu.memref_squeeze %dma_wait3A_323 : memref<1x64x128xf32, #tpu.memory_space<vmem>> -> memref<64x128xf32, #tpu.memory_space<vmem>>
        %dma_wait3A_325 = arith.constant 0 : i32
        %dma_wait3A_326 = tpu.memref_slice %arg8[%dma_wait3A_320, %dma_wait3A_325] : memref<80x64xi32, #tpu.memory_space<vmem>> -> memref<1x64xi32, #tpu.memory_space<vmem>>
        %dma_wait3A_327 = tpu.memref_squeeze %dma_wait3A_326 : memref<1x64xi32, #tpu.memory_space<vmem>> -> memref<64xi32, #tpu.memory_space<vmem>>
        %dma_wait3A_328 = arith.constant 0 : i32
        %dma_wait3A_329 = arith.constant 0 : i32
        %dma_wait3A_330 = tpu.memref_slice %arg10[%dma_wait3A_328, %dma_wait3A_329] : memref<10112x128xf32, #tpu.memory_space<vmem_shared>> -> memref<10112x128xf32, #tpu.memory_space<vmem_shared>>
        tpu.wait_indirect_dma semaphore(%arg15 : memref<!tpu.dma_semaphore, #tpu.memory_space<semaphore_mem>>) src(%dma_wait3A_324 : memref<64x128xf32, #tpu.memory_space<vmem>>) dst(%dma_wait3A_330 : memref<10112x128xf32, #tpu.memory_space<vmem_shared>>)
        %add3A_331 = arith.constant 4 : i32
        %add3A_332 = arith.addi %add3A_197, %add3A_331 : i32
        %mul3A_333 = arith.constant 64 : i32
        %mul3A_334 = arith.muli %add3A_332, %mul3A_333 : i32
        %dma_start3A_335 = arith.constant 0 : i32
        %dma_start3A_336 = arith.constant 0 : i32
        %dma_start3A_337 = arith.constant 0 : i32
        %dma_start3A_338 = tpu.memref_slice %arg9[%dma_start3A_335, %dma_start3A_336, %dma_start3A_337] : memref<4x64x128xf32, #tpu.memory_space<vmem>> -> memref<1x64x128xf32, #tpu.memory_space<vmem>>
        %dma_start3A_339 = tpu.memref_squeeze %dma_start3A_338 : memref<1x64x128xf32, #tpu.memory_space<vmem>> -> memref<64x128xf32, #tpu.memory_space<vmem>>
        %dma_start3A_340 = tpu.memref_slice %arg7[%mul3A_334] : memref<5120xi32, #tpu.memory_space<vmem>> -> memref<64xi32, #tpu.memory_space<vmem>>
        %dma_start3A_341 = arith.constant 0 : i32
        %dma_start3A_342 = arith.constant 0 : i32
        %dma_start3A_343 = tpu.memref_slice %arg2[%dma_start3A_341, %dma_start3A_342] : memref<10000x128xf32, #tpu.memory_space<hbm>> -> memref<10000x128xf32, #tpu.memory_space<hbm>>
        tpu.enqueue_indirect_dma source(%dma_start3A_343 : memref<10000x128xf32, #tpu.memory_space<hbm>>) target(%dma_start3A_339 : memref<64x128xf32, #tpu.memory_space<vmem>>) offsets(%dma_start3A_340 : memref<64xi32, #tpu.memory_space<vmem>>) semaphore(%arg11 : memref<!tpu.dma_semaphore, #tpu.memory_space<semaphore_mem>>)
      } else {
      }
      %mul3A_223 = arith.constant 4 : i32
      %mul3A_224 = arith.muli %scan3A_193, %mul3A_223 : i32
      %add3A_225 = arith.constant 1 : i32
      %add3A_226 = arith.addi %mul3A_224, %add3A_225 : i32
      %dma_wait3A_227 = arith.constant 1 : i32
      %dma_wait3A_228 = arith.constant 0 : i32
      %dma_wait3A_229 = arith.constant 0 : i32
      %dma_wait3A_230 = tpu.memref_slice %arg9[%dma_wait3A_227, %dma_wait3A_228, %dma_wait3A_229] : memref<4x64x128xf32, #tpu.memory_space<vmem>> -> memref<1x64x128xf32, #tpu.memory_space<vmem>>
      %dma_wait3A_231 = tpu.memref_squeeze %dma_wait3A_230 : memref<1x64x128xf32, #tpu.memory_space<vmem>> -> memref<64x128xf32, #tpu.memory_space<vmem>>
      %dma_wait3A_232 = arith.constant 0 : i32
      %dma_wait3A_233 = tpu.memref_slice %arg7[%dma_wait3A_232] : memref<5120xi32, #tpu.memory_space<vmem>> -> memref<64xi32, #tpu.memory_space<vmem>>
      %dma_wait3A_234 = arith.constant 0 : i32
      %dma_wait3A_235 = arith.constant 0 : i32
      %dma_wait3A_236 = tpu.memref_slice %arg2[%dma_wait3A_234, %dma_wait3A_235] : memref<10000x128xf32, #tpu.memory_space<hbm>> -> memref<10000x128xf32, #tpu.memory_space<hbm>>
      tpu.wait_indirect_dma semaphore(%arg12 : memref<!tpu.dma_semaphore, #tpu.memory_space<semaphore_mem>>) src(%dma_wait3A_236 : memref<10000x128xf32, #tpu.memory_space<hbm>>) dst(%dma_wait3A_231 : memref<64x128xf32, #tpu.memory_space<vmem>>)
      %dma_start3A_237 = arith.constant 1 : i32
      %dma_start3A_238 = arith.constant 0 : i32
      %dma_start3A_239 = arith.constant 0 : i32
      %dma_start3A_240 = tpu.memref_slice %arg9[%dma_start3A_237, %dma_start3A_238, %dma_start3A_239] : memref<4x64x128xf32, #tpu.memory_space<vmem>> -> memref<1x64x128xf32, #tpu.memory_space<vmem>>
      %dma_start3A_241 = tpu.memref_squeeze %dma_start3A_240 : memref<1x64x128xf32, #tpu.memory_space<vmem>> -> memref<64x128xf32, #tpu.memory_space<vmem>>
      %dma_start3A_242 = arith.constant 0 : i32
      %dma_start3A_243 = tpu.memref_slice %arg8[%add3A_226, %dma_start3A_242] : memref<80x64xi32, #tpu.memory_space<vmem>> -> memref<1x64xi32, #tpu.memory_space<vmem>>
      %dma_start3A_244 = tpu.memref_squeeze %dma_start3A_243 : memref<1x64xi32, #tpu.memory_space<vmem>> -> memref<64xi32, #tpu.memory_space<vmem>>
      %dma_start3A_245 = arith.constant 0 : i32
      %dma_start3A_246 = arith.constant 0 : i32
      %dma_start3A_247 = tpu.memref_slice %arg10[%dma_start3A_245, %dma_start3A_246] : memref<10112x128xf32, #tpu.memory_space<vmem_shared>> -> memref<10112x128xf32, #tpu.memory_space<vmem_shared>>
      tpu.enqueue_indirect_dma source(%dma_start3A_241 : memref<64x128xf32, #tpu.memory_space<vmem>>) target(%dma_start3A_247 : memref<10112x128xf32, #tpu.memory_space<vmem_shared>>) offsets(%dma_start3A_244 : memref<64xi32, #tpu.memory_space<vmem>>) semaphore(%arg16 : memref<!tpu.dma_semaphore, #tpu.memory_space<semaphore_mem>>) {add = true}
      %add3A_248 = arith.constant 4 : i32
      %add3A_249 = arith.addi %add3A_226, %add3A_248 : i32
      %lt3A_250 = arith.constant 80 : i32
      %lt3A_251 = arith.cmpi slt, %add3A_249, %lt3A_250 : i32
      %convert_element_type3A_252 = arith.extui %lt3A_251 : i1 to i32
      %cond3A_253 = arith.constant 0 : i32
      %cond3A_254 = arith.cmpi ne, %convert_element_type3A_252, %cond3A_253 : i32
      scf.if %cond3A_254 {
        %dma_wait3A_319 = arith.constant 1 : i32
        %dma_wait3A_320 = arith.constant 0 : i32
        %dma_wait3A_321 = arith.constant 0 : i32
        %dma_wait3A_322 = arith.constant 0 : i32
        %dma_wait3A_323 = tpu.memref_slice %arg9[%dma_wait3A_319, %dma_wait3A_321, %dma_wait3A_322] : memref<4x64x128xf32, #tpu.memory_space<vmem>> -> memref<1x64x128xf32, #tpu.memory_space<vmem>>
        %dma_wait3A_324 = tpu.memref_squeeze %dma_wait3A_323 : memref<1x64x128xf32, #tpu.memory_space<vmem>> -> memref<64x128xf32, #tpu.memory_space<vmem>>
        %dma_wait3A_325 = arith.constant 0 : i32
        %dma_wait3A_326 = tpu.memref_slice %arg8[%dma_wait3A_320, %dma_wait3A_325] : memref<80x64xi32, #tpu.memory_space<vmem>> -> memref<1x64xi32, #tpu.memory_space<vmem>>
        %dma_wait3A_327 = tpu.memref_squeeze %dma_wait3A_326 : memref<1x64xi32, #tpu.memory_space<vmem>> -> memref<64xi32, #tpu.memory_space<vmem>>
        %dma_wait3A_328 = arith.constant 0 : i32
        %dma_wait3A_329 = arith.constant 0 : i32
        %dma_wait3A_330 = tpu.memref_slice %arg10[%dma_wait3A_328, %dma_wait3A_329] : memref<10112x128xf32, #tpu.memory_space<vmem_shared>> -> memref<10112x128xf32, #tpu.memory_space<vmem_shared>>
        tpu.wait_indirect_dma semaphore(%arg16 : memref<!tpu.dma_semaphore, #tpu.memory_space<semaphore_mem>>) src(%dma_wait3A_324 : memref<64x128xf32, #tpu.memory_space<vmem>>) dst(%dma_wait3A_330 : memref<10112x128xf32, #tpu.memory_space<vmem_shared>>)
        %add3A_331 = arith.constant 4 : i32
        %add3A_332 = arith.addi %add3A_226, %add3A_331 : i32
        %mul3A_333 = arith.constant 64 : i32
        %mul3A_334 = arith.muli %add3A_332, %mul3A_333 : i32
        %dma_start3A_335 = arith.constant 1 : i32
        %dma_start3A_336 = arith.constant 0 : i32
        %dma_start3A_337 = arith.constant 0 : i32
        %dma_start3A_338 = tpu.memref_slice %arg9[%dma_start3A_335, %dma_start3A_336, %dma_start3A_337] : memref<4x64x128xf32, #tpu.memory_space<vmem>> -> memref<1x64x128xf32, #tpu.memory_space<vmem>>
        %dma_start3A_339 = tpu.memref_squeeze %dma_start3A_338 : memref<1x64x128xf32, #tpu.memory_space<vmem>> -> memref<64x128xf32, #tpu.memory_space<vmem>>
        %dma_start3A_340 = tpu.memref_slice %arg7[%mul3A_334] : memref<5120xi32, #tpu.memory_space<vmem>> -> memref<64xi32, #tpu.memory_space<vmem>>
        %dma_start3A_341 = arith.constant 0 : i32
        %dma_start3A_342 = arith.constant 0 : i32
        %dma_start3A_343 = tpu.memref_slice %arg2[%dma_start3A_341, %dma_start3A_342] : memref<10000x128xf32, #tpu.memory_space<hbm>> -> memref<10000x128xf32, #tpu.memory_space<hbm>>
        tpu.enqueue_indirect_dma source(%dma_start3A_343 : memref<10000x128xf32, #tpu.memory_space<hbm>>) target(%dma_start3A_339 : memref<64x128xf32, #tpu.memory_space<vmem>>) offsets(%dma_start3A_340 : memref<64xi32, #tpu.memory_space<vmem>>) semaphore(%arg12 : memref<!tpu.dma_semaphore, #tpu.memory_space<semaphore_mem>>)
      } else {
      }
      %mul3A_255 = arith.constant 4 : i32
      %mul3A_256 = arith.muli %scan3A_193, %mul3A_255 : i32
      %add3A_257 = arith.constant 2 : i32
      %add3A_258 = arith.addi %mul3A_256, %add3A_257 : i32
      %dma_wait3A_259 = arith.constant 2 : i32
      %dma_wait3A_260 = arith.constant 0 : i32
      %dma_wait3A_261 = arith.constant 0 : i32
      %dma_wait3A_262 = tpu.memref_slice %arg9[%dma_wait3A_259, %dma_wait3A_260, %dma_wait3A_261] : memref<4x64x128xf32, #tpu.memory_space<vmem>> -> memref<1x64x128xf32, #tpu.memory_space<vmem>>
      %dma_wait3A_263 = tpu.memref_squeeze %dma_wait3A_262 : memref<1x64x128xf32, #tpu.memory_space<vmem>> -> memref<64x128xf32, #tpu.memory_space<vmem>>
      %dma_wait3A_264 = arith.constant 0 : i32
      %dma_wait3A_265 = tpu.memref_slice %arg7[%dma_wait3A_264] : memref<5120xi32, #tpu.memory_space<vmem>> -> memref<64xi32, #tpu.memory_space<vmem>>
      %dma_wait3A_266 = arith.constant 0 : i32
      %dma_wait3A_267 = arith.constant 0 : i32
      %dma_wait3A_268 = tpu.memref_slice %arg2[%dma_wait3A_266, %dma_wait3A_267] : memref<10000x128xf32, #tpu.memory_space<hbm>> -> memref<10000x128xf32, #tpu.memory_space<hbm>>
      tpu.wait_indirect_dma semaphore(%arg13 : memref<!tpu.dma_semaphore, #tpu.memory_space<semaphore_mem>>) src(%dma_wait3A_268 : memref<10000x128xf32, #tpu.memory_space<hbm>>) dst(%dma_wait3A_263 : memref<64x128xf32, #tpu.memory_space<vmem>>)
      %dma_start3A_269 = arith.constant 2 : i32
      %dma_start3A_270 = arith.constant 0 : i32
      %dma_start3A_271 = arith.constant 0 : i32
      %dma_start3A_272 = tpu.memref_slice %arg9[%dma_start3A_269, %dma_start3A_270, %dma_start3A_271] : memref<4x64x128xf32, #tpu.memory_space<vmem>> -> memref<1x64x128xf32, #tpu.memory_space<vmem>>
      %dma_start3A_273 = tpu.memref_squeeze %dma_start3A_272 : memref<1x64x128xf32, #tpu.memory_space<vmem>> -> memref<64x128xf32, #tpu.memory_space<vmem>>
      %dma_start3A_274 = arith.constant 0 : i32
      %dma_start3A_275 = tpu.memref_slice %arg8[%add3A_258, %dma_start3A_274] : memref<80x64xi32, #tpu.memory_space<vmem>> -> memref<1x64xi32, #tpu.memory_space<vmem>>
      %dma_start3A_276 = tpu.memref_squeeze %dma_start3A_275 : memref<1x64xi32, #tpu.memory_space<vmem>> -> memref<64xi32, #tpu.memory_space<vmem>>
      %dma_start3A_277 = arith.constant 0 : i32
      %dma_start3A_278 = arith.constant 0 : i32
      %dma_start3A_279 = tpu.memref_slice %arg10[%dma_start3A_277, %dma_start3A_278] : memref<10112x128xf32, #tpu.memory_space<vmem_shared>> -> memref<10112x128xf32, #tpu.memory_space<vmem_shared>>
      tpu.enqueue_indirect_dma source(%dma_start3A_273 : memref<64x128xf32, #tpu.memory_space<vmem>>) target(%dma_start3A_279 : memref<10112x128xf32, #tpu.memory_space<vmem_shared>>) offsets(%dma_start3A_276 : memref<64xi32, #tpu.memory_space<vmem>>) semaphore(%arg17 : memref<!tpu.dma_semaphore, #tpu.memory_space<semaphore_mem>>) {add = true}
      %add3A_280 = arith.constant 4 : i32
      %add3A_281 = arith.addi %add3A_258, %add3A_280 : i32
      %lt3A_282 = arith.constant 80 : i32
      %lt3A_283 = arith.cmpi slt, %add3A_281, %lt3A_282 : i32
      %convert_element_type3A_284 = arith.extui %lt3A_283 : i1 to i32
      %cond3A_285 = arith.constant 0 : i32
      %cond3A_286 = arith.cmpi ne, %convert_element_type3A_284, %cond3A_285 : i32
      scf.if %cond3A_286 {
        %dma_wait3A_319 = arith.constant 2 : i32
        %dma_wait3A_320 = arith.constant 0 : i32
        %dma_wait3A_321 = arith.constant 0 : i32
        %dma_wait3A_322 = arith.constant 0 : i32
        %dma_wait3A_323 = tpu.memref_slice %arg9[%dma_wait3A_319, %dma_wait3A_321, %dma_wait3A_322] : memref<4x64x128xf32, #tpu.memory_space<vmem>> -> memref<1x64x128xf32, #tpu.memory_space<vmem>>
        %dma_wait3A_324 = tpu.memref_squeeze %dma_wait3A_323 : memref<1x64x128xf32, #tpu.memory_space<vmem>> -> memref<64x128xf32, #tpu.memory_space<vmem>>
        %dma_wait3A_325 = arith.constant 0 : i32
        %dma_wait3A_326 = tpu.memref_slice %arg8[%dma_wait3A_320, %dma_wait3A_325] : memref<80x64xi32, #tpu.memory_space<vmem>> -> memref<1x64xi32, #tpu.memory_space<vmem>>
        %dma_wait3A_327 = tpu.memref_squeeze %dma_wait3A_326 : memref<1x64xi32, #tpu.memory_space<vmem>> -> memref<64xi32, #tpu.memory_space<vmem>>
        %dma_wait3A_328 = arith.constant 0 : i32
        %dma_wait3A_329 = arith.constant 0 : i32
        %dma_wait3A_330 = tpu.memref_slice %arg10[%dma_wait3A_328, %dma_wait3A_329] : memref<10112x128xf32, #tpu.memory_space<vmem_shared>> -> memref<10112x128xf32, #tpu.memory_space<vmem_shared>>
        tpu.wait_indirect_dma semaphore(%arg17 : memref<!tpu.dma_semaphore, #tpu.memory_space<semaphore_mem>>) src(%dma_wait3A_324 : memref<64x128xf32, #tpu.memory_space<vmem>>) dst(%dma_wait3A_330 : memref<10112x128xf32, #tpu.memory_space<vmem_shared>>)
        %add3A_331 = arith.constant 4 : i32
        %add3A_332 = arith.addi %add3A_258, %add3A_331 : i32
        %mul3A_333 = arith.constant 64 : i32
        %mul3A_334 = arith.muli %add3A_332, %mul3A_333 : i32
        %dma_start3A_335 = arith.constant 2 : i32
        %dma_start3A_336 = arith.constant 0 : i32
        %dma_start3A_337 = arith.constant 0 : i32
        %dma_start3A_338 = tpu.memref_slice %arg9[%dma_start3A_335, %dma_start3A_336, %dma_start3A_337] : memref<4x64x128xf32, #tpu.memory_space<vmem>> -> memref<1x64x128xf32, #tpu.memory_space<vmem>>
        %dma_start3A_339 = tpu.memref_squeeze %dma_start3A_338 : memref<1x64x128xf32, #tpu.memory_space<vmem>> -> memref<64x128xf32, #tpu.memory_space<vmem>>
        %dma_start3A_340 = tpu.memref_slice %arg7[%mul3A_334] : memref<5120xi32, #tpu.memory_space<vmem>> -> memref<64xi32, #tpu.memory_space<vmem>>
        %dma_start3A_341 = arith.constant 0 : i32
        %dma_start3A_342 = arith.constant 0 : i32
        %dma_start3A_343 = tpu.memref_slice %arg2[%dma_start3A_341, %dma_start3A_342] : memref<10000x128xf32, #tpu.memory_space<hbm>> -> memref<10000x128xf32, #tpu.memory_space<hbm>>
        tpu.enqueue_indirect_dma source(%dma_start3A_343 : memref<10000x128xf32, #tpu.memory_space<hbm>>) target(%dma_start3A_339 : memref<64x128xf32, #tpu.memory_space<vmem>>) offsets(%dma_start3A_340 : memref<64xi32, #tpu.memory_space<vmem>>) semaphore(%arg13 : memref<!tpu.dma_semaphore, #tpu.memory_space<semaphore_mem>>)
      } else {
      }
      %mul3A_287 = arith.constant 4 : i32
      %mul3A_288 = arith.muli %scan3A_193, %mul3A_287 : i32
      %add3A_289 = arith.constant 3 : i32
      %add3A_290 = arith.addi %mul3A_288, %add3A_289 : i32
      %dma_wait3A_291 = arith.constant 3 : i32
      %dma_wait3A_292 = arith.constant 0 : i32
      %dma_wait3A_293 = arith.constant 0 : i32
      %dma_wait3A_294 = tpu.memref_slice %arg9[%dma_wait3A_291, %dma_wait3A_292, %dma_wait3A_293] : memref<4x64x128xf32, #tpu.memory_space<vmem>> -> memref<1x64x128xf32, #tpu.memory_space<vmem>>
      %dma_wait3A_295 = tpu.memref_squeeze %dma_wait3A_294 : memref<1x64x128xf32, #tpu.memory_space<vmem>> -> memref<64x128xf32, #tpu.memory_space<vmem>>
      %dma_wait3A_296 = arith.constant 0 : i32
      %dma_wait3A_297 = tpu.memref_slice %arg7[%dma_wait3A_296] : memref<5120xi32, #tpu.memory_space<vmem>> -> memref<64xi32, #tpu.memory_space<vmem>>
      %dma_wait3A_298 = arith.constant 0 : i32
      %dma_wait3A_299 = arith.constant 0 : i32
      %dma_wait3A_300 = tpu.memref_slice %arg2[%dma_wait3A_298, %dma_wait3A_299] : memref<10000x128xf32, #tpu.memory_space<hbm>> -> memref<10000x128xf32, #tpu.memory_space<hbm>>
      tpu.wait_indirect_dma semaphore(%arg14 : memref<!tpu.dma_semaphore, #tpu.memory_space<semaphore_mem>>) src(%dma_wait3A_300 : memref<10000x128xf32, #tpu.memory_space<hbm>>) dst(%dma_wait3A_295 : memref<64x128xf32, #tpu.memory_space<vmem>>)
      %dma_start3A_301 = arith.constant 3 : i32
      %dma_start3A_302 = arith.constant 0 : i32
      %dma_start3A_303 = arith.constant 0 : i32
      %dma_start3A_304 = tpu.memref_slice %arg9[%dma_start3A_301, %dma_start3A_302, %dma_start3A_303] : memref<4x64x128xf32, #tpu.memory_space<vmem>> -> memref<1x64x128xf32, #tpu.memory_space<vmem>>
      %dma_start3A_305 = tpu.memref_squeeze %dma_start3A_304 : memref<1x64x128xf32, #tpu.memory_space<vmem>> -> memref<64x128xf32, #tpu.memory_space<vmem>>
      %dma_start3A_306 = arith.constant 0 : i32
      %dma_start3A_307 = tpu.memref_slice %arg8[%add3A_290, %dma_start3A_306] : memref<80x64xi32, #tpu.memory_space<vmem>> -> memref<1x64xi32, #tpu.memory_space<vmem>>
      %dma_start3A_308 = tpu.memref_squeeze %dma_start3A_307 : memref<1x64xi32, #tpu.memory_space<vmem>> -> memref<64xi32, #tpu.memory_space<vmem>>
      %dma_start3A_309 = arith.constant 0 : i32
      %dma_start3A_310 = arith.constant 0 : i32
      %dma_start3A_311 = tpu.memref_slice %arg10[%dma_start3A_309, %dma_start3A_310] : memref<10112x128xf32, #tpu.memory_space<vmem_shared>> -> memref<10112x128xf32, #tpu.memory_space<vmem_shared>>
      tpu.enqueue_indirect_dma source(%dma_start3A_305 : memref<64x128xf32, #tpu.memory_space<vmem>>) target(%dma_start3A_311 : memref<10112x128xf32, #tpu.memory_space<vmem_shared>>) offsets(%dma_start3A_308 : memref<64xi32, #tpu.memory_space<vmem>>) semaphore(%arg18 : memref<!tpu.dma_semaphore, #tpu.memory_space<semaphore_mem>>) {add = true}
      %add3A_312 = arith.constant 4 : i32
      %add3A_313 = arith.addi %add3A_290, %add3A_312 : i32
      %lt3A_314 = arith.constant 80 : i32
      %lt3A_315 = arith.cmpi slt, %add3A_313, %lt3A_314 : i32
      %convert_element_type3A_316 = arith.extui %lt3A_315 : i1 to i32
      %cond3A_317 = arith.constant 0 : i32
      %cond3A_318 = arith.cmpi ne, %convert_element_type3A_316, %cond3A_317 : i32
      scf.if %cond3A_318 {
        %dma_wait3A_319 = arith.constant 3 : i32
        %dma_wait3A_320 = arith.constant 0 : i32
        %dma_wait3A_321 = arith.constant 0 : i32
        %dma_wait3A_322 = arith.constant 0 : i32
        %dma_wait3A_323 = tpu.memref_slice %arg9[%dma_wait3A_319, %dma_wait3A_321, %dma_wait3A_322] : memref<4x64x128xf32, #tpu.memory_space<vmem>> -> memref<1x64x128xf32, #tpu.memory_space<vmem>>
        %dma_wait3A_324 = tpu.memref_squeeze %dma_wait3A_323 : memref<1x64x128xf32, #tpu.memory_space<vmem>> -> memref<64x128xf32, #tpu.memory_space<vmem>>
        %dma_wait3A_325 = arith.constant 0 : i32
        %dma_wait3A_326 = tpu.memref_slice %arg8[%dma_wait3A_320, %dma_wait3A_325] : memref<80x64xi32, #tpu.memory_space<vmem>> -> memref<1x64xi32, #tpu.memory_space<vmem>>
        %dma_wait3A_327 = tpu.memref_squeeze %dma_wait3A_326 : memref<1x64xi32, #tpu.memory_space<vmem>> -> memref<64xi32, #tpu.memory_space<vmem>>
        %dma_wait3A_328 = arith.constant 0 : i32
        %dma_wait3A_329 = arith.constant 0 : i32
        %dma_wait3A_330 = tpu.memref_slice %arg10[%dma_wait3A_328, %dma_wait3A_329] : memref<10112x128xf32, #tpu.memory_space<vmem_shared>> -> memref<10112x128xf32, #tpu.memory_space<vmem_shared>>
        tpu.wait_indirect_dma semaphore(%arg18 : memref<!tpu.dma_semaphore, #tpu.memory_space<semaphore_mem>>) src(%dma_wait3A_324 : memref<64x128xf32, #tpu.memory_space<vmem>>) dst(%dma_wait3A_330 : memref<10112x128xf32, #tpu.memory_space<vmem_shared>>)
        %add3A_331 = arith.constant 4 : i32
        %add3A_332 = arith.addi %add3A_290, %add3A_331 : i32
        %mul3A_333 = arith.constant 64 : i32
        %mul3A_334 = arith.muli %add3A_332, %mul3A_333 : i32
        %dma_start3A_335 = arith.constant 3 : i32
        %dma_start3A_336 = arith.constant 0 : i32
        %dma_start3A_337 = arith.constant 0 : i32
        %dma_start3A_338 = tpu.memref_slice %arg9[%dma_start3A_335, %dma_start3A_336, %dma_start3A_337] : memref<4x64x128xf32, #tpu.memory_space<vmem>> -> memref<1x64x128xf32, #tpu.memory_space<vmem>>
        %dma_start3A_339 = tpu.memref_squeeze %dma_start3A_338 : memref<1x64x128xf32, #tpu.memory_space<vmem>> -> memref<64x128xf32, #tpu.memory_space<vmem>>
        %dma_start3A_340 = tpu.memref_slice %arg7[%mul3A_334] : memref<5120xi32, #tpu.memory_space<vmem>> -> memref<64xi32, #tpu.memory_space<vmem>>
        %dma_start3A_341 = arith.constant 0 : i32
        %dma_start3A_342 = arith.constant 0 : i32
        %dma_start3A_343 = tpu.memref_slice %arg2[%dma_start3A_341, %dma_start3A_342] : memref<10000x128xf32, #tpu.memory_space<hbm>> -> memref<10000x128xf32, #tpu.memory_space<hbm>>
        tpu.enqueue_indirect_dma source(%dma_start3A_343 : memref<10000x128xf32, #tpu.memory_space<hbm>>) target(%dma_start3A_339 : memref<64x128xf32, #tpu.memory_space<vmem>>) offsets(%dma_start3A_340 : memref<64xi32, #tpu.memory_space<vmem>>) semaphore(%arg14 : memref<!tpu.dma_semaphore, #tpu.memory_space<semaphore_mem>>)
      } else {
      }
    }
    %scan3A_139 = arith.constant 20 : i32
    %dma_wait3A_140 = arith.constant 0 : i32
    %dma_wait3A_141 = arith.constant 0 : i32
    %dma_wait3A_142 = arith.constant 0 : i32
    %dma_wait3A_143 = arith.constant 0 : i32
    %dma_wait3A_144 = tpu.memref_slice %arg9[%dma_wait3A_140, %dma_wait3A_142, %dma_wait3A_143] : memref<4x64x128xf32, #tpu.memory_space<vmem>> -> memref<1x64x128xf32, #tpu.memory_space<vmem>>
    %dma_wait3A_145 = tpu.memref_squeeze %dma_wait3A_144 : memref<1x64x128xf32, #tpu.memory_space<vmem>> -> memref<64x128xf32, #tpu.memory_space<vmem>>
    %dma_wait3A_146 = arith.constant 0 : i32
    %dma_wait3A_147 = tpu.memref_slice %arg8[%dma_wait3A_141, %dma_wait3A_146] : memref<80x64xi32, #tpu.memory_space<vmem>> -> memref<1x64xi32, #tpu.memory_space<vmem>>
    %dma_wait3A_148 = tpu.memref_squeeze %dma_wait3A_147 : memref<1x64xi32, #tpu.memory_space<vmem>> -> memref<64xi32, #tpu.memory_space<vmem>>
    %dma_wait3A_149 = arith.constant 0 : i32
    %dma_wait3A_150 = arith.constant 0 : i32
    %dma_wait3A_151 = tpu.memref_slice %arg10[%dma_wait3A_149, %dma_wait3A_150] : memref<10112x128xf32, #tpu.memory_space<vmem_shared>> -> memref<10112x128xf32, #tpu.memory_space<vmem_shared>>
    tpu.wait_indirect_dma semaphore(%arg15 : memref<!tpu.dma_semaphore, #tpu.memory_space<semaphore_mem>>) src(%dma_wait3A_145 : memref<64x128xf32, #tpu.memory_space<vmem>>) dst(%dma_wait3A_151 : memref<10112x128xf32, #tpu.memory_space<vmem_shared>>)
    %dma_wait3A_152 = arith.constant 1 : i32
    %dma_wait3A_153 = arith.constant 0 : i32
    %dma_wait3A_154 = arith.constant 0 : i32
    %dma_wait3A_155 = arith.constant 0 : i32
    %dma_wait3A_156 = tpu.memref_slice %arg9[%dma_wait3A_152, %dma_wait3A_154, %dma_wait3A_155] : memref<4x64x128xf32, #tpu.memory_space<vmem>> -> memref<1x64x128xf32, #tpu.memory_space<vmem>>
    %dma_wait3A_157 = tpu.memref_squeeze %dma_wait3A_156 : memref<1x64x128xf32, #tpu.memory_space<vmem>> -> memref<64x128xf32, #tpu.memory_space<vmem>>
    %dma_wait3A_158 = arith.constant 0 : i32
    %dma_wait3A_159 = tpu.memref_slice %arg8[%dma_wait3A_153, %dma_wait3A_158] : memref<80x64xi32, #tpu.memory_space<vmem>> -> memref<1x64xi32, #tpu.memory_space<vmem>>
    %dma_wait3A_160 = tpu.memref_squeeze %dma_wait3A_159 : memref<1x64xi32, #tpu.memory_space<vmem>> -> memref<64xi32, #tpu.memory_space<vmem>>
    %dma_wait3A_161 = arith.constant 0 : i32
    %dma_wait3A_162 = arith.constant 0 : i32
    %dma_wait3A_163 = tpu.memref_slice %arg10[%dma_wait3A_161, %dma_wait3A_162] : memref<10112x128xf32, #tpu.memory_space<vmem_shared>> -> memref<10112x128xf32, #tpu.memory_space<vmem_shared>>
    tpu.wait_indirect_dma semaphore(%arg16 : memref<!tpu.dma_semaphore, #tpu.memory_space<semaphore_mem>>) src(%dma_wait3A_157 : memref<64x128xf32, #tpu.memory_space<vmem>>) dst(%dma_wait3A_163 : memref<10112x128xf32, #tpu.memory_space<vmem_shared>>)
    %dma_wait3A_164 = arith.constant 2 : i32
    %dma_wait3A_165 = arith.constant 0 : i32
    %dma_wait3A_166 = arith.constant 0 : i32
    %dma_wait3A_167 = arith.constant 0 : i32
    %dma_wait3A_168 = tpu.memref_slice %arg9[%dma_wait3A_164, %dma_wait3A_166, %dma_wait3A_167] : memref<4x64x128xf32, #tpu.memory_space<vmem>> -> memref<1x64x128xf32, #tpu.memory_space<vmem>>
    %dma_wait3A_169 = tpu.memref_squeeze %dma_wait3A_168 : memref<1x64x128xf32, #tpu.memory_space<vmem>> -> memref<64x128xf32, #tpu.memory_space<vmem>>
    %dma_wait3A_170 = arith.constant 0 : i32
    %dma_wait3A_171 = tpu.memref_slice %arg8[%dma_wait3A_165, %dma_wait3A_170] : memref<80x64xi32, #tpu.memory_space<vmem>> -> memref<1x64xi32, #tpu.memory_space<vmem>>
    %dma_wait3A_172 = tpu.memref_squeeze %dma_wait3A_171 : memref<1x64xi32, #tpu.memory_space<vmem>> -> memref<64xi32, #tpu.memory_space<vmem>>
    %dma_wait3A_173 = arith.constant 0 : i32
    %dma_wait3A_174 = arith.constant 0 : i32
    %dma_wait3A_175 = tpu.memref_slice %arg10[%dma_wait3A_173, %dma_wait3A_174] : memref<10112x128xf32, #tpu.memory_space<vmem_shared>> -> memref<10112x128xf32, #tpu.memory_space<vmem_shared>>
    tpu.wait_indirect_dma semaphore(%arg17 : memref<!tpu.dma_semaphore, #tpu.memory_space<semaphore_mem>>) src(%dma_wait3A_169 : memref<64x128xf32, #tpu.memory_space<vmem>>) dst(%dma_wait3A_175 : memref<10112x128xf32, #tpu.memory_space<vmem_shared>>)
    %dma_wait3A_176 = arith.constant 3 : i32
    %dma_wait3A_177 = arith.constant 0 : i32
    %dma_wait3A_178 = arith.constant 0 : i32
    %dma_wait3A_179 = arith.constant 0 : i32
    %dma_wait3A_180 = tpu.memref_slice %arg9[%dma_wait3A_176, %dma_wait3A_178, %dma_wait3A_179] : memref<4x64x128xf32, #tpu.memory_space<vmem>> -> memref<1x64x128xf32, #tpu.memory_space<vmem>>
    %dma_wait3A_181 = tpu.memref_squeeze %dma_wait3A_180 : memref<1x64x128xf32, #tpu.memory_space<vmem>> -> memref<64x128xf32, #tpu.memory_space<vmem>>
    %dma_wait3A_182 = arith.constant 0 : i32
    %dma_wait3A_183 = tpu.memref_slice %arg8[%dma_wait3A_177, %dma_wait3A_182] : memref<80x64xi32, #tpu.memory_space<vmem>> -> memref<1x64xi32, #tpu.memory_space<vmem>>
    %dma_wait3A_184 = tpu.memref_squeeze %dma_wait3A_183 : memref<1x64xi32, #tpu.memory_space<vmem>> -> memref<64xi32, #tpu.memory_space<vmem>>
    %dma_wait3A_185 = arith.constant 0 : i32
    %dma_wait3A_186 = arith.constant 0 : i32
    %dma_wait3A_187 = tpu.memref_slice %arg10[%dma_wait3A_185, %dma_wait3A_186] : memref<10112x128xf32, #tpu.memory_space<vmem_shared>> -> memref<10112x128xf32, #tpu.memory_space<vmem_shared>>
    tpu.wait_indirect_dma semaphore(%arg18 : memref<!tpu.dma_semaphore, #tpu.memory_space<semaphore_mem>>) src(%dma_wait3A_181 : memref<64x128xf32, #tpu.memory_space<vmem>>) dst(%dma_wait3A_187 : memref<10112x128xf32, #tpu.memory_space<vmem_shared>>)
    %barrier3A_188 = arith.constant 0 : index
    tpu.barrier barrier_id(%barrier3A_188)
    %mul3A_189 = arith.constant 632 : i32
    %mul3A_190 = arith.muli %arg1, %mul3A_189 : i32
    %mul3A_191 = arith.constant 632 : i32
    %mul3A_192 = arith.muli %arg1, %mul3A_191 : i32
    "tpu.region"() ({
      %run_scoped3A = tpu.sem_alloc : memref<!tpu.dma_semaphore, #tpu.memory_space<semaphore_mem>>
      %dma_start3A_193 = arith.constant 0 : i32
      %dma_start3A_194 = tpu.memref_slice %arg6[%arg0, %mul3A_192, %dma_start3A_193] : memref<2x10112x128xf32, #tpu.memory_space<hbm>> -> memref<1x632x128xf32, #tpu.memory_space<hbm>>
      %dma_start3A_195 = tpu.memref_squeeze %dma_start3A_194 : memref<1x632x128xf32, #tpu.memory_space<hbm>> -> memref<632x128xf32, #tpu.memory_space<hbm>>
      %dma_start3A_196 = arith.constant 0 : i32
      %dma_start3A_197 = tpu.memref_slice %arg10[%mul3A_190, %dma_start3A_196] : memref<10112x128xf32, #tpu.memory_space<vmem_shared>> -> memref<632x128xf32, #tpu.memory_space<vmem_shared>>
      tpu.enqueue_dma source(%dma_start3A_197 : memref<632x128xf32, #tpu.memory_space<vmem_shared>>) target(%dma_start3A_195 : memref<632x128xf32, #tpu.memory_space<hbm>>) target_semaphore(%run_scoped3A : memref<!tpu.dma_semaphore, #tpu.memory_space<semaphore_mem>>)
      %dma_wait3A_198 = arith.constant 0 : i32
      %dma_wait3A_199 = tpu.memref_slice %arg6[%arg0, %mul3A_192, %dma_wait3A_198] : memref<2x10112x128xf32, #tpu.memory_space<hbm>> -> memref<1x632x128xf32, #tpu.memory_space<hbm>>
      %dma_wait3A_200 = tpu.memref_squeeze %dma_wait3A_199 : memref<1x632x128xf32, #tpu.memory_space<hbm>> -> memref<632x128xf32, #tpu.memory_space<hbm>>
      %dma_wait3A_201 = arith.constant 0 : i32
      %dma_wait3A_202 = tpu.memref_slice %arg10[%mul3A_190, %dma_wait3A_201] : memref<10112x128xf32, #tpu.memory_space<vmem_shared>> -> memref<632x128xf32, #tpu.memory_space<vmem_shared>>
      tpu.wait_dma2 semaphore(%run_scoped3A : memref<!tpu.dma_semaphore, #tpu.memory_space<semaphore_mem>>) src(%dma_wait3A_202 : memref<632x128xf32, #tpu.memory_space<vmem_shared>>) dst(%dma_wait3A_200 : memref<632x128xf32, #tpu.memory_space<hbm>>)
      tpu.yield
    }) : () -> ()
    return
  }
}

#map = affine_map<(d0, d1) -> (0, 0)>
#map1 = affine_map<(d0, d1) -> (0, 0, 0)>
module attributes {stable_mosaic.version = 14 : i64} {
  func.func @body(%arg0: i32, %arg1: i32, %arg2: memref<10000x128xf32, #tpu.memory_space<hbm>>, %arg3: memref<32x10240xi32, #tpu.memory_space<hbm>>, %arg4: memref<32x160x64xi32, #tpu.memory_space<hbm>>, %arg5: memref<632x128xf32, #tpu.memory_space<hbm>>, %arg6: memref<2x10112x128xf32, #tpu.memory_space<hbm>>, %arg7: memref<5120xi32, #tpu.memory_space<vmem>>, %arg8: memref<80x64xi32, #tpu.memory_space<vmem>>, %arg9: memref<4x64x128xf32, #tpu.memory_space<vmem>>, %arg10: memref<10112x128xf32, #tpu.memory_space<vmem_shared>>, %arg11: memref<!tpu.dma_semaphore, #tpu.memory_space<semaphore_mem>>, %arg12: memref<!tpu.dma_semaphore, #tpu.memory_space<semaphore_mem>>, %arg13: memref<!tpu.dma_semaphore, #tpu.memory_space<semaphore_mem>>, %arg14: memref<!tpu.dma_semaphore, #tpu.memory_space<semaphore_mem>>, %arg15: memref<!tpu.dma_semaphore, #tpu.memory_space<semaphore_mem>>, %arg16: memref<!tpu.dma_semaphore, #tpu.memory_space<semaphore_mem>>, %arg17: memref<!tpu.dma_semaphore, #tpu.memory_space<semaphore_mem>>, %arg18: memref<!tpu.dma_semaphore, #tpu.memory_space<semaphore_mem>>) attributes {dimension_semantics = [#tpu.dimension_semantics<core_parallel>, #tpu.dimension_semantics<subcore_parallel>], iteration_bounds = array<i64: 2, 16>, scalar_prefetch = 0 : i64, scratch_operands = 12 : i64, tpu.core_type = #tpu.core_type<sc_vector_subcore>, window_params = [{transform_indices = #map}, {transform_indices = #map}, {transform_indices = #map1}, {transform_indices = #map}, {transform_indices = #map1}]} {
    %mul3A = arith.constant 2 : i32
    %mul3A_0 = arith.muli %arg1, %mul3A : i32
    %add3A = arith.addi %mul3A_0, %arg0 : i32
    %mul3A_1 = arith.constant 632 : i32
    %mul3A_2 = arith.muli %arg1, %mul3A_1 : i32
    "tpu.region"() ({
      %run_scoped3A = tpu.sem_alloc : memref<!tpu.dma_semaphore, #tpu.memory_space<semaphore_mem>>
      %dma_start3A_193 = arith.constant 0 : i32
      %dma_start3A_194 = tpu.memref_slice %arg10[%mul3A_2, %dma_start3A_193] : memref<10112x128xf32, #tpu.memory_space<vmem_shared>> -> memref<632x128xf32, #tpu.memory_space<vmem_shared>>
      tpu.enqueue_dma source(%arg5 : memref<632x128xf32, #tpu.memory_space<hbm>>) target(%dma_start3A_194 : memref<632x128xf32, #tpu.memory_space<vmem_shared>>) target_semaphore(%run_scoped3A : memref<!tpu.dma_semaphore, #tpu.memory_space<semaphore_mem>>)
      %dma_wait3A_195 = arith.constant 0 : i32
      %dma_wait3A_196 = tpu.memref_slice %arg10[%mul3A_2, %dma_wait3A_195] : memref<10112x128xf32, #tpu.memory_space<vmem_shared>> -> memref<632x128xf32, #tpu.memory_space<vmem_shared>>
      tpu.wait_dma2 semaphore(%run_scoped3A : memref<!tpu.dma_semaphore, #tpu.memory_space<semaphore_mem>>) src(%arg5 : memref<632x128xf32, #tpu.memory_space<hbm>>) dst(%dma_wait3A_196 : memref<632x128xf32, #tpu.memory_space<vmem_shared>>)
      tpu.yield
    }) : () -> ()
    %barrier3A = arith.constant 0 : index
    tpu.barrier barrier_id(%barrier3A)
    "tpu.region"() ({
      %run_scoped3A = tpu.sem_alloc : memref<!tpu.dma_semaphore, #tpu.memory_space<semaphore_mem>>
      %dma_start3A_193 = arith.constant 0 : i32
      %dma_start3A_194 = tpu.memref_slice %arg3[%add3A, %dma_start3A_193] : memref<32x10240xi32, #tpu.memory_space<hbm>> -> memref<1x5120xi32, #tpu.memory_space<hbm>>
      %dma_start3A_195 = tpu.memref_squeeze %dma_start3A_194 : memref<1x5120xi32, #tpu.memory_space<hbm>> -> memref<5120xi32, #tpu.memory_space<hbm>>
      %dma_start3A_196 = arith.constant 0 : i32
      %dma_start3A_197 = tpu.memref_slice %arg3[%add3A, %dma_start3A_196] : memref<32x10240xi32, #tpu.memory_space<hbm>> -> memref<1x5120xi32, #tpu.memory_space<hbm>>
      %dma_start3A_198 = tpu.memref_squeeze %dma_start3A_197 : memref<1x5120xi32, #tpu.memory_space<hbm>> -> memref<5120xi32, #tpu.memory_space<hbm>>
      tpu.enqueue_dma source(%dma_start3A_198 : memref<5120xi32, #tpu.memory_space<hbm>>) target(%arg7 : memref<5120xi32, #tpu.memory_space<vmem>>) target_semaphore(%run_scoped3A : memref<!tpu.dma_semaphore, #tpu.memory_space<semaphore_mem>>)
      %dma_wait3A_199 = arith.constant 0 : i32
      %dma_wait3A_200 = tpu.memref_slice %arg3[%add3A, %dma_wait3A_199] : memref<32x10240xi32, #tpu.memory_space<hbm>> -> memref<1x5120xi32, #tpu.memory_space<hbm>>
      %dma_wait3A_201 = tpu.memref_squeeze %dma_wait3A_200 : memref<1x5120xi32, #tpu.memory_space<hbm>> -> memref<5120xi32, #tpu.memory_space<hbm>>
      %dma_wait3A_202 = arith.constant 0 : i32
      %dma_wait3A_203 = tpu.memref_slice %arg3[%add3A, %dma_wait3A_202] : memref<32x10240xi32, #tpu.memory_space<hbm>> -> memref<1x5120xi32, #tpu.memory_space<hbm>>
      %dma_wait3A_204 = tpu.memref_squeeze %dma_wait3A_203 : memref<1x5120xi32, #tpu.memory_space<hbm>> -> memref<5120xi32, #tpu.memory_space<hbm>>
      tpu.wait_dma2 semaphore(%run_scoped3A : memref<!tpu.dma_semaphore, #tpu.memory_space<semaphore_mem>>) src(%dma_wait3A_204 : memref<5120xi32, #tpu.memory_space<hbm>>) dst(%arg7 : memref<5120xi32, #tpu.memory_space<vmem>>)
      tpu.yield
    }) : () -> ()
    "tpu.region"() ({
      %run_scoped3A = tpu.sem_alloc : memref<!tpu.dma_semaphore, #tpu.memory_space<semaphore_mem>>
      %dma_start3A_193 = arith.constant 0 : i32
      %dma_start3A_194 = arith.constant 0 : i32
      %dma_start3A_195 = tpu.memref_slice %arg4[%add3A, %dma_start3A_193, %dma_start3A_194] : memref<32x160x64xi32, #tpu.memory_space<hbm>> -> memref<1x80x64xi32, #tpu.memory_space<hbm>>
      %dma_start3A_196 = tpu.memref_squeeze %dma_start3A_195 : memref<1x80x64xi32, #tpu.memory_space<hbm>> -> memref<80x64xi32, #tpu.memory_space<hbm>>
      %dma_start3A_197 = arith.constant 0 : i32
      %dma_start3A_198 = arith.constant 0 : i32
      %dma_start3A_199 = tpu.memref_slice %arg4[%add3A, %dma_start3A_197, %dma_start3A_198] : memref<32x160x64xi32, #tpu.memory_space<hbm>> -> memref<1x80x64xi32, #tpu.memory_space<hbm>>
      %dma_start3A_200 = tpu.memref_squeeze %dma_start3A_199 : memref<1x80x64xi32, #tpu.memory_space<hbm>> -> memref<80x64xi32, #tpu.memory_space<hbm>>
      tpu.enqueue_dma source(%dma_start3A_200 : memref<80x64xi32, #tpu.memory_space<hbm>>) target(%arg8 : memref<80x64xi32, #tpu.memory_space<vmem>>) target_semaphore(%run_scoped3A : memref<!tpu.dma_semaphore, #tpu.memory_space<semaphore_mem>>)
      %dma_wait3A_201 = arith.constant 0 : i32
      %dma_wait3A_202 = arith.constant 0 : i32
      %dma_wait3A_203 = tpu.memref_slice %arg4[%add3A, %dma_wait3A_201, %dma_wait3A_202] : memref<32x160x64xi32, #tpu.memory_space<hbm>> -> memref<1x80x64xi32, #tpu.memory_space<hbm>>
      %dma_wait3A_204 = tpu.memref_squeeze %dma_wait3A_203 : memref<1x80x64xi32, #tpu.memory_space<hbm>> -> memref<80x64xi32, #tpu.memory_space<hbm>>
      %dma_wait3A_205 = arith.constant 0 : i32
      %dma_wait3A_206 = arith.constant 0 : i32
      %dma_wait3A_207 = tpu.memref_slice %arg4[%add3A, %dma_wait3A_205, %dma_wait3A_206] : memref<32x160x64xi32, #tpu.memory_space<hbm>> -> memref<1x80x64xi32, #tpu.memory_space<hbm>>
      %dma_wait3A_208 = tpu.memref_squeeze %dma_wait3A_207 : memref<1x80x64xi32, #tpu.memory_space<hbm>> -> memref<80x64xi32, #tpu.memory_space<hbm>>
      tpu.wait_dma2 semaphore(%run_scoped3A : memref<!tpu.dma_semaphore, #tpu.memory_space<semaphore_mem>>) src(%dma_wait3A_208 : memref<80x64xi32, #tpu.memory_space<hbm>>) dst(%arg8 : memref<80x64xi32, #tpu.memory_space<vmem>>)
      tpu.yield
    }) : () -> ()
    %dma_start3A = arith.constant 0 : i32
    %dma_start3A_3 = arith.constant 0 : i32
    %dma_start3A_4 = arith.constant 0 : i32
    %dma_start3A_5 = tpu.memref_slice %arg9[%dma_start3A, %dma_start3A_3, %dma_start3A_4] : memref<4x64x128xf32, #tpu.memory_space<vmem>> -> memref<1x64x128xf32, #tpu.memory_space<vmem>>
    %dma_start3A_6 = tpu.memref_squeeze %dma_start3A_5 : memref<1x64x128xf32, #tpu.memory_space<vmem>> -> memref<64x128xf32, #tpu.memory_space<vmem>>
    %dma_start3A_7 = arith.constant 0 : i32
    %dma_start3A_8 = tpu.memref_slice %arg7[%dma_start3A_7] : memref<5120xi32, #tpu.memory_space<vmem>> -> memref<64xi32, #tpu.memory_space<vmem>>
    %dma_start3A_9 = arith.constant 0 : i32
    %dma_start3A_10 = arith.constant 0 : i32
    %dma_start3A_11 = tpu.memref_slice %arg2[%dma_start3A_9, %dma_start3A_10] : memref<10000x128xf32, #tpu.memory_space<hbm>> -> memref<10000x128xf32, #tpu.memory_space<hbm>>
    tpu.enqueue_indirect_dma source(%dma_start3A_11 : memref<10000x128xf32, #tpu.memory_space<hbm>>) target(%dma_start3A_6 : memref<64x128xf32, #tpu.memory_space<vmem>>) offsets(%dma_start3A_8 : memref<64xi32, #tpu.memory_space<vmem>>) semaphore(%arg11 : memref<!tpu.dma_semaphore, #tpu.memory_space<semaphore_mem>>)
    %dma_start3A_12 = arith.constant 1 : i32
    %dma_start3A_13 = arith.constant 0 : i32
    %dma_start3A_14 = arith.constant 0 : i32
    %dma_start3A_15 = tpu.memref_slice %arg9[%dma_start3A_12, %dma_start3A_13, %dma_start3A_14] : memref<4x64x128xf32, #tpu.memory_space<vmem>> -> memref<1x64x128xf32, #tpu.memory_space<vmem>>
    %dma_start3A_16 = tpu.memref_squeeze %dma_start3A_15 : memref<1x64x128xf32, #tpu.memory_space<vmem>> -> memref<64x128xf32, #tpu.memory_space<vmem>>
    %dma_start3A_17 = arith.constant 64 : i32
    %dma_start3A_18 = tpu.memref_slice %arg7[%dma_start3A_17] : memref<5120xi32, #tpu.memory_space<vmem>> -> memref<64xi32, #tpu.memory_space<vmem>>
    %dma_start3A_19 = arith.constant 0 : i32
    %dma_start3A_20 = arith.constant 0 : i32
    %dma_start3A_21 = tpu.memref_slice %arg2[%dma_start3A_19, %dma_start3A_20] : memref<10000x128xf32, #tpu.memory_space<hbm>> -> memref<10000x128xf32, #tpu.memory_space<hbm>>
    tpu.enqueue_indirect_dma source(%dma_start3A_21 : memref<10000x128xf32, #tpu.memory_space<hbm>>) target(%dma_start3A_16 : memref<64x128xf32, #tpu.memory_space<vmem>>) offsets(%dma_start3A_18 : memref<64xi32, #tpu.memory_space<vmem>>) semaphore(%arg12 : memref<!tpu.dma_semaphore, #tpu.memory_space<semaphore_mem>>)
    %dma_start3A_22 = arith.constant 2 : i32
    %dma_start3A_23 = arith.constant 0 : i32
    %dma_start3A_24 = arith.constant 0 : i32
    %dma_start3A_25 = tpu.memref_slice %arg9[%dma_start3A_22, %dma_start3A_23, %dma_start3A_24] : memref<4x64x128xf32, #tpu.memory_space<vmem>> -> memref<1x64x128xf32, #tpu.memory_space<vmem>>
    %dma_start3A_26 = tpu.memref_squeeze %dma_start3A_25 : memref<1x64x128xf32, #tpu.memory_space<vmem>> -> memref<64x128xf32, #tpu.memory_space<vmem>>
    %dma_start3A_27 = arith.constant 128 : i32
    %dma_start3A_28 = tpu.memref_slice %arg7[%dma_start3A_27] : memref<5120xi32, #tpu.memory_space<vmem>> -> memref<64xi32, #tpu.memory_space<vmem>>
    %dma_start3A_29 = arith.constant 0 : i32
    %dma_start3A_30 = arith.constant 0 : i32
    %dma_start3A_31 = tpu.memref_slice %arg2[%dma_start3A_29, %dma_start3A_30] : memref<10000x128xf32, #tpu.memory_space<hbm>> -> memref<10000x128xf32, #tpu.memory_space<hbm>>
    tpu.enqueue_indirect_dma source(%dma_start3A_31 : memref<10000x128xf32, #tpu.memory_space<hbm>>) target(%dma_start3A_26 : memref<64x128xf32, #tpu.memory_space<vmem>>) offsets(%dma_start3A_28 : memref<64xi32, #tpu.memory_space<vmem>>) semaphore(%arg13 : memref<!tpu.dma_semaphore, #tpu.memory_space<semaphore_mem>>)
    %dma_start3A_32 = arith.constant 3 : i32
    %dma_start3A_33 = arith.constant 0 : i32
    %dma_start3A_34 = arith.constant 0 : i32
    %dma_start3A_35 = tpu.memref_slice %arg9[%dma_start3A_32, %dma_start3A_33, %dma_start3A_34] : memref<4x64x128xf32, #tpu.memory_space<vmem>> -> memref<1x64x128xf32, #tpu.memory_space<vmem>>
    %dma_start3A_36 = tpu.memref_squeeze %dma_start3A_35 : memref<1x64x128xf32, #tpu.memory_space<vmem>> -> memref<64x128xf32, #tpu.memory_space<vmem>>
    %dma_start3A_37 = arith.constant 192 : i32
    %dma_start3A_38 = tpu.memref_slice %arg7[%dma_start3A_37] : memref<5120xi32, #tpu.memory_space<vmem>> -> memref<64xi32, #tpu.memory_space<vmem>>
    %dma_start3A_39 = arith.constant 0 : i32
    %dma_start3A_40 = arith.constant 0 : i32
    %dma_start3A_41 = tpu.memref_slice %arg2[%dma_start3A_39, %dma_start3A_40] : memref<10000x128xf32, #tpu.memory_space<hbm>> -> memref<10000x128xf32, #tpu.memory_space<hbm>>
    tpu.enqueue_indirect_dma source(%dma_start3A_41 : memref<10000x128xf32, #tpu.memory_space<hbm>>) target(%dma_start3A_36 : memref<64x128xf32, #tpu.memory_space<vmem>>) offsets(%dma_start3A_38 : memref<64xi32, #tpu.memory_space<vmem>>) semaphore(%arg14 : memref<!tpu.dma_semaphore, #tpu.memory_space<semaphore_mem>>)
    %scan3A = arith.constant 0 : i32
    %scan3A_42 = arith.constant 0 : i32
    %scan3A_43 = arith.constant 20 : i32
    %scan3A_44 = arith.addi %scan3A_42, %scan3A_43 : i32
    %scan3A_45 = arith.constant 1 : i32
    scf.for %scan3A_193 = %scan3A_42 to %scan3A_44 step %scan3A_45  : i32 {
      %mul3A_194 = arith.constant 4 : i32
      %mul3A_195 = arith.muli %scan3A_193, %mul3A_194 : i32
      %add3A_196 = arith.constant 0 : i32
      %add3A_197 = arith.addi %mul3A_195, %add3A_196 : i32
      %dma_wait3A_198 = arith.constant 0 : i32
      %dma_wait3A_199 = arith.constant 0 : i32
      %dma_wait3A_200 = arith.constant 0 : i32
      %dma_wait3A_201 = tpu.memref_slice %arg9[%dma_wait3A_198, %dma_wait3A_199, %dma_wait3A_200] : memref<4x64x128xf32, #tpu.memory_space<vmem>> -> memref<1x64x128xf32, #tpu.memory_space<vmem>>
      %dma_wait3A_202 = tpu.memref_squeeze %dma_wait3A_201 : memref<1x64x128xf32, #tpu.memory_space<vmem>> -> memref<64x128xf32, #tpu.memory_space<vmem>>
      %dma_wait3A_203 = arith.constant 0 : i32
      %dma_wait3A_204 = tpu.memref_slice %arg7[%dma_wait3A_203] : memref<5120xi32, #tpu.memory_space<vmem>> -> memref<64xi32, #tpu.memory_space<vmem>>
      %dma_wait3A_205 = arith.constant 0 : i32
      %dma_wait3A_206 = arith.constant 0 : i32
      %dma_wait3A_207 = tpu.memref_slice %arg2[%dma_wait3A_205, %dma_wait3A_206] : memref<10000x128xf32, #tpu.memory_space<hbm>> -> memref<10000x128xf32, #tpu.memory_space<hbm>>
      tpu.wait_indirect_dma semaphore(%arg11 : memref<!tpu.dma_semaphore, #tpu.memory_space<semaphore_mem>>) src(%dma_wait3A_207 : memref<10000x128xf32, #tpu.memory_space<hbm>>) dst(%dma_wait3A_202 : memref<64x128xf32, #tpu.memory_space<vmem>>)
      %dma_start3A_208 = arith.constant 0 : i32
      %dma_start3A_209 = arith.constant 0 : i32
      %dma_start3A_210 = arith.constant 0 : i32
      %dma_start3A_211 = tpu.memref_slice %arg9[%dma_start3A_208, %dma_start3A_209, %dma_start3A_210] : memref<4x64x128xf32, #tpu.memory_space<vmem>> -> memref<1x64x128xf32, #tpu.memory_space<vmem>>
      %dma_start3A_212 = tpu.memref_squeeze %dma_start3A_211 : memref<1x64x128xf32, #tpu.memory_space<vmem>> -> memref<64x128xf32, #tpu.memory_space<vmem>>
      %dma_start3A_213 = arith.constant 0 : i32
      %dma_start3A_214 = tpu.memref_slice %arg8[%add3A_197, %dma_start3A_213] : memref<80x64xi32, #tpu.memory_space<vmem>> -> memref<1x64xi32, #tpu.memory_space<vmem>>
      %dma_start3A_215 = tpu.memref_squeeze %dma_start3A_214 : memref<1x64xi32, #tpu.memory_space<vmem>> -> memref<64xi32, #tpu.memory_space<vmem>>
      %dma_start3A_216 = arith.constant 0 : i32
      %dma_start3A_217 = arith.constant 0 : i32
      %dma_start3A_218 = tpu.memref_slice %arg10[%dma_start3A_216, %dma_start3A_217] : memref<10112x128xf32, #tpu.memory_space<vmem_shared>> -> memref<10112x128xf32, #tpu.memory_space<vmem_shared>>
      tpu.enqueue_indirect_dma source(%dma_start3A_212 : memref<64x128xf32, #tpu.memory_space<vmem>>) target(%dma_start3A_218 : memref<10112x128xf32, #tpu.memory_space<vmem_shared>>) offsets(%dma_start3A_215 : memref<64xi32, #tpu.memory_space<vmem>>) semaphore(%arg15 : memref<!tpu.dma_semaphore, #tpu.memory_space<semaphore_mem>>) {add = true}
      %add3A_219 = arith.constant 4 : i32
      %add3A_220 = arith.addi %add3A_197, %add3A_219 : i32
      %lt3A = arith.constant 80 : i32
      %lt3A_221 = arith.cmpi slt, %add3A_220, %lt3A : i32
      %convert_element_type3A = arith.extui %lt3A_221 : i1 to i32
      %cond3A = arith.constant 0 : i32
      %cond3A_222 = arith.cmpi ne, %convert_element_type3A, %cond3A : i32
      scf.if %cond3A_222 {
        %dma_wait3A_319 = arith.constant 0 : i32
        %dma_wait3A_320 = arith.constant 0 : i32
        %dma_wait3A_321 = arith.constant 0 : i32
        %dma_wait3A_322 = arith.constant 0 : i32
        %dma_wait3A_323 = tpu.memref_slice %arg9[%dma_wait3A_319, %dma_wait3A_321, %dma_wait3A_322] : memref<4x64x128xf32, #tpu.memory_space<vmem>> -> memref<1x64x128xf32, #tpu.memory_space<vmem>>
        %dma_wait3A_324 = tpu.memref_squeeze %dma_wait3A_323 : memref<1x64x128xf32, #tpu.memory_space<vmem>> -> memref<64x128xf32, #tpu.memory_space<vmem>>
        %dma_wait3A_325 = arith.constant 0 : i32
        %dma_wait3A_326 = tpu.memref_slice %arg8[%dma_wait3A_320, %dma_wait3A_325] : memref<80x64xi32, #tpu.memory_space<vmem>> -> memref<1x64xi32, #tpu.memory_space<vmem>>
        %dma_wait3A_327 = tpu.memref_squeeze %dma_wait3A_326 : memref<1x64xi32, #tpu.memory_space<vmem>> -> memref<64xi32, #tpu.memory_space<vmem>>
        %dma_wait3A_328 = arith.constant 0 : i32
        %dma_wait3A_329 = arith.constant 0 : i32
        %dma_wait3A_330 = tpu.memref_slice %arg10[%dma_wait3A_328, %dma_wait3A_329] : memref<10112x128xf32, #tpu.memory_space<vmem_shared>> -> memref<10112x128xf32, #tpu.memory_space<vmem_shared>>
        tpu.wait_indirect_dma semaphore(%arg15 : memref<!tpu.dma_semaphore, #tpu.memory_space<semaphore_mem>>) src(%dma_wait3A_324 : memref<64x128xf32, #tpu.memory_space<vmem>>) dst(%dma_wait3A_330 : memref<10112x128xf32, #tpu.memory_space<vmem_shared>>)
        %add3A_331 = arith.constant 4 : i32
        %add3A_332 = arith.addi %add3A_197, %add3A_331 : i32
        %mul3A_333 = arith.constant 64 : i32
        %mul3A_334 = arith.muli %add3A_332, %mul3A_333 : i32
        %dma_start3A_335 = arith.constant 0 : i32
        %dma_start3A_336 = arith.constant 0 : i32
        %dma_start3A_337 = arith.constant 0 : i32
        %dma_start3A_338 = tpu.memref_slice %arg9[%dma_start3A_335, %dma_start3A_336, %dma_start3A_337] : memref<4x64x128xf32, #tpu.memory_space<vmem>> -> memref<1x64x128xf32, #tpu.memory_space<vmem>>
        %dma_start3A_339 = tpu.memref_squeeze %dma_start3A_338 : memref<1x64x128xf32, #tpu.memory_space<vmem>> -> memref<64x128xf32, #tpu.memory_space<vmem>>
        %dma_start3A_340 = tpu.memref_slice %arg7[%mul3A_334] : memref<5120xi32, #tpu.memory_space<vmem>> -> memref<64xi32, #tpu.memory_space<vmem>>
        %dma_start3A_341 = arith.constant 0 : i32
        %dma_start3A_342 = arith.constant 0 : i32
        %dma_start3A_343 = tpu.memref_slice %arg2[%dma_start3A_341, %dma_start3A_342] : memref<10000x128xf32, #tpu.memory_space<hbm>> -> memref<10000x128xf32, #tpu.memory_space<hbm>>
        tpu.enqueue_indirect_dma source(%dma_start3A_343 : memref<10000x128xf32, #tpu.memory_space<hbm>>) target(%dma_start3A_339 : memref<64x128xf32, #tpu.memory_space<vmem>>) offsets(%dma_start3A_340 : memref<64xi32, #tpu.memory_space<vmem>>) semaphore(%arg11 : memref<!tpu.dma_semaphore, #tpu.memory_space<semaphore_mem>>)
      } else {
      }
      %mul3A_223 = arith.constant 4 : i32
      %mul3A_224 = arith.muli %scan3A_193, %mul3A_223 : i32
      %add3A_225 = arith.constant 1 : i32
      %add3A_226 = arith.addi %mul3A_224, %add3A_225 : i32
      %dma_wait3A_227 = arith.constant 1 : i32
      %dma_wait3A_228 = arith.constant 0 : i32
      %dma_wait3A_229 = arith.constant 0 : i32
      %dma_wait3A_230 = tpu.memref_slice %arg9[%dma_wait3A_227, %dma_wait3A_228, %dma_wait3A_229] : memref<4x64x128xf32, #tpu.memory_space<vmem>> -> memref<1x64x128xf32, #tpu.memory_space<vmem>>
      %dma_wait3A_231 = tpu.memref_squeeze %dma_wait3A_230 : memref<1x64x128xf32, #tpu.memory_space<vmem>> -> memref<64x128xf32, #tpu.memory_space<vmem>>
      %dma_wait3A_232 = arith.constant 0 : i32
      %dma_wait3A_233 = tpu.memref_slice %arg7[%dma_wait3A_232] : memref<5120xi32, #tpu.memory_space<vmem>> -> memref<64xi32, #tpu.memory_space<vmem>>
      %dma_wait3A_234 = arith.constant 0 : i32
      %dma_wait3A_235 = arith.constant 0 : i32
      %dma_wait3A_236 = tpu.memref_slice %arg2[%dma_wait3A_234, %dma_wait3A_235] : memref<10000x128xf32, #tpu.memory_space<hbm>> -> memref<10000x128xf32, #tpu.memory_space<hbm>>
      tpu.wait_indirect_dma semaphore(%arg12 : memref<!tpu.dma_semaphore, #tpu.memory_space<semaphore_mem>>) src(%dma_wait3A_236 : memref<10000x128xf32, #tpu.memory_space<hbm>>) dst(%dma_wait3A_231 : memref<64x128xf32, #tpu.memory_space<vmem>>)
      %dma_start3A_237 = arith.constant 1 : i32
      %dma_start3A_238 = arith.constant 0 : i32
      %dma_start3A_239 = arith.constant 0 : i32
      %dma_start3A_240 = tpu.memref_slice %arg9[%dma_start3A_237, %dma_start3A_238, %dma_start3A_239] : memref<4x64x128xf32, #tpu.memory_space<vmem>> -> memref<1x64x128xf32, #tpu.memory_space<vmem>>
      %dma_start3A_241 = tpu.memref_squeeze %dma_start3A_240 : memref<1x64x128xf32, #tpu.memory_space<vmem>> -> memref<64x128xf32, #tpu.memory_space<vmem>>
      %dma_start3A_242 = arith.constant 0 : i32
      %dma_start3A_243 = tpu.memref_slice %arg8[%add3A_226, %dma_start3A_242] : memref<80x64xi32, #tpu.memory_space<vmem>> -> memref<1x64xi32, #tpu.memory_space<vmem>>
      %dma_start3A_244 = tpu.memref_squeeze %dma_start3A_243 : memref<1x64xi32, #tpu.memory_space<vmem>> -> memref<64xi32, #tpu.memory_space<vmem>>
      %dma_start3A_245 = arith.constant 0 : i32
      %dma_start3A_246 = arith.constant 0 : i32
      %dma_start3A_247 = tpu.memref_slice %arg10[%dma_start3A_245, %dma_start3A_246] : memref<10112x128xf32, #tpu.memory_space<vmem_shared>> -> memref<10112x128xf32, #tpu.memory_space<vmem_shared>>
      tpu.enqueue_indirect_dma source(%dma_start3A_241 : memref<64x128xf32, #tpu.memory_space<vmem>>) target(%dma_start3A_247 : memref<10112x128xf32, #tpu.memory_space<vmem_shared>>) offsets(%dma_start3A_244 : memref<64xi32, #tpu.memory_space<vmem>>) semaphore(%arg16 : memref<!tpu.dma_semaphore, #tpu.memory_space<semaphore_mem>>) {add = true}
      %add3A_248 = arith.constant 4 : i32
      %add3A_249 = arith.addi %add3A_226, %add3A_248 : i32
      %lt3A_250 = arith.constant 80 : i32
      %lt3A_251 = arith.cmpi slt, %add3A_249, %lt3A_250 : i32
      %convert_element_type3A_252 = arith.extui %lt3A_251 : i1 to i32
      %cond3A_253 = arith.constant 0 : i32
      %cond3A_254 = arith.cmpi ne, %convert_element_type3A_252, %cond3A_253 : i32
      scf.if %cond3A_254 {
        %dma_wait3A_319 = arith.constant 1 : i32
        %dma_wait3A_320 = arith.constant 0 : i32
        %dma_wait3A_321 = arith.constant 0 : i32
        %dma_wait3A_322 = arith.constant 0 : i32
        %dma_wait3A_323 = tpu.memref_slice %arg9[%dma_wait3A_319, %dma_wait3A_321, %dma_wait3A_322] : memref<4x64x128xf32, #tpu.memory_space<vmem>> -> memref<1x64x128xf32, #tpu.memory_space<vmem>>
        %dma_wait3A_324 = tpu.memref_squeeze %dma_wait3A_323 : memref<1x64x128xf32, #tpu.memory_space<vmem>> -> memref<64x128xf32, #tpu.memory_space<vmem>>
        %dma_wait3A_325 = arith.constant 0 : i32
        %dma_wait3A_326 = tpu.memref_slice %arg8[%dma_wait3A_320, %dma_wait3A_325] : memref<80x64xi32, #tpu.memory_space<vmem>> -> memref<1x64xi32, #tpu.memory_space<vmem>>
        %dma_wait3A_327 = tpu.memref_squeeze %dma_wait3A_326 : memref<1x64xi32, #tpu.memory_space<vmem>> -> memref<64xi32, #tpu.memory_space<vmem>>
        %dma_wait3A_328 = arith.constant 0 : i32
        %dma_wait3A_329 = arith.constant 0 : i32
        %dma_wait3A_330 = tpu.memref_slice %arg10[%dma_wait3A_328, %dma_wait3A_329] : memref<10112x128xf32, #tpu.memory_space<vmem_shared>> -> memref<10112x128xf32, #tpu.memory_space<vmem_shared>>
        tpu.wait_indirect_dma semaphore(%arg16 : memref<!tpu.dma_semaphore, #tpu.memory_space<semaphore_mem>>) src(%dma_wait3A_324 : memref<64x128xf32, #tpu.memory_space<vmem>>) dst(%dma_wait3A_330 : memref<10112x128xf32, #tpu.memory_space<vmem_shared>>)
        %add3A_331 = arith.constant 4 : i32
        %add3A_332 = arith.addi %add3A_226, %add3A_331 : i32
        %mul3A_333 = arith.constant 64 : i32
        %mul3A_334 = arith.muli %add3A_332, %mul3A_333 : i32
        %dma_start3A_335 = arith.constant 1 : i32
        %dma_start3A_336 = arith.constant 0 : i32
        %dma_start3A_337 = arith.constant 0 : i32
        %dma_start3A_338 = tpu.memref_slice %arg9[%dma_start3A_335, %dma_start3A_336, %dma_start3A_337] : memref<4x64x128xf32, #tpu.memory_space<vmem>> -> memref<1x64x128xf32, #tpu.memory_space<vmem>>
        %dma_start3A_339 = tpu.memref_squeeze %dma_start3A_338 : memref<1x64x128xf32, #tpu.memory_space<vmem>> -> memref<64x128xf32, #tpu.memory_space<vmem>>
        %dma_start3A_340 = tpu.memref_slice %arg7[%mul3A_334] : memref<5120xi32, #tpu.memory_space<vmem>> -> memref<64xi32, #tpu.memory_space<vmem>>
        %dma_start3A_341 = arith.constant 0 : i32
        %dma_start3A_342 = arith.constant 0 : i32
        %dma_start3A_343 = tpu.memref_slice %arg2[%dma_start3A_341, %dma_start3A_342] : memref<10000x128xf32, #tpu.memory_space<hbm>> -> memref<10000x128xf32, #tpu.memory_space<hbm>>
        tpu.enqueue_indirect_dma source(%dma_start3A_343 : memref<10000x128xf32, #tpu.memory_space<hbm>>) target(%dma_start3A_339 : memref<64x128xf32, #tpu.memory_space<vmem>>) offsets(%dma_start3A_340 : memref<64xi32, #tpu.memory_space<vmem>>) semaphore(%arg12 : memref<!tpu.dma_semaphore, #tpu.memory_space<semaphore_mem>>)
      } else {
      }
      %mul3A_255 = arith.constant 4 : i32
      %mul3A_256 = arith.muli %scan3A_193, %mul3A_255 : i32
      %add3A_257 = arith.constant 2 : i32
      %add3A_258 = arith.addi %mul3A_256, %add3A_257 : i32
      %dma_wait3A_259 = arith.constant 2 : i32
      %dma_wait3A_260 = arith.constant 0 : i32
      %dma_wait3A_261 = arith.constant 0 : i32
      %dma_wait3A_262 = tpu.memref_slice %arg9[%dma_wait3A_259, %dma_wait3A_260, %dma_wait3A_261] : memref<4x64x128xf32, #tpu.memory_space<vmem>> -> memref<1x64x128xf32, #tpu.memory_space<vmem>>
      %dma_wait3A_263 = tpu.memref_squeeze %dma_wait3A_262 : memref<1x64x128xf32, #tpu.memory_space<vmem>> -> memref<64x128xf32, #tpu.memory_space<vmem>>
      %dma_wait3A_264 = arith.constant 0 : i32
      %dma_wait3A_265 = tpu.memref_slice %arg7[%dma_wait3A_264] : memref<5120xi32, #tpu.memory_space<vmem>> -> memref<64xi32, #tpu.memory_space<vmem>>
      %dma_wait3A_266 = arith.constant 0 : i32
      %dma_wait3A_267 = arith.constant 0 : i32
      %dma_wait3A_268 = tpu.memref_slice %arg2[%dma_wait3A_266, %dma_wait3A_267] : memref<10000x128xf32, #tpu.memory_space<hbm>> -> memref<10000x128xf32, #tpu.memory_space<hbm>>
      tpu.wait_indirect_dma semaphore(%arg13 : memref<!tpu.dma_semaphore, #tpu.memory_space<semaphore_mem>>) src(%dma_wait3A_268 : memref<10000x128xf32, #tpu.memory_space<hbm>>) dst(%dma_wait3A_263 : memref<64x128xf32, #tpu.memory_space<vmem>>)
      %dma_start3A_269 = arith.constant 2 : i32
      %dma_start3A_270 = arith.constant 0 : i32
      %dma_start3A_271 = arith.constant 0 : i32
      %dma_start3A_272 = tpu.memref_slice %arg9[%dma_start3A_269, %dma_start3A_270, %dma_start3A_271] : memref<4x64x128xf32, #tpu.memory_space<vmem>> -> memref<1x64x128xf32, #tpu.memory_space<vmem>>
      %dma_start3A_273 = tpu.memref_squeeze %dma_start3A_272 : memref<1x64x128xf32, #tpu.memory_space<vmem>> -> memref<64x128xf32, #tpu.memory_space<vmem>>
      %dma_start3A_274 = arith.constant 0 : i32
      %dma_start3A_275 = tpu.memref_slice %arg8[%add3A_258, %dma_start3A_274] : memref<80x64xi32, #tpu.memory_space<vmem>> -> memref<1x64xi32, #tpu.memory_space<vmem>>
      %dma_start3A_276 = tpu.memref_squeeze %dma_start3A_275 : memref<1x64xi32, #tpu.memory_space<vmem>> -> memref<64xi32, #tpu.memory_space<vmem>>
      %dma_start3A_277 = arith.constant 0 : i32
      %dma_start3A_278 = arith.constant 0 : i32
      %dma_start3A_279 = tpu.memref_slice %arg10[%dma_start3A_277, %dma_start3A_278] : memref<10112x128xf32, #tpu.memory_space<vmem_shared>> -> memref<10112x128xf32, #tpu.memory_space<vmem_shared>>
      tpu.enqueue_indirect_dma source(%dma_start3A_273 : memref<64x128xf32, #tpu.memory_space<vmem>>) target(%dma_start3A_279 : memref<10112x128xf32, #tpu.memory_space<vmem_shared>>) offsets(%dma_start3A_276 : memref<64xi32, #tpu.memory_space<vmem>>) semaphore(%arg17 : memref<!tpu.dma_semaphore, #tpu.memory_space<semaphore_mem>>) {add = true}
      %add3A_280 = arith.constant 4 : i32
      %add3A_281 = arith.addi %add3A_258, %add3A_280 : i32
      %lt3A_282 = arith.constant 80 : i32
      %lt3A_283 = arith.cmpi slt, %add3A_281, %lt3A_282 : i32
      %convert_element_type3A_284 = arith.extui %lt3A_283 : i1 to i32
      %cond3A_285 = arith.constant 0 : i32
      %cond3A_286 = arith.cmpi ne, %convert_element_type3A_284, %cond3A_285 : i32
      scf.if %cond3A_286 {
        %dma_wait3A_319 = arith.constant 2 : i32
        %dma_wait3A_320 = arith.constant 0 : i32
        %dma_wait3A_321 = arith.constant 0 : i32
        %dma_wait3A_322 = arith.constant 0 : i32
        %dma_wait3A_323 = tpu.memref_slice %arg9[%dma_wait3A_319, %dma_wait3A_321, %dma_wait3A_322] : memref<4x64x128xf32, #tpu.memory_space<vmem>> -> memref<1x64x128xf32, #tpu.memory_space<vmem>>
        %dma_wait3A_324 = tpu.memref_squeeze %dma_wait3A_323 : memref<1x64x128xf32, #tpu.memory_space<vmem>> -> memref<64x128xf32, #tpu.memory_space<vmem>>
        %dma_wait3A_325 = arith.constant 0 : i32
        %dma_wait3A_326 = tpu.memref_slice %arg8[%dma_wait3A_320, %dma_wait3A_325] : memref<80x64xi32, #tpu.memory_space<vmem>> -> memref<1x64xi32, #tpu.memory_space<vmem>>
        %dma_wait3A_327 = tpu.memref_squeeze %dma_wait3A_326 : memref<1x64xi32, #tpu.memory_space<vmem>> -> memref<64xi32, #tpu.memory_space<vmem>>
        %dma_wait3A_328 = arith.constant 0 : i32
        %dma_wait3A_329 = arith.constant 0 : i32
        %dma_wait3A_330 = tpu.memref_slice %arg10[%dma_wait3A_328, %dma_wait3A_329] : memref<10112x128xf32, #tpu.memory_space<vmem_shared>> -> memref<10112x128xf32, #tpu.memory_space<vmem_shared>>
        tpu.wait_indirect_dma semaphore(%arg17 : memref<!tpu.dma_semaphore, #tpu.memory_space<semaphore_mem>>) src(%dma_wait3A_324 : memref<64x128xf32, #tpu.memory_space<vmem>>) dst(%dma_wait3A_330 : memref<10112x128xf32, #tpu.memory_space<vmem_shared>>)
        %add3A_331 = arith.constant 4 : i32
        %add3A_332 = arith.addi %add3A_258, %add3A_331 : i32
        %mul3A_333 = arith.constant 64 : i32
        %mul3A_334 = arith.muli %add3A_332, %mul3A_333 : i32
        %dma_start3A_335 = arith.constant 2 : i32
        %dma_start3A_336 = arith.constant 0 : i32
        %dma_start3A_337 = arith.constant 0 : i32
        %dma_start3A_338 = tpu.memref_slice %arg9[%dma_start3A_335, %dma_start3A_336, %dma_start3A_337] : memref<4x64x128xf32, #tpu.memory_space<vmem>> -> memref<1x64x128xf32, #tpu.memory_space<vmem>>
        %dma_start3A_339 = tpu.memref_squeeze %dma_start3A_338 : memref<1x64x128xf32, #tpu.memory_space<vmem>> -> memref<64x128xf32, #tpu.memory_space<vmem>>
        %dma_start3A_340 = tpu.memref_slice %arg7[%mul3A_334] : memref<5120xi32, #tpu.memory_space<vmem>> -> memref<64xi32, #tpu.memory_space<vmem>>
        %dma_start3A_341 = arith.constant 0 : i32
        %dma_start3A_342 = arith.constant 0 : i32
        %dma_start3A_343 = tpu.memref_slice %arg2[%dma_start3A_341, %dma_start3A_342] : memref<10000x128xf32, #tpu.memory_space<hbm>> -> memref<10000x128xf32, #tpu.memory_space<hbm>>
        tpu.enqueue_indirect_dma source(%dma_start3A_343 : memref<10000x128xf32, #tpu.memory_space<hbm>>) target(%dma_start3A_339 : memref<64x128xf32, #tpu.memory_space<vmem>>) offsets(%dma_start3A_340 : memref<64xi32, #tpu.memory_space<vmem>>) semaphore(%arg13 : memref<!tpu.dma_semaphore, #tpu.memory_space<semaphore_mem>>)
      } else {
      }
      %mul3A_287 = arith.constant 4 : i32
      %mul3A_288 = arith.muli %scan3A_193, %mul3A_287 : i32
      %add3A_289 = arith.constant 3 : i32
      %add3A_290 = arith.addi %mul3A_288, %add3A_289 : i32
      %dma_wait3A_291 = arith.constant 3 : i32
      %dma_wait3A_292 = arith.constant 0 : i32
      %dma_wait3A_293 = arith.constant 0 : i32
      %dma_wait3A_294 = tpu.memref_slice %arg9[%dma_wait3A_291, %dma_wait3A_292, %dma_wait3A_293] : memref<4x64x128xf32, #tpu.memory_space<vmem>> -> memref<1x64x128xf32, #tpu.memory_space<vmem>>
      %dma_wait3A_295 = tpu.memref_squeeze %dma_wait3A_294 : memref<1x64x128xf32, #tpu.memory_space<vmem>> -> memref<64x128xf32, #tpu.memory_space<vmem>>
      %dma_wait3A_296 = arith.constant 0 : i32
      %dma_wait3A_297 = tpu.memref_slice %arg7[%dma_wait3A_296] : memref<5120xi32, #tpu.memory_space<vmem>> -> memref<64xi32, #tpu.memory_space<vmem>>
      %dma_wait3A_298 = arith.constant 0 : i32
      %dma_wait3A_299 = arith.constant 0 : i32
      %dma_wait3A_300 = tpu.memref_slice %arg2[%dma_wait3A_298, %dma_wait3A_299] : memref<10000x128xf32, #tpu.memory_space<hbm>> -> memref<10000x128xf32, #tpu.memory_space<hbm>>
      tpu.wait_indirect_dma semaphore(%arg14 : memref<!tpu.dma_semaphore, #tpu.memory_space<semaphore_mem>>) src(%dma_wait3A_300 : memref<10000x128xf32, #tpu.memory_space<hbm>>) dst(%dma_wait3A_295 : memref<64x128xf32, #tpu.memory_space<vmem>>)
      %dma_start3A_301 = arith.constant 3 : i32
      %dma_start3A_302 = arith.constant 0 : i32
      %dma_start3A_303 = arith.constant 0 : i32
      %dma_start3A_304 = tpu.memref_slice %arg9[%dma_start3A_301, %dma_start3A_302, %dma_start3A_303] : memref<4x64x128xf32, #tpu.memory_space<vmem>> -> memref<1x64x128xf32, #tpu.memory_space<vmem>>
      %dma_start3A_305 = tpu.memref_squeeze %dma_start3A_304 : memref<1x64x128xf32, #tpu.memory_space<vmem>> -> memref<64x128xf32, #tpu.memory_space<vmem>>
      %dma_start3A_306 = arith.constant 0 : i32
      %dma_start3A_307 = tpu.memref_slice %arg8[%add3A_290, %dma_start3A_306] : memref<80x64xi32, #tpu.memory_space<vmem>> -> memref<1x64xi32, #tpu.memory_space<vmem>>
      %dma_start3A_308 = tpu.memref_squeeze %dma_start3A_307 : memref<1x64xi32, #tpu.memory_space<vmem>> -> memref<64xi32, #tpu.memory_space<vmem>>
      %dma_start3A_309 = arith.constant 0 : i32
      %dma_start3A_310 = arith.constant 0 : i32
      %dma_start3A_311 = tpu.memref_slice %arg10[%dma_start3A_309, %dma_start3A_310] : memref<10112x128xf32, #tpu.memory_space<vmem_shared>> -> memref<10112x128xf32, #tpu.memory_space<vmem_shared>>
      tpu.enqueue_indirect_dma source(%dma_start3A_305 : memref<64x128xf32, #tpu.memory_space<vmem>>) target(%dma_start3A_311 : memref<10112x128xf32, #tpu.memory_space<vmem_shared>>) offsets(%dma_start3A_308 : memref<64xi32, #tpu.memory_space<vmem>>) semaphore(%arg18 : memref<!tpu.dma_semaphore, #tpu.memory_space<semaphore_mem>>) {add = true}
      %add3A_312 = arith.constant 4 : i32
      %add3A_313 = arith.addi %add3A_290, %add3A_312 : i32
      %lt3A_314 = arith.constant 80 : i32
      %lt3A_315 = arith.cmpi slt, %add3A_313, %lt3A_314 : i32
      %convert_element_type3A_316 = arith.extui %lt3A_315 : i1 to i32
      %cond3A_317 = arith.constant 0 : i32
      %cond3A_318 = arith.cmpi ne, %convert_element_type3A_316, %cond3A_317 : i32
      scf.if %cond3A_318 {
        %dma_wait3A_319 = arith.constant 3 : i32
        %dma_wait3A_320 = arith.constant 0 : i32
        %dma_wait3A_321 = arith.constant 0 : i32
        %dma_wait3A_322 = arith.constant 0 : i32
        %dma_wait3A_323 = tpu.memref_slice %arg9[%dma_wait3A_319, %dma_wait3A_321, %dma_wait3A_322] : memref<4x64x128xf32, #tpu.memory_space<vmem>> -> memref<1x64x128xf32, #tpu.memory_space<vmem>>
        %dma_wait3A_324 = tpu.memref_squeeze %dma_wait3A_323 : memref<1x64x128xf32, #tpu.memory_space<vmem>> -> memref<64x128xf32, #tpu.memory_space<vmem>>
        %dma_wait3A_325 = arith.constant 0 : i32
        %dma_wait3A_326 = tpu.memref_slice %arg8[%dma_wait3A_320, %dma_wait3A_325] : memref<80x64xi32, #tpu.memory_space<vmem>> -> memref<1x64xi32, #tpu.memory_space<vmem>>
        %dma_wait3A_327 = tpu.memref_squeeze %dma_wait3A_326 : memref<1x64xi32, #tpu.memory_space<vmem>> -> memref<64xi32, #tpu.memory_space<vmem>>
        %dma_wait3A_328 = arith.constant 0 : i32
        %dma_wait3A_329 = arith.constant 0 : i32
        %dma_wait3A_330 = tpu.memref_slice %arg10[%dma_wait3A_328, %dma_wait3A_329] : memref<10112x128xf32, #tpu.memory_space<vmem_shared>> -> memref<10112x128xf32, #tpu.memory_space<vmem_shared>>
        tpu.wait_indirect_dma semaphore(%arg18 : memref<!tpu.dma_semaphore, #tpu.memory_space<semaphore_mem>>) src(%dma_wait3A_324 : memref<64x128xf32, #tpu.memory_space<vmem>>) dst(%dma_wait3A_330 : memref<10112x128xf32, #tpu.memory_space<vmem_shared>>)
        %add3A_331 = arith.constant 4 : i32
        %add3A_332 = arith.addi %add3A_290, %add3A_331 : i32
        %mul3A_333 = arith.constant 64 : i32
        %mul3A_334 = arith.muli %add3A_332, %mul3A_333 : i32
        %dma_start3A_335 = arith.constant 3 : i32
        %dma_start3A_336 = arith.constant 0 : i32
        %dma_start3A_337 = arith.constant 0 : i32
        %dma_start3A_338 = tpu.memref_slice %arg9[%dma_start3A_335, %dma_start3A_336, %dma_start3A_337] : memref<4x64x128xf32, #tpu.memory_space<vmem>> -> memref<1x64x128xf32, #tpu.memory_space<vmem>>
        %dma_start3A_339 = tpu.memref_squeeze %dma_start3A_338 : memref<1x64x128xf32, #tpu.memory_space<vmem>> -> memref<64x128xf32, #tpu.memory_space<vmem>>
        %dma_start3A_340 = tpu.memref_slice %arg7[%mul3A_334] : memref<5120xi32, #tpu.memory_space<vmem>> -> memref<64xi32, #tpu.memory_space<vmem>>
        %dma_start3A_341 = arith.constant 0 : i32
        %dma_start3A_342 = arith.constant 0 : i32
        %dma_start3A_343 = tpu.memref_slice %arg2[%dma_start3A_341, %dma_start3A_342] : memref<10000x128xf32, #tpu.memory_space<hbm>> -> memref<10000x128xf32, #tpu.memory_space<hbm>>
        tpu.enqueue_indirect_dma source(%dma_start3A_343 : memref<10000x128xf32, #tpu.memory_space<hbm>>) target(%dma_start3A_339 : memref<64x128xf32, #tpu.memory_space<vmem>>) offsets(%dma_start3A_340 : memref<64xi32, #tpu.memory_space<vmem>>) semaphore(%arg14 : memref<!tpu.dma_semaphore, #tpu.memory_space<semaphore_mem>>)
      } else {
      }
    }
    %scan3A_46 = arith.constant 20 : i32
    %dma_wait3A = arith.constant 0 : i32
    %dma_wait3A_47 = arith.constant 0 : i32
    %dma_wait3A_48 = arith.constant 0 : i32
    %dma_wait3A_49 = arith.constant 0 : i32
    %dma_wait3A_50 = tpu.memref_slice %arg9[%dma_wait3A, %dma_wait3A_48, %dma_wait3A_49] : memref<4x64x128xf32, #tpu.memory_space<vmem>> -> memref<1x64x128xf32, #tpu.memory_space<vmem>>
    %dma_wait3A_51 = tpu.memref_squeeze %dma_wait3A_50 : memref<1x64x128xf32, #tpu.memory_space<vmem>> -> memref<64x128xf32, #tpu.memory_space<vmem>>
    %dma_wait3A_52 = arith.constant 0 : i32
    %dma_wait3A_53 = tpu.memref_slice %arg8[%dma_wait3A_47, %dma_wait3A_52] : memref<80x64xi32, #tpu.memory_space<vmem>> -> memref<1x64xi32, #tpu.memory_space<vmem>>
    %dma_wait3A_54 = tpu.memref_squeeze %dma_wait3A_53 : memref<1x64xi32, #tpu.memory_space<vmem>> -> memref<64xi32, #tpu.memory_space<vmem>>
    %dma_wait3A_55 = arith.constant 0 : i32
    %dma_wait3A_56 = arith.constant 0 : i32
    %dma_wait3A_57 = tpu.memref_slice %arg10[%dma_wait3A_55, %dma_wait3A_56] : memref<10112x128xf32, #tpu.memory_space<vmem_shared>> -> memref<10112x128xf32, #tpu.memory_space<vmem_shared>>
    tpu.wait_indirect_dma semaphore(%arg15 : memref<!tpu.dma_semaphore, #tpu.memory_space<semaphore_mem>>) src(%dma_wait3A_51 : memref<64x128xf32, #tpu.memory_space<vmem>>) dst(%dma_wait3A_57 : memref<10112x128xf32, #tpu.memory_space<vmem_shared>>)
    %dma_wait3A_58 = arith.constant 1 : i32
    %dma_wait3A_59 = arith.constant 0 : i32
    %dma_wait3A_60 = arith.constant 0 : i32
    %dma_wait3A_61 = arith.constant 0 : i32
    %dma_wait3A_62 = tpu.memref_slice %arg9[%dma_wait3A_58, %dma_wait3A_60, %dma_wait3A_61] : memref<4x64x128xf32, #tpu.memory_space<vmem>> -> memref<1x64x128xf32, #tpu.memory_space<vmem>>
    %dma_wait3A_63 = tpu.memref_squeeze %dma_wait3A_62 : memref<1x64x128xf32, #tpu.memory_space<vmem>> -> memref<64x128xf32, #tpu.memory_space<vmem>>
    %dma_wait3A_64 = arith.constant 0 : i32
    %dma_wait3A_65 = tpu.memref_slice %arg8[%dma_wait3A_59, %dma_wait3A_64] : memref<80x64xi32, #tpu.memory_space<vmem>> -> memref<1x64xi32, #tpu.memory_space<vmem>>
    %dma_wait3A_66 = tpu.memref_squeeze %dma_wait3A_65 : memref<1x64xi32, #tpu.memory_space<vmem>> -> memref<64xi32, #tpu.memory_space<vmem>>
    %dma_wait3A_67 = arith.constant 0 : i32
    %dma_wait3A_68 = arith.constant 0 : i32
    %dma_wait3A_69 = tpu.memref_slice %arg10[%dma_wait3A_67, %dma_wait3A_68] : memref<10112x128xf32, #tpu.memory_space<vmem_shared>> -> memref<10112x128xf32, #tpu.memory_space<vmem_shared>>
    tpu.wait_indirect_dma semaphore(%arg16 : memref<!tpu.dma_semaphore, #tpu.memory_space<semaphore_mem>>) src(%dma_wait3A_63 : memref<64x128xf32, #tpu.memory_space<vmem>>) dst(%dma_wait3A_69 : memref<10112x128xf32, #tpu.memory_space<vmem_shared>>)
    %dma_wait3A_70 = arith.constant 2 : i32
    %dma_wait3A_71 = arith.constant 0 : i32
    %dma_wait3A_72 = arith.constant 0 : i32
    %dma_wait3A_73 = arith.constant 0 : i32
    %dma_wait3A_74 = tpu.memref_slice %arg9[%dma_wait3A_70, %dma_wait3A_72, %dma_wait3A_73] : memref<4x64x128xf32, #tpu.memory_space<vmem>> -> memref<1x64x128xf32, #tpu.memory_space<vmem>>
    %dma_wait3A_75 = tpu.memref_squeeze %dma_wait3A_74 : memref<1x64x128xf32, #tpu.memory_space<vmem>> -> memref<64x128xf32, #tpu.memory_space<vmem>>
    %dma_wait3A_76 = arith.constant 0 : i32
    %dma_wait3A_77 = tpu.memref_slice %arg8[%dma_wait3A_71, %dma_wait3A_76] : memref<80x64xi32, #tpu.memory_space<vmem>> -> memref<1x64xi32, #tpu.memory_space<vmem>>
    %dma_wait3A_78 = tpu.memref_squeeze %dma_wait3A_77 : memref<1x64xi32, #tpu.memory_space<vmem>> -> memref<64xi32, #tpu.memory_space<vmem>>
    %dma_wait3A_79 = arith.constant 0 : i32
    %dma_wait3A_80 = arith.constant 0 : i32
    %dma_wait3A_81 = tpu.memref_slice %arg10[%dma_wait3A_79, %dma_wait3A_80] : memref<10112x128xf32, #tpu.memory_space<vmem_shared>> -> memref<10112x128xf32, #tpu.memory_space<vmem_shared>>
    tpu.wait_indirect_dma semaphore(%arg17 : memref<!tpu.dma_semaphore, #tpu.memory_space<semaphore_mem>>) src(%dma_wait3A_75 : memref<64x128xf32, #tpu.memory_space<vmem>>) dst(%dma_wait3A_81 : memref<10112x128xf32, #tpu.memory_space<vmem_shared>>)
    %dma_wait3A_82 = arith.constant 3 : i32
    %dma_wait3A_83 = arith.constant 0 : i32
    %dma_wait3A_84 = arith.constant 0 : i32
    %dma_wait3A_85 = arith.constant 0 : i32
    %dma_wait3A_86 = tpu.memref_slice %arg9[%dma_wait3A_82, %dma_wait3A_84, %dma_wait3A_85] : memref<4x64x128xf32, #tpu.memory_space<vmem>> -> memref<1x64x128xf32, #tpu.memory_space<vmem>>
    %dma_wait3A_87 = tpu.memref_squeeze %dma_wait3A_86 : memref<1x64x128xf32, #tpu.memory_space<vmem>> -> memref<64x128xf32, #tpu.memory_space<vmem>>
    %dma_wait3A_88 = arith.constant 0 : i32
    %dma_wait3A_89 = tpu.memref_slice %arg8[%dma_wait3A_83, %dma_wait3A_88] : memref<80x64xi32, #tpu.memory_space<vmem>> -> memref<1x64xi32, #tpu.memory_space<vmem>>
    %dma_wait3A_90 = tpu.memref_squeeze %dma_wait3A_89 : memref<1x64xi32, #tpu.memory_space<vmem>> -> memref<64xi32, #tpu.memory_space<vmem>>
    %dma_wait3A_91 = arith.constant 0 : i32
    %dma_wait3A_92 = arith.constant 0 : i32
    %dma_wait3A_93 = tpu.memref_slice %arg10[%dma_wait3A_91, %dma_wait3A_92] : memref<10112x128xf32, #tpu.memory_space<vmem_shared>> -> memref<10112x128xf32, #tpu.memory_space<vmem_shared>>
    tpu.wait_indirect_dma semaphore(%arg18 : memref<!tpu.dma_semaphore, #tpu.memory_space<semaphore_mem>>) src(%dma_wait3A_87 : memref<64x128xf32, #tpu.memory_space<vmem>>) dst(%dma_wait3A_93 : memref<10112x128xf32, #tpu.memory_space<vmem_shared>>)
    "tpu.region"() ({
      %run_scoped3A = tpu.sem_alloc : memref<!tpu.dma_semaphore, #tpu.memory_space<semaphore_mem>>
      %dma_start3A_193 = arith.constant 5120 : i32
      %dma_start3A_194 = tpu.memref_slice %arg3[%add3A, %dma_start3A_193] : memref<32x10240xi32, #tpu.memory_space<hbm>> -> memref<1x5120xi32, #tpu.memory_space<hbm>>
      %dma_start3A_195 = tpu.memref_squeeze %dma_start3A_194 : memref<1x5120xi32, #tpu.memory_space<hbm>> -> memref<5120xi32, #tpu.memory_space<hbm>>
      %dma_start3A_196 = arith.constant 5120 : i32
      %dma_start3A_197 = tpu.memref_slice %arg3[%add3A, %dma_start3A_196] : memref<32x10240xi32, #tpu.memory_space<hbm>> -> memref<1x5120xi32, #tpu.memory_space<hbm>>
      %dma_start3A_198 = tpu.memref_squeeze %dma_start3A_197 : memref<1x5120xi32, #tpu.memory_space<hbm>> -> memref<5120xi32, #tpu.memory_space<hbm>>
      tpu.enqueue_dma source(%dma_start3A_198 : memref<5120xi32, #tpu.memory_space<hbm>>) target(%arg7 : memref<5120xi32, #tpu.memory_space<vmem>>) target_semaphore(%run_scoped3A : memref<!tpu.dma_semaphore, #tpu.memory_space<semaphore_mem>>)
      %dma_wait3A_199 = arith.constant 5120 : i32
      %dma_wait3A_200 = tpu.memref_slice %arg3[%add3A, %dma_wait3A_199] : memref<32x10240xi32, #tpu.memory_space<hbm>> -> memref<1x5120xi32, #tpu.memory_space<hbm>>
      %dma_wait3A_201 = tpu.memref_squeeze %dma_wait3A_200 : memref<1x5120xi32, #tpu.memory_space<hbm>> -> memref<5120xi32, #tpu.memory_space<hbm>>
      %dma_wait3A_202 = arith.constant 5120 : i32
      %dma_wait3A_203 = tpu.memref_slice %arg3[%add3A, %dma_wait3A_202] : memref<32x10240xi32, #tpu.memory_space<hbm>> -> memref<1x5120xi32, #tpu.memory_space<hbm>>
      %dma_wait3A_204 = tpu.memref_squeeze %dma_wait3A_203 : memref<1x5120xi32, #tpu.memory_space<hbm>> -> memref<5120xi32, #tpu.memory_space<hbm>>
      tpu.wait_dma2 semaphore(%run_scoped3A : memref<!tpu.dma_semaphore, #tpu.memory_space<semaphore_mem>>) src(%dma_wait3A_204 : memref<5120xi32, #tpu.memory_space<hbm>>) dst(%arg7 : memref<5120xi32, #tpu.memory_space<vmem>>)
      tpu.yield
    }) : () -> ()
    "tpu.region"() ({
      %run_scoped3A = tpu.sem_alloc : memref<!tpu.dma_semaphore, #tpu.memory_space<semaphore_mem>>
      %dma_start3A_193 = arith.constant 80 : i32
      %dma_start3A_194 = arith.constant 0 : i32
      %dma_start3A_195 = tpu.memref_slice %arg4[%add3A, %dma_start3A_193, %dma_start3A_194] : memref<32x160x64xi32, #tpu.memory_space<hbm>> -> memref<1x80x64xi32, #tpu.memory_space<hbm>>
      %dma_start3A_196 = tpu.memref_squeeze %dma_start3A_195 : memref<1x80x64xi32, #tpu.memory_space<hbm>> -> memref<80x64xi32, #tpu.memory_space<hbm>>
      %dma_start3A_197 = arith.constant 80 : i32
      %dma_start3A_198 = arith.constant 0 : i32
      %dma_start3A_199 = tpu.memref_slice %arg4[%add3A, %dma_start3A_197, %dma_start3A_198] : memref<32x160x64xi32, #tpu.memory_space<hbm>> -> memref<1x80x64xi32, #tpu.memory_space<hbm>>
      %dma_start3A_200 = tpu.memref_squeeze %dma_start3A_199 : memref<1x80x64xi32, #tpu.memory_space<hbm>> -> memref<80x64xi32, #tpu.memory_space<hbm>>
      tpu.enqueue_dma source(%dma_start3A_200 : memref<80x64xi32, #tpu.memory_space<hbm>>) target(%arg8 : memref<80x64xi32, #tpu.memory_space<vmem>>) target_semaphore(%run_scoped3A : memref<!tpu.dma_semaphore, #tpu.memory_space<semaphore_mem>>)
      %dma_wait3A_201 = arith.constant 80 : i32
      %dma_wait3A_202 = arith.constant 0 : i32
      %dma_wait3A_203 = tpu.memref_slice %arg4[%add3A, %dma_wait3A_201, %dma_wait3A_202] : memref<32x160x64xi32, #tpu.memory_space<hbm>> -> memref<1x80x64xi32, #tpu.memory_space<hbm>>
      %dma_wait3A_204 = tpu.memref_squeeze %dma_wait3A_203 : memref<1x80x64xi32, #tpu.memory_space<hbm>> -> memref<80x64xi32, #tpu.memory_space<hbm>>
      %dma_wait3A_205 = arith.constant 80 : i32
      %dma_wait3A_206 = arith.constant 0 : i32
      %dma_wait3A_207 = tpu.memref_slice %arg4[%add3A, %dma_wait3A_205, %dma_wait3A_206] : memref<32x160x64xi32, #tpu.memory_space<hbm>> -> memref<1x80x64xi32, #tpu.memory_space<hbm>>
      %dma_wait3A_208 = tpu.memref_squeeze %dma_wait3A_207 : memref<1x80x64xi32, #tpu.memory_space<hbm>> -> memref<80x64xi32, #tpu.memory_space<hbm>>
      tpu.wait_dma2 semaphore(%run_scoped3A : memref<!tpu.dma_semaphore, #tpu.memory_space<semaphore_mem>>) src(%dma_wait3A_208 : memref<80x64xi32, #tpu.memory_space<hbm>>) dst(%arg8 : memref<80x64xi32, #tpu.memory_space<vmem>>)
      tpu.yield
    }) : () -> ()
    %dma_start3A_94 = arith.constant 0 : i32
    %dma_start3A_95 = arith.constant 0 : i32
    %dma_start3A_96 = arith.constant 0 : i32
    %dma_start3A_97 = tpu.memref_slice %arg9[%dma_start3A_94, %dma_start3A_95, %dma_start3A_96] : memref<4x64x128xf32, #tpu.memory_space<vmem>> -> memref<1x64x128xf32, #tpu.memory_space<vmem>>
    %dma_start3A_98 = tpu.memref_squeeze %dma_start3A_97 : memref<1x64x128xf32, #tpu.memory_space<vmem>> -> memref<64x128xf32, #tpu.memory_space<vmem>>
    %dma_start3A_99 = arith.constant 0 : i32
    %dma_start3A_100 = tpu.memref_slice %arg7[%dma_start3A_99] : memref<5120xi32, #tpu.memory_space<vmem>> -> memref<64xi32, #tpu.memory_space<vmem>>
    %dma_start3A_101 = arith.constant 0 : i32
    %dma_start3A_102 = arith.constant 0 : i32
    %dma_start3A_103 = tpu.memref_slice %arg2[%dma_start3A_101, %dma_start3A_102] : memref<10000x128xf32, #tpu.memory_space<hbm>> -> memref<10000x128xf32, #tpu.memory_space<hbm>>
    tpu.enqueue_indirect_dma source(%dma_start3A_103 : memref<10000x128xf32, #tpu.memory_space<hbm>>) target(%dma_start3A_98 : memref<64x128xf32, #tpu.memory_space<vmem>>) offsets(%dma_start3A_100 : memref<64xi32, #tpu.memory_space<vmem>>) semaphore(%arg11 : memref<!tpu.dma_semaphore, #tpu.memory_space<semaphore_mem>>)
    %dma_start3A_104 = arith.constant 1 : i32
    %dma_start3A_105 = arith.constant 0 : i32
    %dma_start3A_106 = arith.constant 0 : i32
    %dma_start3A_107 = tpu.memref_slice %arg9[%dma_start3A_104, %dma_start3A_105, %dma_start3A_106] : memref<4x64x128xf32, #tpu.memory_space<vmem>> -> memref<1x64x128xf32, #tpu.memory_space<vmem>>
    %dma_start3A_108 = tpu.memref_squeeze %dma_start3A_107 : memref<1x64x128xf32, #tpu.memory_space<vmem>> -> memref<64x128xf32, #tpu.memory_space<vmem>>
    %dma_start3A_109 = arith.constant 64 : i32
    %dma_start3A_110 = tpu.memref_slice %arg7[%dma_start3A_109] : memref<5120xi32, #tpu.memory_space<vmem>> -> memref<64xi32, #tpu.memory_space<vmem>>
    %dma_start3A_111 = arith.constant 0 : i32
    %dma_start3A_112 = arith.constant 0 : i32
    %dma_start3A_113 = tpu.memref_slice %arg2[%dma_start3A_111, %dma_start3A_112] : memref<10000x128xf32, #tpu.memory_space<hbm>> -> memref<10000x128xf32, #tpu.memory_space<hbm>>
    tpu.enqueue_indirect_dma source(%dma_start3A_113 : memref<10000x128xf32, #tpu.memory_space<hbm>>) target(%dma_start3A_108 : memref<64x128xf32, #tpu.memory_space<vmem>>) offsets(%dma_start3A_110 : memref<64xi32, #tpu.memory_space<vmem>>) semaphore(%arg12 : memref<!tpu.dma_semaphore, #tpu.memory_space<semaphore_mem>>)
    %dma_start3A_114 = arith.constant 2 : i32
    %dma_start3A_115 = arith.constant 0 : i32
    %dma_start3A_116 = arith.constant 0 : i32
    %dma_start3A_117 = tpu.memref_slice %arg9[%dma_start3A_114, %dma_start3A_115, %dma_start3A_116] : memref<4x64x128xf32, #tpu.memory_space<vmem>> -> memref<1x64x128xf32, #tpu.memory_space<vmem>>
    %dma_start3A_118 = tpu.memref_squeeze %dma_start3A_117 : memref<1x64x128xf32, #tpu.memory_space<vmem>> -> memref<64x128xf32, #tpu.memory_space<vmem>>
    %dma_start3A_119 = arith.constant 128 : i32
    %dma_start3A_120 = tpu.memref_slice %arg7[%dma_start3A_119] : memref<5120xi32, #tpu.memory_space<vmem>> -> memref<64xi32, #tpu.memory_space<vmem>>
    %dma_start3A_121 = arith.constant 0 : i32
    %dma_start3A_122 = arith.constant 0 : i32
    %dma_start3A_123 = tpu.memref_slice %arg2[%dma_start3A_121, %dma_start3A_122] : memref<10000x128xf32, #tpu.memory_space<hbm>> -> memref<10000x128xf32, #tpu.memory_space<hbm>>
    tpu.enqueue_indirect_dma source(%dma_start3A_123 : memref<10000x128xf32, #tpu.memory_space<hbm>>) target(%dma_start3A_118 : memref<64x128xf32, #tpu.memory_space<vmem>>) offsets(%dma_start3A_120 : memref<64xi32, #tpu.memory_space<vmem>>) semaphore(%arg13 : memref<!tpu.dma_semaphore, #tpu.memory_space<semaphore_mem>>)
    %dma_start3A_124 = arith.constant 3 : i32
    %dma_start3A_125 = arith.constant 0 : i32
    %dma_start3A_126 = arith.constant 0 : i32
    %dma_start3A_127 = tpu.memref_slice %arg9[%dma_start3A_124, %dma_start3A_125, %dma_start3A_126] : memref<4x64x128xf32, #tpu.memory_space<vmem>> -> memref<1x64x128xf32, #tpu.memory_space<vmem>>
    %dma_start3A_128 = tpu.memref_squeeze %dma_start3A_127 : memref<1x64x128xf32, #tpu.memory_space<vmem>> -> memref<64x128xf32, #tpu.memory_space<vmem>>
    %dma_start3A_129 = arith.constant 192 : i32
    %dma_start3A_130 = tpu.memref_slice %arg7[%dma_start3A_129] : memref<5120xi32, #tpu.memory_space<vmem>> -> memref<64xi32, #tpu.memory_space<vmem>>
    %dma_start3A_131 = arith.constant 0 : i32
    %dma_start3A_132 = arith.constant 0 : i32
    %dma_start3A_133 = tpu.memref_slice %arg2[%dma_start3A_131, %dma_start3A_132] : memref<10000x128xf32, #tpu.memory_space<hbm>> -> memref<10000x128xf32, #tpu.memory_space<hbm>>
    tpu.enqueue_indirect_dma source(%dma_start3A_133 : memref<10000x128xf32, #tpu.memory_space<hbm>>) target(%dma_start3A_128 : memref<64x128xf32, #tpu.memory_space<vmem>>) offsets(%dma_start3A_130 : memref<64xi32, #tpu.memory_space<vmem>>) semaphore(%arg14 : memref<!tpu.dma_semaphore, #tpu.memory_space<semaphore_mem>>)
    %scan3A_134 = arith.constant 0 : i32
    %scan3A_135 = arith.constant 0 : i32
    %scan3A_136 = arith.constant 20 : i32
    %scan3A_137 = arith.addi %scan3A_135, %scan3A_136 : i32
    %scan3A_138 = arith.constant 1 : i32
    scf.for %scan3A_193 = %scan3A_135 to %scan3A_137 step %scan3A_138  : i32 {
      %mul3A_194 = arith.constant 4 : i32
      %mul3A_195 = arith.muli %scan3A_193, %mul3A_194 : i32
      %add3A_196 = arith.constant 0 : i32
      %add3A_197 = arith.addi %mul3A_195, %add3A_196 : i32
      %dma_wait3A_198 = arith.constant 0 : i32
      %dma_wait3A_199 = arith.constant 0 : i32
      %dma_wait3A_200 = arith.constant 0 : i32
      %dma_wait3A_201 = tpu.memref_slice %arg9[%dma_wait3A_198, %dma_wait3A_199, %dma_wait3A_200] : memref<4x64x128xf32, #tpu.memory_space<vmem>> -> memref<1x64x128xf32, #tpu.memory_space<vmem>>
      %dma_wait3A_202 = tpu.memref_squeeze %dma_wait3A_201 : memref<1x64x128xf32, #tpu.memory_space<vmem>> -> memref<64x128xf32, #tpu.memory_space<vmem>>
      %dma_wait3A_203 = arith.constant 0 : i32
      %dma_wait3A_204 = tpu.memref_slice %arg7[%dma_wait3A_203] : memref<5120xi32, #tpu.memory_space<vmem>> -> memref<64xi32, #tpu.memory_space<vmem>>
      %dma_wait3A_205 = arith.constant 0 : i32
      %dma_wait3A_206 = arith.constant 0 : i32
      %dma_wait3A_207 = tpu.memref_slice %arg2[%dma_wait3A_205, %dma_wait3A_206] : memref<10000x128xf32, #tpu.memory_space<hbm>> -> memref<10000x128xf32, #tpu.memory_space<hbm>>
      tpu.wait_indirect_dma semaphore(%arg11 : memref<!tpu.dma_semaphore, #tpu.memory_space<semaphore_mem>>) src(%dma_wait3A_207 : memref<10000x128xf32, #tpu.memory_space<hbm>>) dst(%dma_wait3A_202 : memref<64x128xf32, #tpu.memory_space<vmem>>)
      %dma_start3A_208 = arith.constant 0 : i32
      %dma_start3A_209 = arith.constant 0 : i32
      %dma_start3A_210 = arith.constant 0 : i32
      %dma_start3A_211 = tpu.memref_slice %arg9[%dma_start3A_208, %dma_start3A_209, %dma_start3A_210] : memref<4x64x128xf32, #tpu.memory_space<vmem>> -> memref<1x64x128xf32, #tpu.memory_space<vmem>>
      %dma_start3A_212 = tpu.memref_squeeze %dma_start3A_211 : memref<1x64x128xf32, #tpu.memory_space<vmem>> -> memref<64x128xf32, #tpu.memory_space<vmem>>
      %dma_start3A_213 = arith.constant 0 : i32
      %dma_start3A_214 = tpu.memref_slice %arg8[%add3A_197, %dma_start3A_213] : memref<80x64xi32, #tpu.memory_space<vmem>> -> memref<1x64xi32, #tpu.memory_space<vmem>>
      %dma_start3A_215 = tpu.memref_squeeze %dma_start3A_214 : memref<1x64xi32, #tpu.memory_space<vmem>> -> memref<64xi32, #tpu.memory_space<vmem>>
      %dma_start3A_216 = arith.constant 0 : i32
      %dma_start3A_217 = arith.constant 0 : i32
      %dma_start3A_218 = tpu.memref_slice %arg10[%dma_start3A_216, %dma_start3A_217] : memref<10112x128xf32, #tpu.memory_space<vmem_shared>> -> memref<10112x128xf32, #tpu.memory_space<vmem_shared>>
      tpu.enqueue_indirect_dma source(%dma_start3A_212 : memref<64x128xf32, #tpu.memory_space<vmem>>) target(%dma_start3A_218 : memref<10112x128xf32, #tpu.memory_space<vmem_shared>>) offsets(%dma_start3A_215 : memref<64xi32, #tpu.memory_space<vmem>>) semaphore(%arg15 : memref<!tpu.dma_semaphore, #tpu.memory_space<semaphore_mem>>) {add = true}
      %add3A_219 = arith.constant 4 : i32
      %add3A_220 = arith.addi %add3A_197, %add3A_219 : i32
      %lt3A = arith.constant 80 : i32
      %lt3A_221 = arith.cmpi slt, %add3A_220, %lt3A : i32
      %convert_element_type3A = arith.extui %lt3A_221 : i1 to i32
      %cond3A = arith.constant 0 : i32
      %cond3A_222 = arith.cmpi ne, %convert_element_type3A, %cond3A : i32
      scf.if %cond3A_222 {
        %dma_wait3A_319 = arith.constant 0 : i32
        %dma_wait3A_320 = arith.constant 0 : i32
        %dma_wait3A_321 = arith.constant 0 : i32
        %dma_wait3A_322 = arith.constant 0 : i32
        %dma_wait3A_323 = tpu.memref_slice %arg9[%dma_wait3A_319, %dma_wait3A_321, %dma_wait3A_322] : memref<4x64x128xf32, #tpu.memory_space<vmem>> -> memref<1x64x128xf32, #tpu.memory_space<vmem>>
        %dma_wait3A_324 = tpu.memref_squeeze %dma_wait3A_323 : memref<1x64x128xf32, #tpu.memory_space<vmem>> -> memref<64x128xf32, #tpu.memory_space<vmem>>
        %dma_wait3A_325 = arith.constant 0 : i32
        %dma_wait3A_326 = tpu.memref_slice %arg8[%dma_wait3A_320, %dma_wait3A_325] : memref<80x64xi32, #tpu.memory_space<vmem>> -> memref<1x64xi32, #tpu.memory_space<vmem>>
        %dma_wait3A_327 = tpu.memref_squeeze %dma_wait3A_326 : memref<1x64xi32, #tpu.memory_space<vmem>> -> memref<64xi32, #tpu.memory_space<vmem>>
        %dma_wait3A_328 = arith.constant 0 : i32
        %dma_wait3A_329 = arith.constant 0 : i32
        %dma_wait3A_330 = tpu.memref_slice %arg10[%dma_wait3A_328, %dma_wait3A_329] : memref<10112x128xf32, #tpu.memory_space<vmem_shared>> -> memref<10112x128xf32, #tpu.memory_space<vmem_shared>>
        tpu.wait_indirect_dma semaphore(%arg15 : memref<!tpu.dma_semaphore, #tpu.memory_space<semaphore_mem>>) src(%dma_wait3A_324 : memref<64x128xf32, #tpu.memory_space<vmem>>) dst(%dma_wait3A_330 : memref<10112x128xf32, #tpu.memory_space<vmem_shared>>)
        %add3A_331 = arith.constant 4 : i32
        %add3A_332 = arith.addi %add3A_197, %add3A_331 : i32
        %mul3A_333 = arith.constant 64 : i32
        %mul3A_334 = arith.muli %add3A_332, %mul3A_333 : i32
        %dma_start3A_335 = arith.constant 0 : i32
        %dma_start3A_336 = arith.constant 0 : i32
        %dma_start3A_337 = arith.constant 0 : i32
        %dma_start3A_338 = tpu.memref_slice %arg9[%dma_start3A_335, %dma_start3A_336, %dma_start3A_337] : memref<4x64x128xf32, #tpu.memory_space<vmem>> -> memref<1x64x128xf32, #tpu.memory_space<vmem>>
        %dma_start3A_339 = tpu.memref_squeeze %dma_start3A_338 : memref<1x64x128xf32, #tpu.memory_space<vmem>> -> memref<64x128xf32, #tpu.memory_space<vmem>>
        %dma_start3A_340 = tpu.memref_slice %arg7[%mul3A_334] : memref<5120xi32, #tpu.memory_space<vmem>> -> memref<64xi32, #tpu.memory_space<vmem>>
        %dma_start3A_341 = arith.constant 0 : i32
        %dma_start3A_342 = arith.constant 0 : i32
        %dma_start3A_343 = tpu.memref_slice %arg2[%dma_start3A_341, %dma_start3A_342] : memref<10000x128xf32, #tpu.memory_space<hbm>> -> memref<10000x128xf32, #tpu.memory_space<hbm>>
        tpu.enqueue_indirect_dma source(%dma_start3A_343 : memref<10000x128xf32, #tpu.memory_space<hbm>>) target(%dma_start3A_339 : memref<64x128xf32, #tpu.memory_space<vmem>>) offsets(%dma_start3A_340 : memref<64xi32, #tpu.memory_space<vmem>>) semaphore(%arg11 : memref<!tpu.dma_semaphore, #tpu.memory_space<semaphore_mem>>)
      } else {
      }
      %mul3A_223 = arith.constant 4 : i32
      %mul3A_224 = arith.muli %scan3A_193, %mul3A_223 : i32
      %add3A_225 = arith.constant 1 : i32
      %add3A_226 = arith.addi %mul3A_224, %add3A_225 : i32
      %dma_wait3A_227 = arith.constant 1 : i32
      %dma_wait3A_228 = arith.constant 0 : i32
      %dma_wait3A_229 = arith.constant 0 : i32
      %dma_wait3A_230 = tpu.memref_slice %arg9[%dma_wait3A_227, %dma_wait3A_228, %dma_wait3A_229] : memref<4x64x128xf32, #tpu.memory_space<vmem>> -> memref<1x64x128xf32, #tpu.memory_space<vmem>>
      %dma_wait3A_231 = tpu.memref_squeeze %dma_wait3A_230 : memref<1x64x128xf32, #tpu.memory_space<vmem>> -> memref<64x128xf32, #tpu.memory_space<vmem>>
      %dma_wait3A_232 = arith.constant 0 : i32
      %dma_wait3A_233 = tpu.memref_slice %arg7[%dma_wait3A_232] : memref<5120xi32, #tpu.memory_space<vmem>> -> memref<64xi32, #tpu.memory_space<vmem>>
      %dma_wait3A_234 = arith.constant 0 : i32
      %dma_wait3A_235 = arith.constant 0 : i32
      %dma_wait3A_236 = tpu.memref_slice %arg2[%dma_wait3A_234, %dma_wait3A_235] : memref<10000x128xf32, #tpu.memory_space<hbm>> -> memref<10000x128xf32, #tpu.memory_space<hbm>>
      tpu.wait_indirect_dma semaphore(%arg12 : memref<!tpu.dma_semaphore, #tpu.memory_space<semaphore_mem>>) src(%dma_wait3A_236 : memref<10000x128xf32, #tpu.memory_space<hbm>>) dst(%dma_wait3A_231 : memref<64x128xf32, #tpu.memory_space<vmem>>)
      %dma_start3A_237 = arith.constant 1 : i32
      %dma_start3A_238 = arith.constant 0 : i32
      %dma_start3A_239 = arith.constant 0 : i32
      %dma_start3A_240 = tpu.memref_slice %arg9[%dma_start3A_237, %dma_start3A_238, %dma_start3A_239] : memref<4x64x128xf32, #tpu.memory_space<vmem>> -> memref<1x64x128xf32, #tpu.memory_space<vmem>>
      %dma_start3A_241 = tpu.memref_squeeze %dma_start3A_240 : memref<1x64x128xf32, #tpu.memory_space<vmem>> -> memref<64x128xf32, #tpu.memory_space<vmem>>
      %dma_start3A_242 = arith.constant 0 : i32
      %dma_start3A_243 = tpu.memref_slice %arg8[%add3A_226, %dma_start3A_242] : memref<80x64xi32, #tpu.memory_space<vmem>> -> memref<1x64xi32, #tpu.memory_space<vmem>>
      %dma_start3A_244 = tpu.memref_squeeze %dma_start3A_243 : memref<1x64xi32, #tpu.memory_space<vmem>> -> memref<64xi32, #tpu.memory_space<vmem>>
      %dma_start3A_245 = arith.constant 0 : i32
      %dma_start3A_246 = arith.constant 0 : i32
      %dma_start3A_247 = tpu.memref_slice %arg10[%dma_start3A_245, %dma_start3A_246] : memref<10112x128xf32, #tpu.memory_space<vmem_shared>> -> memref<10112x128xf32, #tpu.memory_space<vmem_shared>>
      tpu.enqueue_indirect_dma source(%dma_start3A_241 : memref<64x128xf32, #tpu.memory_space<vmem>>) target(%dma_start3A_247 : memref<10112x128xf32, #tpu.memory_space<vmem_shared>>) offsets(%dma_start3A_244 : memref<64xi32, #tpu.memory_space<vmem>>) semaphore(%arg16 : memref<!tpu.dma_semaphore, #tpu.memory_space<semaphore_mem>>) {add = true}
      %add3A_248 = arith.constant 4 : i32
      %add3A_249 = arith.addi %add3A_226, %add3A_248 : i32
      %lt3A_250 = arith.constant 80 : i32
      %lt3A_251 = arith.cmpi slt, %add3A_249, %lt3A_250 : i32
      %convert_element_type3A_252 = arith.extui %lt3A_251 : i1 to i32
      %cond3A_253 = arith.constant 0 : i32
      %cond3A_254 = arith.cmpi ne, %convert_element_type3A_252, %cond3A_253 : i32
      scf.if %cond3A_254 {
        %dma_wait3A_319 = arith.constant 1 : i32
        %dma_wait3A_320 = arith.constant 0 : i32
        %dma_wait3A_321 = arith.constant 0 : i32
        %dma_wait3A_322 = arith.constant 0 : i32
        %dma_wait3A_323 = tpu.memref_slice %arg9[%dma_wait3A_319, %dma_wait3A_321, %dma_wait3A_322] : memref<4x64x128xf32, #tpu.memory_space<vmem>> -> memref<1x64x128xf32, #tpu.memory_space<vmem>>
        %dma_wait3A_324 = tpu.memref_squeeze %dma_wait3A_323 : memref<1x64x128xf32, #tpu.memory_space<vmem>> -> memref<64x128xf32, #tpu.memory_space<vmem>>
        %dma_wait3A_325 = arith.constant 0 : i32
        %dma_wait3A_326 = tpu.memref_slice %arg8[%dma_wait3A_320, %dma_wait3A_325] : memref<80x64xi32, #tpu.memory_space<vmem>> -> memref<1x64xi32, #tpu.memory_space<vmem>>
        %dma_wait3A_327 = tpu.memref_squeeze %dma_wait3A_326 : memref<1x64xi32, #tpu.memory_space<vmem>> -> memref<64xi32, #tpu.memory_space<vmem>>
        %dma_wait3A_328 = arith.constant 0 : i32
        %dma_wait3A_329 = arith.constant 0 : i32
        %dma_wait3A_330 = tpu.memref_slice %arg10[%dma_wait3A_328, %dma_wait3A_329] : memref<10112x128xf32, #tpu.memory_space<vmem_shared>> -> memref<10112x128xf32, #tpu.memory_space<vmem_shared>>
        tpu.wait_indirect_dma semaphore(%arg16 : memref<!tpu.dma_semaphore, #tpu.memory_space<semaphore_mem>>) src(%dma_wait3A_324 : memref<64x128xf32, #tpu.memory_space<vmem>>) dst(%dma_wait3A_330 : memref<10112x128xf32, #tpu.memory_space<vmem_shared>>)
        %add3A_331 = arith.constant 4 : i32
        %add3A_332 = arith.addi %add3A_226, %add3A_331 : i32
        %mul3A_333 = arith.constant 64 : i32
        %mul3A_334 = arith.muli %add3A_332, %mul3A_333 : i32
        %dma_start3A_335 = arith.constant 1 : i32
        %dma_start3A_336 = arith.constant 0 : i32
        %dma_start3A_337 = arith.constant 0 : i32
        %dma_start3A_338 = tpu.memref_slice %arg9[%dma_start3A_335, %dma_start3A_336, %dma_start3A_337] : memref<4x64x128xf32, #tpu.memory_space<vmem>> -> memref<1x64x128xf32, #tpu.memory_space<vmem>>
        %dma_start3A_339 = tpu.memref_squeeze %dma_start3A_338 : memref<1x64x128xf32, #tpu.memory_space<vmem>> -> memref<64x128xf32, #tpu.memory_space<vmem>>
        %dma_start3A_340 = tpu.memref_slice %arg7[%mul3A_334] : memref<5120xi32, #tpu.memory_space<vmem>> -> memref<64xi32, #tpu.memory_space<vmem>>
        %dma_start3A_341 = arith.constant 0 : i32
        %dma_start3A_342 = arith.constant 0 : i32
        %dma_start3A_343 = tpu.memref_slice %arg2[%dma_start3A_341, %dma_start3A_342] : memref<10000x128xf32, #tpu.memory_space<hbm>> -> memref<10000x128xf32, #tpu.memory_space<hbm>>
        tpu.enqueue_indirect_dma source(%dma_start3A_343 : memref<10000x128xf32, #tpu.memory_space<hbm>>) target(%dma_start3A_339 : memref<64x128xf32, #tpu.memory_space<vmem>>) offsets(%dma_start3A_340 : memref<64xi32, #tpu.memory_space<vmem>>) semaphore(%arg12 : memref<!tpu.dma_semaphore, #tpu.memory_space<semaphore_mem>>)
      } else {
      }
      %mul3A_255 = arith.constant 4 : i32
      %mul3A_256 = arith.muli %scan3A_193, %mul3A_255 : i32
      %add3A_257 = arith.constant 2 : i32
      %add3A_258 = arith.addi %mul3A_256, %add3A_257 : i32
      %dma_wait3A_259 = arith.constant 2 : i32
      %dma_wait3A_260 = arith.constant 0 : i32
      %dma_wait3A_261 = arith.constant 0 : i32
      %dma_wait3A_262 = tpu.memref_slice %arg9[%dma_wait3A_259, %dma_wait3A_260, %dma_wait3A_261] : memref<4x64x128xf32, #tpu.memory_space<vmem>> -> memref<1x64x128xf32, #tpu.memory_space<vmem>>
      %dma_wait3A_263 = tpu.memref_squeeze %dma_wait3A_262 : memref<1x64x128xf32, #tpu.memory_space<vmem>> -> memref<64x128xf32, #tpu.memory_space<vmem>>
      %dma_wait3A_264 = arith.constant 0 : i32
      %dma_wait3A_265 = tpu.memref_slice %arg7[%dma_wait3A_264] : memref<5120xi32, #tpu.memory_space<vmem>> -> memref<64xi32, #tpu.memory_space<vmem>>
      %dma_wait3A_266 = arith.constant 0 : i32
      %dma_wait3A_267 = arith.constant 0 : i32
      %dma_wait3A_268 = tpu.memref_slice %arg2[%dma_wait3A_266, %dma_wait3A_267] : memref<10000x128xf32, #tpu.memory_space<hbm>> -> memref<10000x128xf32, #tpu.memory_space<hbm>>
      tpu.wait_indirect_dma semaphore(%arg13 : memref<!tpu.dma_semaphore, #tpu.memory_space<semaphore_mem>>) src(%dma_wait3A_268 : memref<10000x128xf32, #tpu.memory_space<hbm>>) dst(%dma_wait3A_263 : memref<64x128xf32, #tpu.memory_space<vmem>>)
      %dma_start3A_269 = arith.constant 2 : i32
      %dma_start3A_270 = arith.constant 0 : i32
      %dma_start3A_271 = arith.constant 0 : i32
      %dma_start3A_272 = tpu.memref_slice %arg9[%dma_start3A_269, %dma_start3A_270, %dma_start3A_271] : memref<4x64x128xf32, #tpu.memory_space<vmem>> -> memref<1x64x128xf32, #tpu.memory_space<vmem>>
      %dma_start3A_273 = tpu.memref_squeeze %dma_start3A_272 : memref<1x64x128xf32, #tpu.memory_space<vmem>> -> memref<64x128xf32, #tpu.memory_space<vmem>>
      %dma_start3A_274 = arith.constant 0 : i32
      %dma_start3A_275 = tpu.memref_slice %arg8[%add3A_258, %dma_start3A_274] : memref<80x64xi32, #tpu.memory_space<vmem>> -> memref<1x64xi32, #tpu.memory_space<vmem>>
      %dma_start3A_276 = tpu.memref_squeeze %dma_start3A_275 : memref<1x64xi32, #tpu.memory_space<vmem>> -> memref<64xi32, #tpu.memory_space<vmem>>
      %dma_start3A_277 = arith.constant 0 : i32
      %dma_start3A_278 = arith.constant 0 : i32
      %dma_start3A_279 = tpu.memref_slice %arg10[%dma_start3A_277, %dma_start3A_278] : memref<10112x128xf32, #tpu.memory_space<vmem_shared>> -> memref<10112x128xf32, #tpu.memory_space<vmem_shared>>
      tpu.enqueue_indirect_dma source(%dma_start3A_273 : memref<64x128xf32, #tpu.memory_space<vmem>>) target(%dma_start3A_279 : memref<10112x128xf32, #tpu.memory_space<vmem_shared>>) offsets(%dma_start3A_276 : memref<64xi32, #tpu.memory_space<vmem>>) semaphore(%arg17 : memref<!tpu.dma_semaphore, #tpu.memory_space<semaphore_mem>>) {add = true}
      %add3A_280 = arith.constant 4 : i32
      %add3A_281 = arith.addi %add3A_258, %add3A_280 : i32
      %lt3A_282 = arith.constant 80 : i32
      %lt3A_283 = arith.cmpi slt, %add3A_281, %lt3A_282 : i32
      %convert_element_type3A_284 = arith.extui %lt3A_283 : i1 to i32
      %cond3A_285 = arith.constant 0 : i32
      %cond3A_286 = arith.cmpi ne, %convert_element_type3A_284, %cond3A_285 : i32
      scf.if %cond3A_286 {
        %dma_wait3A_319 = arith.constant 2 : i32
        %dma_wait3A_320 = arith.constant 0 : i32
        %dma_wait3A_321 = arith.constant 0 : i32
        %dma_wait3A_322 = arith.constant 0 : i32
        %dma_wait3A_323 = tpu.memref_slice %arg9[%dma_wait3A_319, %dma_wait3A_321, %dma_wait3A_322] : memref<4x64x128xf32, #tpu.memory_space<vmem>> -> memref<1x64x128xf32, #tpu.memory_space<vmem>>
        %dma_wait3A_324 = tpu.memref_squeeze %dma_wait3A_323 : memref<1x64x128xf32, #tpu.memory_space<vmem>> -> memref<64x128xf32, #tpu.memory_space<vmem>>
        %dma_wait3A_325 = arith.constant 0 : i32
        %dma_wait3A_326 = tpu.memref_slice %arg8[%dma_wait3A_320, %dma_wait3A_325] : memref<80x64xi32, #tpu.memory_space<vmem>> -> memref<1x64xi32, #tpu.memory_space<vmem>>
        %dma_wait3A_327 = tpu.memref_squeeze %dma_wait3A_326 : memref<1x64xi32, #tpu.memory_space<vmem>> -> memref<64xi32, #tpu.memory_space<vmem>>
        %dma_wait3A_328 = arith.constant 0 : i32
        %dma_wait3A_329 = arith.constant 0 : i32
        %dma_wait3A_330 = tpu.memref_slice %arg10[%dma_wait3A_328, %dma_wait3A_329] : memref<10112x128xf32, #tpu.memory_space<vmem_shared>> -> memref<10112x128xf32, #tpu.memory_space<vmem_shared>>
        tpu.wait_indirect_dma semaphore(%arg17 : memref<!tpu.dma_semaphore, #tpu.memory_space<semaphore_mem>>) src(%dma_wait3A_324 : memref<64x128xf32, #tpu.memory_space<vmem>>) dst(%dma_wait3A_330 : memref<10112x128xf32, #tpu.memory_space<vmem_shared>>)
        %add3A_331 = arith.constant 4 : i32
        %add3A_332 = arith.addi %add3A_258, %add3A_331 : i32
        %mul3A_333 = arith.constant 64 : i32
        %mul3A_334 = arith.muli %add3A_332, %mul3A_333 : i32
        %dma_start3A_335 = arith.constant 2 : i32
        %dma_start3A_336 = arith.constant 0 : i32
        %dma_start3A_337 = arith.constant 0 : i32
        %dma_start3A_338 = tpu.memref_slice %arg9[%dma_start3A_335, %dma_start3A_336, %dma_start3A_337] : memref<4x64x128xf32, #tpu.memory_space<vmem>> -> memref<1x64x128xf32, #tpu.memory_space<vmem>>
        %dma_start3A_339 = tpu.memref_squeeze %dma_start3A_338 : memref<1x64x128xf32, #tpu.memory_space<vmem>> -> memref<64x128xf32, #tpu.memory_space<vmem>>
        %dma_start3A_340 = tpu.memref_slice %arg7[%mul3A_334] : memref<5120xi32, #tpu.memory_space<vmem>> -> memref<64xi32, #tpu.memory_space<vmem>>
        %dma_start3A_341 = arith.constant 0 : i32
        %dma_start3A_342 = arith.constant 0 : i32
        %dma_start3A_343 = tpu.memref_slice %arg2[%dma_start3A_341, %dma_start3A_342] : memref<10000x128xf32, #tpu.memory_space<hbm>> -> memref<10000x128xf32, #tpu.memory_space<hbm>>
        tpu.enqueue_indirect_dma source(%dma_start3A_343 : memref<10000x128xf32, #tpu.memory_space<hbm>>) target(%dma_start3A_339 : memref<64x128xf32, #tpu.memory_space<vmem>>) offsets(%dma_start3A_340 : memref<64xi32, #tpu.memory_space<vmem>>) semaphore(%arg13 : memref<!tpu.dma_semaphore, #tpu.memory_space<semaphore_mem>>)
      } else {
      }
      %mul3A_287 = arith.constant 4 : i32
      %mul3A_288 = arith.muli %scan3A_193, %mul3A_287 : i32
      %add3A_289 = arith.constant 3 : i32
      %add3A_290 = arith.addi %mul3A_288, %add3A_289 : i32
      %dma_wait3A_291 = arith.constant 3 : i32
      %dma_wait3A_292 = arith.constant 0 : i32
      %dma_wait3A_293 = arith.constant 0 : i32
      %dma_wait3A_294 = tpu.memref_slice %arg9[%dma_wait3A_291, %dma_wait3A_292, %dma_wait3A_293] : memref<4x64x128xf32, #tpu.memory_space<vmem>> -> memref<1x64x128xf32, #tpu.memory_space<vmem>>
      %dma_wait3A_295 = tpu.memref_squeeze %dma_wait3A_294 : memref<1x64x128xf32, #tpu.memory_space<vmem>> -> memref<64x128xf32, #tpu.memory_space<vmem>>
      %dma_wait3A_296 = arith.constant 0 : i32
      %dma_wait3A_297 = tpu.memref_slice %arg7[%dma_wait3A_296] : memref<5120xi32, #tpu.memory_space<vmem>> -> memref<64xi32, #tpu.memory_space<vmem>>
      %dma_wait3A_298 = arith.constant 0 : i32
      %dma_wait3A_299 = arith.constant 0 : i32
      %dma_wait3A_300 = tpu.memref_slice %arg2[%dma_wait3A_298, %dma_wait3A_299] : memref<10000x128xf32, #tpu.memory_space<hbm>> -> memref<10000x128xf32, #tpu.memory_space<hbm>>
      tpu.wait_indirect_dma semaphore(%arg14 : memref<!tpu.dma_semaphore, #tpu.memory_space<semaphore_mem>>) src(%dma_wait3A_300 : memref<10000x128xf32, #tpu.memory_space<hbm>>) dst(%dma_wait3A_295 : memref<64x128xf32, #tpu.memory_space<vmem>>)
      %dma_start3A_301 = arith.constant 3 : i32
      %dma_start3A_302 = arith.constant 0 : i32
      %dma_start3A_303 = arith.constant 0 : i32
      %dma_start3A_304 = tpu.memref_slice %arg9[%dma_start3A_301, %dma_start3A_302, %dma_start3A_303] : memref<4x64x128xf32, #tpu.memory_space<vmem>> -> memref<1x64x128xf32, #tpu.memory_space<vmem>>
      %dma_start3A_305 = tpu.memref_squeeze %dma_start3A_304 : memref<1x64x128xf32, #tpu.memory_space<vmem>> -> memref<64x128xf32, #tpu.memory_space<vmem>>
      %dma_start3A_306 = arith.constant 0 : i32
      %dma_start3A_307 = tpu.memref_slice %arg8[%add3A_290, %dma_start3A_306] : memref<80x64xi32, #tpu.memory_space<vmem>> -> memref<1x64xi32, #tpu.memory_space<vmem>>
      %dma_start3A_308 = tpu.memref_squeeze %dma_start3A_307 : memref<1x64xi32, #tpu.memory_space<vmem>> -> memref<64xi32, #tpu.memory_space<vmem>>
      %dma_start3A_309 = arith.constant 0 : i32
      %dma_start3A_310 = arith.constant 0 : i32
      %dma_start3A_311 = tpu.memref_slice %arg10[%dma_start3A_309, %dma_start3A_310] : memref<10112x128xf32, #tpu.memory_space<vmem_shared>> -> memref<10112x128xf32, #tpu.memory_space<vmem_shared>>
      tpu.enqueue_indirect_dma source(%dma_start3A_305 : memref<64x128xf32, #tpu.memory_space<vmem>>) target(%dma_start3A_311 : memref<10112x128xf32, #tpu.memory_space<vmem_shared>>) offsets(%dma_start3A_308 : memref<64xi32, #tpu.memory_space<vmem>>) semaphore(%arg18 : memref<!tpu.dma_semaphore, #tpu.memory_space<semaphore_mem>>) {add = true}
      %add3A_312 = arith.constant 4 : i32
      %add3A_313 = arith.addi %add3A_290, %add3A_312 : i32
      %lt3A_314 = arith.constant 80 : i32
      %lt3A_315 = arith.cmpi slt, %add3A_313, %lt3A_314 : i32
      %convert_element_type3A_316 = arith.extui %lt3A_315 : i1 to i32
      %cond3A_317 = arith.constant 0 : i32
      %cond3A_318 = arith.cmpi ne, %convert_element_type3A_316, %cond3A_317 : i32
      scf.if %cond3A_318 {
        %dma_wait3A_319 = arith.constant 3 : i32
        %dma_wait3A_320 = arith.constant 0 : i32
        %dma_wait3A_321 = arith.constant 0 : i32
        %dma_wait3A_322 = arith.constant 0 : i32
        %dma_wait3A_323 = tpu.memref_slice %arg9[%dma_wait3A_319, %dma_wait3A_321, %dma_wait3A_322] : memref<4x64x128xf32, #tpu.memory_space<vmem>> -> memref<1x64x128xf32, #tpu.memory_space<vmem>>
        %dma_wait3A_324 = tpu.memref_squeeze %dma_wait3A_323 : memref<1x64x128xf32, #tpu.memory_space<vmem>> -> memref<64x128xf32, #tpu.memory_space<vmem>>
        %dma_wait3A_325 = arith.constant 0 : i32
        %dma_wait3A_326 = tpu.memref_slice %arg8[%dma_wait3A_320, %dma_wait3A_325] : memref<80x64xi32, #tpu.memory_space<vmem>> -> memref<1x64xi32, #tpu.memory_space<vmem>>
        %dma_wait3A_327 = tpu.memref_squeeze %dma_wait3A_326 : memref<1x64xi32, #tpu.memory_space<vmem>> -> memref<64xi32, #tpu.memory_space<vmem>>
        %dma_wait3A_328 = arith.constant 0 : i32
        %dma_wait3A_329 = arith.constant 0 : i32
        %dma_wait3A_330 = tpu.memref_slice %arg10[%dma_wait3A_328, %dma_wait3A_329] : memref<10112x128xf32, #tpu.memory_space<vmem_shared>> -> memref<10112x128xf32, #tpu.memory_space<vmem_shared>>
        tpu.wait_indirect_dma semaphore(%arg18 : memref<!tpu.dma_semaphore, #tpu.memory_space<semaphore_mem>>) src(%dma_wait3A_324 : memref<64x128xf32, #tpu.memory_space<vmem>>) dst(%dma_wait3A_330 : memref<10112x128xf32, #tpu.memory_space<vmem_shared>>)
        %add3A_331 = arith.constant 4 : i32
        %add3A_332 = arith.addi %add3A_290, %add3A_331 : i32
        %mul3A_333 = arith.constant 64 : i32
        %mul3A_334 = arith.muli %add3A_332, %mul3A_333 : i32
        %dma_start3A_335 = arith.constant 3 : i32
        %dma_start3A_336 = arith.constant 0 : i32
        %dma_start3A_337 = arith.constant 0 : i32
        %dma_start3A_338 = tpu.memref_slice %arg9[%dma_start3A_335, %dma_start3A_336, %dma_start3A_337] : memref<4x64x128xf32, #tpu.memory_space<vmem>> -> memref<1x64x128xf32, #tpu.memory_space<vmem>>
        %dma_start3A_339 = tpu.memref_squeeze %dma_start3A_338 : memref<1x64x128xf32, #tpu.memory_space<vmem>> -> memref<64x128xf32, #tpu.memory_space<vmem>>
        %dma_start3A_340 = tpu.memref_slice %arg7[%mul3A_334] : memref<5120xi32, #tpu.memory_space<vmem>> -> memref<64xi32, #tpu.memory_space<vmem>>
        %dma_start3A_341 = arith.constant 0 : i32
        %dma_start3A_342 = arith.constant 0 : i32
        %dma_start3A_343 = tpu.memref_slice %arg2[%dma_start3A_341, %dma_start3A_342] : memref<10000x128xf32, #tpu.memory_space<hbm>> -> memref<10000x128xf32, #tpu.memory_space<hbm>>
        tpu.enqueue_indirect_dma source(%dma_start3A_343 : memref<10000x128xf32, #tpu.memory_space<hbm>>) target(%dma_start3A_339 : memref<64x128xf32, #tpu.memory_space<vmem>>) offsets(%dma_start3A_340 : memref<64xi32, #tpu.memory_space<vmem>>) semaphore(%arg14 : memref<!tpu.dma_semaphore, #tpu.memory_space<semaphore_mem>>)
      } else {
      }
    }
    %scan3A_139 = arith.constant 20 : i32
    %dma_wait3A_140 = arith.constant 0 : i32
    %dma_wait3A_141 = arith.constant 0 : i32
    %dma_wait3A_142 = arith.constant 0 : i32
    %dma_wait3A_143 = arith.constant 0 : i32
    %dma_wait3A_144 = tpu.memref_slice %arg9[%dma_wait3A_140, %dma_wait3A_142, %dma_wait3A_143] : memref<4x64x128xf32, #tpu.memory_space<vmem>> -> memref<1x64x128xf32, #tpu.memory_space<vmem>>
    %dma_wait3A_145 = tpu.memref_squeeze %dma_wait3A_144 : memref<1x64x128xf32, #tpu.memory_space<vmem>> -> memref<64x128xf32, #tpu.memory_space<vmem>>
    %dma_wait3A_146 = arith.constant 0 : i32
    %dma_wait3A_147 = tpu.memref_slice %arg8[%dma_wait3A_141, %dma_wait3A_146] : memref<80x64xi32, #tpu.memory_space<vmem>> -> memref<1x64xi32, #tpu.memory_space<vmem>>
    %dma_wait3A_148 = tpu.memref_squeeze %dma_wait3A_147 : memref<1x64xi32, #tpu.memory_space<vmem>> -> memref<64xi32, #tpu.memory_space<vmem>>
    %dma_wait3A_149 = arith.constant 0 : i32
    %dma_wait3A_150 = arith.constant 0 : i32
    %dma_wait3A_151 = tpu.memref_slice %arg10[%dma_wait3A_149, %dma_wait3A_150] : memref<10112x128xf32, #tpu.memory_space<vmem_shared>> -> memref<10112x128xf32, #tpu.memory_space<vmem_shared>>
    tpu.wait_indirect_dma semaphore(%arg15 : memref<!tpu.dma_semaphore, #tpu.memory_space<semaphore_mem>>) src(%dma_wait3A_145 : memref<64x128xf32, #tpu.memory_space<vmem>>) dst(%dma_wait3A_151 : memref<10112x128xf32, #tpu.memory_space<vmem_shared>>)
    %dma_wait3A_152 = arith.constant 1 : i32
    %dma_wait3A_153 = arith.constant 0 : i32
    %dma_wait3A_154 = arith.constant 0 : i32
    %dma_wait3A_155 = arith.constant 0 : i32
    %dma_wait3A_156 = tpu.memref_slice %arg9[%dma_wait3A_152, %dma_wait3A_154, %dma_wait3A_155] : memref<4x64x128xf32, #tpu.memory_space<vmem>> -> memref<1x64x128xf32, #tpu.memory_space<vmem>>
    %dma_wait3A_157 = tpu.memref_squeeze %dma_wait3A_156 : memref<1x64x128xf32, #tpu.memory_space<vmem>> -> memref<64x128xf32, #tpu.memory_space<vmem>>
    %dma_wait3A_158 = arith.constant 0 : i32
    %dma_wait3A_159 = tpu.memref_slice %arg8[%dma_wait3A_153, %dma_wait3A_158] : memref<80x64xi32, #tpu.memory_space<vmem>> -> memref<1x64xi32, #tpu.memory_space<vmem>>
    %dma_wait3A_160 = tpu.memref_squeeze %dma_wait3A_159 : memref<1x64xi32, #tpu.memory_space<vmem>> -> memref<64xi32, #tpu.memory_space<vmem>>
    %dma_wait3A_161 = arith.constant 0 : i32
    %dma_wait3A_162 = arith.constant 0 : i32
    %dma_wait3A_163 = tpu.memref_slice %arg10[%dma_wait3A_161, %dma_wait3A_162] : memref<10112x128xf32, #tpu.memory_space<vmem_shared>> -> memref<10112x128xf32, #tpu.memory_space<vmem_shared>>
    tpu.wait_indirect_dma semaphore(%arg16 : memref<!tpu.dma_semaphore, #tpu.memory_space<semaphore_mem>>) src(%dma_wait3A_157 : memref<64x128xf32, #tpu.memory_space<vmem>>) dst(%dma_wait3A_163 : memref<10112x128xf32, #tpu.memory_space<vmem_shared>>)
    %dma_wait3A_164 = arith.constant 2 : i32
    %dma_wait3A_165 = arith.constant 0 : i32
    %dma_wait3A_166 = arith.constant 0 : i32
    %dma_wait3A_167 = arith.constant 0 : i32
    %dma_wait3A_168 = tpu.memref_slice %arg9[%dma_wait3A_164, %dma_wait3A_166, %dma_wait3A_167] : memref<4x64x128xf32, #tpu.memory_space<vmem>> -> memref<1x64x128xf32, #tpu.memory_space<vmem>>
    %dma_wait3A_169 = tpu.memref_squeeze %dma_wait3A_168 : memref<1x64x128xf32, #tpu.memory_space<vmem>> -> memref<64x128xf32, #tpu.memory_space<vmem>>
    %dma_wait3A_170 = arith.constant 0 : i32
    %dma_wait3A_171 = tpu.memref_slice %arg8[%dma_wait3A_165, %dma_wait3A_170] : memref<80x64xi32, #tpu.memory_space<vmem>> -> memref<1x64xi32, #tpu.memory_space<vmem>>
    %dma_wait3A_172 = tpu.memref_squeeze %dma_wait3A_171 : memref<1x64xi32, #tpu.memory_space<vmem>> -> memref<64xi32, #tpu.memory_space<vmem>>
    %dma_wait3A_173 = arith.constant 0 : i32
    %dma_wait3A_174 = arith.constant 0 : i32
    %dma_wait3A_175 = tpu.memref_slice %arg10[%dma_wait3A_173, %dma_wait3A_174] : memref<10112x128xf32, #tpu.memory_space<vmem_shared>> -> memref<10112x128xf32, #tpu.memory_space<vmem_shared>>
    tpu.wait_indirect_dma semaphore(%arg17 : memref<!tpu.dma_semaphore, #tpu.memory_space<semaphore_mem>>) src(%dma_wait3A_169 : memref<64x128xf32, #tpu.memory_space<vmem>>) dst(%dma_wait3A_175 : memref<10112x128xf32, #tpu.memory_space<vmem_shared>>)
    %dma_wait3A_176 = arith.constant 3 : i32
    %dma_wait3A_177 = arith.constant 0 : i32
    %dma_wait3A_178 = arith.constant 0 : i32
    %dma_wait3A_179 = arith.constant 0 : i32
    %dma_wait3A_180 = tpu.memref_slice %arg9[%dma_wait3A_176, %dma_wait3A_178, %dma_wait3A_179] : memref<4x64x128xf32, #tpu.memory_space<vmem>> -> memref<1x64x128xf32, #tpu.memory_space<vmem>>
    %dma_wait3A_181 = tpu.memref_squeeze %dma_wait3A_180 : memref<1x64x128xf32, #tpu.memory_space<vmem>> -> memref<64x128xf32, #tpu.memory_space<vmem>>
    %dma_wait3A_182 = arith.constant 0 : i32
    %dma_wait3A_183 = tpu.memref_slice %arg8[%dma_wait3A_177, %dma_wait3A_182] : memref<80x64xi32, #tpu.memory_space<vmem>> -> memref<1x64xi32, #tpu.memory_space<vmem>>
    %dma_wait3A_184 = tpu.memref_squeeze %dma_wait3A_183 : memref<1x64xi32, #tpu.memory_space<vmem>> -> memref<64xi32, #tpu.memory_space<vmem>>
    %dma_wait3A_185 = arith.constant 0 : i32
    %dma_wait3A_186 = arith.constant 0 : i32
    %dma_wait3A_187 = tpu.memref_slice %arg10[%dma_wait3A_185, %dma_wait3A_186] : memref<10112x128xf32, #tpu.memory_space<vmem_shared>> -> memref<10112x128xf32, #tpu.memory_space<vmem_shared>>
    tpu.wait_indirect_dma semaphore(%arg18 : memref<!tpu.dma_semaphore, #tpu.memory_space<semaphore_mem>>) src(%dma_wait3A_181 : memref<64x128xf32, #tpu.memory_space<vmem>>) dst(%dma_wait3A_187 : memref<10112x128xf32, #tpu.memory_space<vmem_shared>>)
    %barrier3A_188 = arith.constant 0 : index
    tpu.barrier barrier_id(%barrier3A_188)
    %mul3A_189 = arith.constant 632 : i32
    %mul3A_190 = arith.muli %arg1, %mul3A_189 : i32
    %mul3A_191 = arith.constant 632 : i32
    %mul3A_192 = arith.muli %arg1, %mul3A_191 : i32
    "tpu.region"() ({
      %run_scoped3A = tpu.sem_alloc : memref<!tpu.dma_semaphore, #tpu.memory_space<semaphore_mem>>
      %dma_start3A_193 = arith.constant 0 : i32
      %dma_start3A_194 = tpu.memref_slice %arg6[%arg0, %mul3A_192, %dma_start3A_193] : memref<2x10112x128xf32, #tpu.memory_space<hbm>> -> memref<1x632x128xf32, #tpu.memory_space<hbm>>
      %dma_start3A_195 = tpu.memref_squeeze %dma_start3A_194 : memref<1x632x128xf32, #tpu.memory_space<hbm>> -> memref<632x128xf32, #tpu.memory_space<hbm>>
      %dma_start3A_196 = arith.constant 0 : i32
      %dma_start3A_197 = tpu.memref_slice %arg10[%mul3A_190, %dma_start3A_196] : memref<10112x128xf32, #tpu.memory_space<vmem_shared>> -> memref<632x128xf32, #tpu.memory_space<vmem_shared>>
      tpu.enqueue_dma source(%dma_start3A_197 : memref<632x128xf32, #tpu.memory_space<vmem_shared>>) target(%dma_start3A_195 : memref<632x128xf32, #tpu.memory_space<hbm>>) target_semaphore(%run_scoped3A : memref<!tpu.dma_semaphore, #tpu.memory_space<semaphore_mem>>)
      %dma_wait3A_198 = arith.constant 0 : i32
      %dma_wait3A_199 = tpu.memref_slice %arg6[%arg0, %mul3A_192, %dma_wait3A_198] : memref<2x10112x128xf32, #tpu.memory_space<hbm>> -> memref<1x632x128xf32, #tpu.memory_space<hbm>>
      %dma_wait3A_200 = tpu.memref_squeeze %dma_wait3A_199 : memref<1x632x128xf32, #tpu.memory_space<hbm>> -> memref<632x128xf32, #tpu.memory_space<hbm>>
      %dma_wait3A_201 = arith.constant 0 : i32
      %dma_wait3A_202 = tpu.memref_slice %arg10[%mul3A_190, %dma_wait3A_201] : memref<10112x128xf32, #tpu.memory_space<vmem_shared>> -> memref<632x128xf32, #tpu.memory_space<vmem_shared>>
      tpu.wait_dma2 semaphore(%run_scoped3A : memref<!tpu.dma_semaphore, #tpu.memory_space<semaphore_mem>>) src(%dma_wait3A_202 : memref<632x128xf32, #tpu.memory_space<vmem_shared>>) dst(%dma_wait3A_200 : memref<632x128xf32, #tpu.memory_space<hbm>>)
      tpu.yield
    }) : () -> ()
    return
  }
}

#map = affine_map<(d0, d1) -> (0, 0, 0)>
#map1 = affine_map<(d0, d1) -> (0, 0)>
module attributes {stable_mosaic.version = 14 : i64} {
  func.func @_deg_body(%arg0: i32, %arg1: i32, %arg2: memref<32x80x128xi32, #tpu.memory_space<hbm>>, %arg3: memref<128x128xf32, #tpu.memory_space<hbm>>, %arg4: memref<632x128xf32, #tpu.memory_space<hbm>>, %arg5: memref<2x10112x128xf32, #tpu.memory_space<hbm>>, %arg6: memref<80x128xi32, #tpu.memory_space<vmem>>, %arg7: memref<128x128xf32, #tpu.memory_space<vmem>>, %arg8: memref<10112x128xf32, #tpu.memory_space<vmem_shared>>, %arg9: memref<!tpu.dma_semaphore, #tpu.memory_space<semaphore_mem>>) attributes {dimension_semantics = [#tpu.dimension_semantics<core_parallel>, #tpu.dimension_semantics<subcore_parallel>], iteration_bounds = array<i64: 2, 16>, scalar_prefetch = 0 : i64, scratch_operands = 4 : i64, tpu.core_type = #tpu.core_type<sc_vector_subcore>, window_params = [{transform_indices = #map}, {transform_indices = #map1}, {transform_indices = #map1}, {transform_indices = #map}]} {
    %mul3A = arith.constant 2 : i32
    %mul3A_0 = arith.muli %arg1, %mul3A : i32
    %add3A = arith.addi %mul3A_0, %arg0 : i32
    %mul3A_1 = arith.constant 632 : i32
    %mul3A_2 = arith.muli %arg1, %mul3A_1 : i32
    "tpu.region"() ({
      %run_scoped3A = tpu.sem_alloc : memref<!tpu.dma_semaphore, #tpu.memory_space<semaphore_mem>>
      %dma_start3A = arith.constant 0 : i32
      %dma_start3A_9 = tpu.memref_slice %arg8[%mul3A_2, %dma_start3A] : memref<10112x128xf32, #tpu.memory_space<vmem_shared>> -> memref<632x128xf32, #tpu.memory_space<vmem_shared>>
      tpu.enqueue_dma source(%arg4 : memref<632x128xf32, #tpu.memory_space<hbm>>) target(%dma_start3A_9 : memref<632x128xf32, #tpu.memory_space<vmem_shared>>) target_semaphore(%run_scoped3A : memref<!tpu.dma_semaphore, #tpu.memory_space<semaphore_mem>>)
      %dma_wait3A = arith.constant 0 : i32
      %dma_wait3A_10 = tpu.memref_slice %arg8[%mul3A_2, %dma_wait3A] : memref<10112x128xf32, #tpu.memory_space<vmem_shared>> -> memref<632x128xf32, #tpu.memory_space<vmem_shared>>
      tpu.wait_dma2 semaphore(%run_scoped3A : memref<!tpu.dma_semaphore, #tpu.memory_space<semaphore_mem>>) src(%arg4 : memref<632x128xf32, #tpu.memory_space<hbm>>) dst(%dma_wait3A_10 : memref<632x128xf32, #tpu.memory_space<vmem_shared>>)
      tpu.yield
    }) : () -> ()
    "tpu.region"() ({
      %run_scoped3A = tpu.sem_alloc : memref<!tpu.dma_semaphore, #tpu.memory_space<semaphore_mem>>
      tpu.enqueue_dma source(%arg3 : memref<128x128xf32, #tpu.memory_space<hbm>>) target(%arg7 : memref<128x128xf32, #tpu.memory_space<vmem>>) target_semaphore(%run_scoped3A : memref<!tpu.dma_semaphore, #tpu.memory_space<semaphore_mem>>)
      tpu.wait_dma2 semaphore(%run_scoped3A : memref<!tpu.dma_semaphore, #tpu.memory_space<semaphore_mem>>) src(%arg3 : memref<128x128xf32, #tpu.memory_space<hbm>>) dst(%arg7 : memref<128x128xf32, #tpu.memory_space<vmem>>)
      tpu.yield
    }) : () -> ()
    "tpu.region"() ({
      %run_scoped3A = tpu.sem_alloc : memref<!tpu.dma_semaphore, #tpu.memory_space<semaphore_mem>>
      %dma_start3A = arith.constant 0 : i32
      %dma_start3A_9 = arith.constant 0 : i32
      %dma_start3A_10 = tpu.memref_slice %arg2[%add3A, %dma_start3A, %dma_start3A_9] : memref<32x80x128xi32, #tpu.memory_space<hbm>> -> memref<1x80x128xi32, #tpu.memory_space<hbm>>
      %dma_start3A_11 = tpu.memref_squeeze %dma_start3A_10 : memref<1x80x128xi32, #tpu.memory_space<hbm>> -> memref<80x128xi32, #tpu.memory_space<hbm>>
      %dma_start3A_12 = arith.constant 0 : i32
      %dma_start3A_13 = arith.constant 0 : i32
      %dma_start3A_14 = tpu.memref_slice %arg2[%add3A, %dma_start3A_12, %dma_start3A_13] : memref<32x80x128xi32, #tpu.memory_space<hbm>> -> memref<1x80x128xi32, #tpu.memory_space<hbm>>
      %dma_start3A_15 = tpu.memref_squeeze %dma_start3A_14 : memref<1x80x128xi32, #tpu.memory_space<hbm>> -> memref<80x128xi32, #tpu.memory_space<hbm>>
      tpu.enqueue_dma source(%dma_start3A_15 : memref<80x128xi32, #tpu.memory_space<hbm>>) target(%arg6 : memref<80x128xi32, #tpu.memory_space<vmem>>) target_semaphore(%run_scoped3A : memref<!tpu.dma_semaphore, #tpu.memory_space<semaphore_mem>>)
      %dma_wait3A = arith.constant 0 : i32
      %dma_wait3A_16 = arith.constant 0 : i32
      %dma_wait3A_17 = tpu.memref_slice %arg2[%add3A, %dma_wait3A, %dma_wait3A_16] : memref<32x80x128xi32, #tpu.memory_space<hbm>> -> memref<1x80x128xi32, #tpu.memory_space<hbm>>
      %dma_wait3A_18 = tpu.memref_squeeze %dma_wait3A_17 : memref<1x80x128xi32, #tpu.memory_space<hbm>> -> memref<80x128xi32, #tpu.memory_space<hbm>>
      %dma_wait3A_19 = arith.constant 0 : i32
      %dma_wait3A_20 = arith.constant 0 : i32
      %dma_wait3A_21 = tpu.memref_slice %arg2[%add3A, %dma_wait3A_19, %dma_wait3A_20] : memref<32x80x128xi32, #tpu.memory_space<hbm>> -> memref<1x80x128xi32, #tpu.memory_space<hbm>>
      %dma_wait3A_22 = tpu.memref_squeeze %dma_wait3A_21 : memref<1x80x128xi32, #tpu.memory_space<hbm>> -> memref<80x128xi32, #tpu.memory_space<hbm>>
      tpu.wait_dma2 semaphore(%run_scoped3A : memref<!tpu.dma_semaphore, #tpu.memory_space<semaphore_mem>>) src(%dma_wait3A_22 : memref<80x128xi32, #tpu.memory_space<hbm>>) dst(%arg6 : memref<80x128xi32, #tpu.memory_space<vmem>>)
      tpu.yield
    }) : () -> ()
    %barrier3A = arith.constant 0 : index
    tpu.barrier barrier_id(%barrier3A)
    %scan3A = arith.constant 0 : i32
    %scan3A_3 = arith.constant 0 : i32
    %scan3A_4 = arith.constant 10 : i32
    %scan3A_5 = arith.addi %scan3A_3, %scan3A_4 : i32
    %scan3A_6 = arith.constant 1 : i32
    scf.for %scan3A_9 = %scan3A_3 to %scan3A_5 step %scan3A_6  : i32 {
      %mul3A_10 = arith.constant 8 : i32
      %mul3A_11 = arith.muli %scan3A_9, %mul3A_10 : i32
      %add3A_12 = arith.constant 0 : i32
      %add3A_13 = arith.addi %mul3A_11, %add3A_12 : i32
      %dma_start3A = arith.constant 0 : i32
      %dma_start3A_14 = tpu.memref_slice %arg6[%add3A_13, %dma_start3A] : memref<80x128xi32, #tpu.memory_space<vmem>> -> memref<1x128xi32, #tpu.memory_space<vmem>>
      %dma_start3A_15 = tpu.memref_squeeze %dma_start3A_14 : memref<1x128xi32, #tpu.memory_space<vmem>> -> memref<128xi32, #tpu.memory_space<vmem>>
      %dma_start3A_16 = arith.constant 0 : i32
      %dma_start3A_17 = arith.constant 0 : i32
      %dma_start3A_18 = tpu.memref_slice %arg8[%dma_start3A_16, %dma_start3A_17] : memref<10112x128xf32, #tpu.memory_space<vmem_shared>> -> memref<10112x128xf32, #tpu.memory_space<vmem_shared>>
      tpu.enqueue_indirect_dma source(%arg7 : memref<128x128xf32, #tpu.memory_space<vmem>>) target(%dma_start3A_18 : memref<10112x128xf32, #tpu.memory_space<vmem_shared>>) offsets(%dma_start3A_15 : memref<128xi32, #tpu.memory_space<vmem>>) semaphore(%arg9 : memref<!tpu.dma_semaphore, #tpu.memory_space<semaphore_mem>>) {add = true}
      %mul3A_19 = arith.constant 8 : i32
      %mul3A_20 = arith.muli %scan3A_9, %mul3A_19 : i32
      %add3A_21 = arith.constant 1 : i32
      %add3A_22 = arith.addi %mul3A_20, %add3A_21 : i32
      %dma_start3A_23 = arith.constant 0 : i32
      %dma_start3A_24 = tpu.memref_slice %arg6[%add3A_22, %dma_start3A_23] : memref<80x128xi32, #tpu.memory_space<vmem>> -> memref<1x128xi32, #tpu.memory_space<vmem>>
      %dma_start3A_25 = tpu.memref_squeeze %dma_start3A_24 : memref<1x128xi32, #tpu.memory_space<vmem>> -> memref<128xi32, #tpu.memory_space<vmem>>
      %dma_start3A_26 = arith.constant 0 : i32
      %dma_start3A_27 = arith.constant 0 : i32
      %dma_start3A_28 = tpu.memref_slice %arg8[%dma_start3A_26, %dma_start3A_27] : memref<10112x128xf32, #tpu.memory_space<vmem_shared>> -> memref<10112x128xf32, #tpu.memory_space<vmem_shared>>
      tpu.enqueue_indirect_dma source(%arg7 : memref<128x128xf32, #tpu.memory_space<vmem>>) target(%dma_start3A_28 : memref<10112x128xf32, #tpu.memory_space<vmem_shared>>) offsets(%dma_start3A_25 : memref<128xi32, #tpu.memory_space<vmem>>) semaphore(%arg9 : memref<!tpu.dma_semaphore, #tpu.memory_space<semaphore_mem>>) {add = true}
      %mul3A_29 = arith.constant 8 : i32
      %mul3A_30 = arith.muli %scan3A_9, %mul3A_29 : i32
      %add3A_31 = arith.constant 2 : i32
      %add3A_32 = arith.addi %mul3A_30, %add3A_31 : i32
      %dma_start3A_33 = arith.constant 0 : i32
      %dma_start3A_34 = tpu.memref_slice %arg6[%add3A_32, %dma_start3A_33] : memref<80x128xi32, #tpu.memory_space<vmem>> -> memref<1x128xi32, #tpu.memory_space<vmem>>
      %dma_start3A_35 = tpu.memref_squeeze %dma_start3A_34 : memref<1x128xi32, #tpu.memory_space<vmem>> -> memref<128xi32, #tpu.memory_space<vmem>>
      %dma_start3A_36 = arith.constant 0 : i32
      %dma_start3A_37 = arith.constant 0 : i32
      %dma_start3A_38 = tpu.memref_slice %arg8[%dma_start3A_36, %dma_start3A_37] : memref<10112x128xf32, #tpu.memory_space<vmem_shared>> -> memref<10112x128xf32, #tpu.memory_space<vmem_shared>>
      tpu.enqueue_indirect_dma source(%arg7 : memref<128x128xf32, #tpu.memory_space<vmem>>) target(%dma_start3A_38 : memref<10112x128xf32, #tpu.memory_space<vmem_shared>>) offsets(%dma_start3A_35 : memref<128xi32, #tpu.memory_space<vmem>>) semaphore(%arg9 : memref<!tpu.dma_semaphore, #tpu.memory_space<semaphore_mem>>) {add = true}
      %mul3A_39 = arith.constant 8 : i32
      %mul3A_40 = arith.muli %scan3A_9, %mul3A_39 : i32
      %add3A_41 = arith.constant 3 : i32
      %add3A_42 = arith.addi %mul3A_40, %add3A_41 : i32
      %dma_start3A_43 = arith.constant 0 : i32
      %dma_start3A_44 = tpu.memref_slice %arg6[%add3A_42, %dma_start3A_43] : memref<80x128xi32, #tpu.memory_space<vmem>> -> memref<1x128xi32, #tpu.memory_space<vmem>>
      %dma_start3A_45 = tpu.memref_squeeze %dma_start3A_44 : memref<1x128xi32, #tpu.memory_space<vmem>> -> memref<128xi32, #tpu.memory_space<vmem>>
      %dma_start3A_46 = arith.constant 0 : i32
      %dma_start3A_47 = arith.constant 0 : i32
      %dma_start3A_48 = tpu.memref_slice %arg8[%dma_start3A_46, %dma_start3A_47] : memref<10112x128xf32, #tpu.memory_space<vmem_shared>> -> memref<10112x128xf32, #tpu.memory_space<vmem_shared>>
      tpu.enqueue_indirect_dma source(%arg7 : memref<128x128xf32, #tpu.memory_space<vmem>>) target(%dma_start3A_48 : memref<10112x128xf32, #tpu.memory_space<vmem_shared>>) offsets(%dma_start3A_45 : memref<128xi32, #tpu.memory_space<vmem>>) semaphore(%arg9 : memref<!tpu.dma_semaphore, #tpu.memory_space<semaphore_mem>>) {add = true}
      %mul3A_49 = arith.constant 8 : i32
      %mul3A_50 = arith.muli %scan3A_9, %mul3A_49 : i32
      %add3A_51 = arith.constant 4 : i32
      %add3A_52 = arith.addi %mul3A_50, %add3A_51 : i32
      %dma_start3A_53 = arith.constant 0 : i32
      %dma_start3A_54 = tpu.memref_slice %arg6[%add3A_52, %dma_start3A_53] : memref<80x128xi32, #tpu.memory_space<vmem>> -> memref<1x128xi32, #tpu.memory_space<vmem>>
      %dma_start3A_55 = tpu.memref_squeeze %dma_start3A_54 : memref<1x128xi32, #tpu.memory_space<vmem>> -> memref<128xi32, #tpu.memory_space<vmem>>
      %dma_start3A_56 = arith.constant 0 : i32
      %dma_start3A_57 = arith.constant 0 : i32
      %dma_start3A_58 = tpu.memref_slice %arg8[%dma_start3A_56, %dma_start3A_57] : memref<10112x128xf32, #tpu.memory_space<vmem_shared>> -> memref<10112x128xf32, #tpu.memory_space<vmem_shared>>
      tpu.enqueue_indirect_dma source(%arg7 : memref<128x128xf32, #tpu.memory_space<vmem>>) target(%dma_start3A_58 : memref<10112x128xf32, #tpu.memory_space<vmem_shared>>) offsets(%dma_start3A_55 : memref<128xi32, #tpu.memory_space<vmem>>) semaphore(%arg9 : memref<!tpu.dma_semaphore, #tpu.memory_space<semaphore_mem>>) {add = true}
      %mul3A_59 = arith.constant 8 : i32
      %mul3A_60 = arith.muli %scan3A_9, %mul3A_59 : i32
      %add3A_61 = arith.constant 5 : i32
      %add3A_62 = arith.addi %mul3A_60, %add3A_61 : i32
      %dma_start3A_63 = arith.constant 0 : i32
      %dma_start3A_64 = tpu.memref_slice %arg6[%add3A_62, %dma_start3A_63] : memref<80x128xi32, #tpu.memory_space<vmem>> -> memref<1x128xi32, #tpu.memory_space<vmem>>
      %dma_start3A_65 = tpu.memref_squeeze %dma_start3A_64 : memref<1x128xi32, #tpu.memory_space<vmem>> -> memref<128xi32, #tpu.memory_space<vmem>>
      %dma_start3A_66 = arith.constant 0 : i32
      %dma_start3A_67 = arith.constant 0 : i32
      %dma_start3A_68 = tpu.memref_slice %arg8[%dma_start3A_66, %dma_start3A_67] : memref<10112x128xf32, #tpu.memory_space<vmem_shared>> -> memref<10112x128xf32, #tpu.memory_space<vmem_shared>>
      tpu.enqueue_indirect_dma source(%arg7 : memref<128x128xf32, #tpu.memory_space<vmem>>) target(%dma_start3A_68 : memref<10112x128xf32, #tpu.memory_space<vmem_shared>>) offsets(%dma_start3A_65 : memref<128xi32, #tpu.memory_space<vmem>>) semaphore(%arg9 : memref<!tpu.dma_semaphore, #tpu.memory_space<semaphore_mem>>) {add = true}
      %mul3A_69 = arith.constant 8 : i32
      %mul3A_70 = arith.muli %scan3A_9, %mul3A_69 : i32
      %add3A_71 = arith.constant 6 : i32
      %add3A_72 = arith.addi %mul3A_70, %add3A_71 : i32
      %dma_start3A_73 = arith.constant 0 : i32
      %dma_start3A_74 = tpu.memref_slice %arg6[%add3A_72, %dma_start3A_73] : memref<80x128xi32, #tpu.memory_space<vmem>> -> memref<1x128xi32, #tpu.memory_space<vmem>>
      %dma_start3A_75 = tpu.memref_squeeze %dma_start3A_74 : memref<1x128xi32, #tpu.memory_space<vmem>> -> memref<128xi32, #tpu.memory_space<vmem>>
      %dma_start3A_76 = arith.constant 0 : i32
      %dma_start3A_77 = arith.constant 0 : i32
      %dma_start3A_78 = tpu.memref_slice %arg8[%dma_start3A_76, %dma_start3A_77] : memref<10112x128xf32, #tpu.memory_space<vmem_shared>> -> memref<10112x128xf32, #tpu.memory_space<vmem_shared>>
      tpu.enqueue_indirect_dma source(%arg7 : memref<128x128xf32, #tpu.memory_space<vmem>>) target(%dma_start3A_78 : memref<10112x128xf32, #tpu.memory_space<vmem_shared>>) offsets(%dma_start3A_75 : memref<128xi32, #tpu.memory_space<vmem>>) semaphore(%arg9 : memref<!tpu.dma_semaphore, #tpu.memory_space<semaphore_mem>>) {add = true}
      %mul3A_79 = arith.constant 8 : i32
      %mul3A_80 = arith.muli %scan3A_9, %mul3A_79 : i32
      %add3A_81 = arith.constant 7 : i32
      %add3A_82 = arith.addi %mul3A_80, %add3A_81 : i32
      %dma_start3A_83 = arith.constant 0 : i32
      %dma_start3A_84 = tpu.memref_slice %arg6[%add3A_82, %dma_start3A_83] : memref<80x128xi32, #tpu.memory_space<vmem>> -> memref<1x128xi32, #tpu.memory_space<vmem>>
      %dma_start3A_85 = tpu.memref_squeeze %dma_start3A_84 : memref<1x128xi32, #tpu.memory_space<vmem>> -> memref<128xi32, #tpu.memory_space<vmem>>
      %dma_start3A_86 = arith.constant 0 : i32
      %dma_start3A_87 = arith.constant 0 : i32
      %dma_start3A_88 = tpu.memref_slice %arg8[%dma_start3A_86, %dma_start3A_87] : memref<10112x128xf32, #tpu.memory_space<vmem_shared>> -> memref<10112x128xf32, #tpu.memory_space<vmem_shared>>
      tpu.enqueue_indirect_dma source(%arg7 : memref<128x128xf32, #tpu.memory_space<vmem>>) target(%dma_start3A_88 : memref<10112x128xf32, #tpu.memory_space<vmem_shared>>) offsets(%dma_start3A_85 : memref<128xi32, #tpu.memory_space<vmem>>) semaphore(%arg9 : memref<!tpu.dma_semaphore, #tpu.memory_space<semaphore_mem>>) {add = true}
      %dma_wait3A = arith.constant 0 : i32
      %dma_wait3A_89 = arith.constant 0 : i32
      %dma_wait3A_90 = tpu.memref_slice %arg6[%dma_wait3A, %dma_wait3A_89] : memref<80x128xi32, #tpu.memory_space<vmem>> -> memref<1x128xi32, #tpu.memory_space<vmem>>
      %dma_wait3A_91 = tpu.memref_squeeze %dma_wait3A_90 : memref<1x128xi32, #tpu.memory_space<vmem>> -> memref<128xi32, #tpu.memory_space<vmem>>
      %dma_wait3A_92 = arith.constant 0 : i32
      %dma_wait3A_93 = arith.constant 0 : i32
      %dma_wait3A_94 = tpu.memref_slice %arg8[%dma_wait3A_92, %dma_wait3A_93] : memref<10112x128xf32, #tpu.memory_space<vmem_shared>> -> memref<10112x128xf32, #tpu.memory_space<vmem_shared>>
      tpu.wait_indirect_dma semaphore(%arg9 : memref<!tpu.dma_semaphore, #tpu.memory_space<semaphore_mem>>) src(%arg7 : memref<128x128xf32, #tpu.memory_space<vmem>>) dst(%dma_wait3A_94 : memref<10112x128xf32, #tpu.memory_space<vmem_shared>>)
      %dma_wait3A_95 = arith.constant 0 : i32
      %dma_wait3A_96 = arith.constant 0 : i32
      %dma_wait3A_97 = tpu.memref_slice %arg6[%dma_wait3A_95, %dma_wait3A_96] : memref<80x128xi32, #tpu.memory_space<vmem>> -> memref<1x128xi32, #tpu.memory_space<vmem>>
      %dma_wait3A_98 = tpu.memref_squeeze %dma_wait3A_97 : memref<1x128xi32, #tpu.memory_space<vmem>> -> memref<128xi32, #tpu.memory_space<vmem>>
      %dma_wait3A_99 = arith.constant 0 : i32
      %dma_wait3A_100 = arith.constant 0 : i32
      %dma_wait3A_101 = tpu.memref_slice %arg8[%dma_wait3A_99, %dma_wait3A_100] : memref<10112x128xf32, #tpu.memory_space<vmem_shared>> -> memref<10112x128xf32, #tpu.memory_space<vmem_shared>>
      tpu.wait_indirect_dma semaphore(%arg9 : memref<!tpu.dma_semaphore, #tpu.memory_space<semaphore_mem>>) src(%arg7 : memref<128x128xf32, #tpu.memory_space<vmem>>) dst(%dma_wait3A_101 : memref<10112x128xf32, #tpu.memory_space<vmem_shared>>)
      %dma_wait3A_102 = arith.constant 0 : i32
      %dma_wait3A_103 = arith.constant 0 : i32
      %dma_wait3A_104 = tpu.memref_slice %arg6[%dma_wait3A_102, %dma_wait3A_103] : memref<80x128xi32, #tpu.memory_space<vmem>> -> memref<1x128xi32, #tpu.memory_space<vmem>>
      %dma_wait3A_105 = tpu.memref_squeeze %dma_wait3A_104 : memref<1x128xi32, #tpu.memory_space<vmem>> -> memref<128xi32, #tpu.memory_space<vmem>>
      %dma_wait3A_106 = arith.constant 0 : i32
      %dma_wait3A_107 = arith.constant 0 : i32
      %dma_wait3A_108 = tpu.memref_slice %arg8[%dma_wait3A_106, %dma_wait3A_107] : memref<10112x128xf32, #tpu.memory_space<vmem_shared>> -> memref<10112x128xf32, #tpu.memory_space<vmem_shared>>
      tpu.wait_indirect_dma semaphore(%arg9 : memref<!tpu.dma_semaphore, #tpu.memory_space<semaphore_mem>>) src(%arg7 : memref<128x128xf32, #tpu.memory_space<vmem>>) dst(%dma_wait3A_108 : memref<10112x128xf32, #tpu.memory_space<vmem_shared>>)
      %dma_wait3A_109 = arith.constant 0 : i32
      %dma_wait3A_110 = arith.constant 0 : i32
      %dma_wait3A_111 = tpu.memref_slice %arg6[%dma_wait3A_109, %dma_wait3A_110] : memref<80x128xi32, #tpu.memory_space<vmem>> -> memref<1x128xi32, #tpu.memory_space<vmem>>
      %dma_wait3A_112 = tpu.memref_squeeze %dma_wait3A_111 : memref<1x128xi32, #tpu.memory_space<vmem>> -> memref<128xi32, #tpu.memory_space<vmem>>
      %dma_wait3A_113 = arith.constant 0 : i32
      %dma_wait3A_114 = arith.constant 0 : i32
      %dma_wait3A_115 = tpu.memref_slice %arg8[%dma_wait3A_113, %dma_wait3A_114] : memref<10112x128xf32, #tpu.memory_space<vmem_shared>> -> memref<10112x128xf32, #tpu.memory_space<vmem_shared>>
      tpu.wait_indirect_dma semaphore(%arg9 : memref<!tpu.dma_semaphore, #tpu.memory_space<semaphore_mem>>) src(%arg7 : memref<128x128xf32, #tpu.memory_space<vmem>>) dst(%dma_wait3A_115 : memref<10112x128xf32, #tpu.memory_space<vmem_shared>>)
      %dma_wait3A_116 = arith.constant 0 : i32
      %dma_wait3A_117 = arith.constant 0 : i32
      %dma_wait3A_118 = tpu.memref_slice %arg6[%dma_wait3A_116, %dma_wait3A_117] : memref<80x128xi32, #tpu.memory_space<vmem>> -> memref<1x128xi32, #tpu.memory_space<vmem>>
      %dma_wait3A_119 = tpu.memref_squeeze %dma_wait3A_118 : memref<1x128xi32, #tpu.memory_space<vmem>> -> memref<128xi32, #tpu.memory_space<vmem>>
      %dma_wait3A_120 = arith.constant 0 : i32
      %dma_wait3A_121 = arith.constant 0 : i32
      %dma_wait3A_122 = tpu.memref_slice %arg8[%dma_wait3A_120, %dma_wait3A_121] : memref<10112x128xf32, #tpu.memory_space<vmem_shared>> -> memref<10112x128xf32, #tpu.memory_space<vmem_shared>>
      tpu.wait_indirect_dma semaphore(%arg9 : memref<!tpu.dma_semaphore, #tpu.memory_space<semaphore_mem>>) src(%arg7 : memref<128x128xf32, #tpu.memory_space<vmem>>) dst(%dma_wait3A_122 : memref<10112x128xf32, #tpu.memory_space<vmem_shared>>)
      %dma_wait3A_123 = arith.constant 0 : i32
      %dma_wait3A_124 = arith.constant 0 : i32
      %dma_wait3A_125 = tpu.memref_slice %arg6[%dma_wait3A_123, %dma_wait3A_124] : memref<80x128xi32, #tpu.memory_space<vmem>> -> memref<1x128xi32, #tpu.memory_space<vmem>>
      %dma_wait3A_126 = tpu.memref_squeeze %dma_wait3A_125 : memref<1x128xi32, #tpu.memory_space<vmem>> -> memref<128xi32, #tpu.memory_space<vmem>>
      %dma_wait3A_127 = arith.constant 0 : i32
      %dma_wait3A_128 = arith.constant 0 : i32
      %dma_wait3A_129 = tpu.memref_slice %arg8[%dma_wait3A_127, %dma_wait3A_128] : memref<10112x128xf32, #tpu.memory_space<vmem_shared>> -> memref<10112x128xf32, #tpu.memory_space<vmem_shared>>
      tpu.wait_indirect_dma semaphore(%arg9 : memref<!tpu.dma_semaphore, #tpu.memory_space<semaphore_mem>>) src(%arg7 : memref<128x128xf32, #tpu.memory_space<vmem>>) dst(%dma_wait3A_129 : memref<10112x128xf32, #tpu.memory_space<vmem_shared>>)
      %dma_wait3A_130 = arith.constant 0 : i32
      %dma_wait3A_131 = arith.constant 0 : i32
      %dma_wait3A_132 = tpu.memref_slice %arg6[%dma_wait3A_130, %dma_wait3A_131] : memref<80x128xi32, #tpu.memory_space<vmem>> -> memref<1x128xi32, #tpu.memory_space<vmem>>
      %dma_wait3A_133 = tpu.memref_squeeze %dma_wait3A_132 : memref<1x128xi32, #tpu.memory_space<vmem>> -> memref<128xi32, #tpu.memory_space<vmem>>
      %dma_wait3A_134 = arith.constant 0 : i32
      %dma_wait3A_135 = arith.constant 0 : i32
      %dma_wait3A_136 = tpu.memref_slice %arg8[%dma_wait3A_134, %dma_wait3A_135] : memref<10112x128xf32, #tpu.memory_space<vmem_shared>> -> memref<10112x128xf32, #tpu.memory_space<vmem_shared>>
      tpu.wait_indirect_dma semaphore(%arg9 : memref<!tpu.dma_semaphore, #tpu.memory_space<semaphore_mem>>) src(%arg7 : memref<128x128xf32, #tpu.memory_space<vmem>>) dst(%dma_wait3A_136 : memref<10112x128xf32, #tpu.memory_space<vmem_shared>>)
      %dma_wait3A_137 = arith.constant 0 : i32
      %dma_wait3A_138 = arith.constant 0 : i32
      %dma_wait3A_139 = tpu.memref_slice %arg6[%dma_wait3A_137, %dma_wait3A_138] : memref<80x128xi32, #tpu.memory_space<vmem>> -> memref<1x128xi32, #tpu.memory_space<vmem>>
      %dma_wait3A_140 = tpu.memref_squeeze %dma_wait3A_139 : memref<1x128xi32, #tpu.memory_space<vmem>> -> memref<128xi32, #tpu.memory_space<vmem>>
      %dma_wait3A_141 = arith.constant 0 : i32
      %dma_wait3A_142 = arith.constant 0 : i32
      %dma_wait3A_143 = tpu.memref_slice %arg8[%dma_wait3A_141, %dma_wait3A_142] : memref<10112x128xf32, #tpu.memory_space<vmem_shared>> -> memref<10112x128xf32, #tpu.memory_space<vmem_shared>>
      tpu.wait_indirect_dma semaphore(%arg9 : memref<!tpu.dma_semaphore, #tpu.memory_space<semaphore_mem>>) src(%arg7 : memref<128x128xf32, #tpu.memory_space<vmem>>) dst(%dma_wait3A_143 : memref<10112x128xf32, #tpu.memory_space<vmem_shared>>)
    }
    %scan3A_7 = arith.constant 10 : i32
    %barrier3A_8 = arith.constant 0 : index
    tpu.barrier barrier_id(%barrier3A_8)
    "tpu.region"() ({
      %run_scoped3A = tpu.sem_alloc : memref<!tpu.dma_semaphore, #tpu.memory_space<semaphore_mem>>
      %dma_start3A = arith.constant 0 : i32
      %dma_start3A_9 = tpu.memref_slice %arg5[%arg0, %mul3A_2, %dma_start3A] : memref<2x10112x128xf32, #tpu.memory_space<hbm>> -> memref<1x632x128xf32, #tpu.memory_space<hbm>>
      %dma_start3A_10 = tpu.memref_squeeze %dma_start3A_9 : memref<1x632x128xf32, #tpu.memory_space<hbm>> -> memref<632x128xf32, #tpu.memory_space<hbm>>
      %dma_start3A_11 = arith.constant 0 : i32
      %dma_start3A_12 = tpu.memref_slice %arg8[%mul3A_2, %dma_start3A_11] : memref<10112x128xf32, #tpu.memory_space<vmem_shared>> -> memref<632x128xf32, #tpu.memory_space<vmem_shared>>
      tpu.enqueue_dma source(%dma_start3A_12 : memref<632x128xf32, #tpu.memory_space<vmem_shared>>) target(%dma_start3A_10 : memref<632x128xf32, #tpu.memory_space<hbm>>) target_semaphore(%run_scoped3A : memref<!tpu.dma_semaphore, #tpu.memory_space<semaphore_mem>>)
      %dma_wait3A = arith.constant 0 : i32
      %dma_wait3A_13 = tpu.memref_slice %arg5[%arg0, %mul3A_2, %dma_wait3A] : memref<2x10112x128xf32, #tpu.memory_space<hbm>> -> memref<1x632x128xf32, #tpu.memory_space<hbm>>
      %dma_wait3A_14 = tpu.memref_squeeze %dma_wait3A_13 : memref<1x632x128xf32, #tpu.memory_space<hbm>> -> memref<632x128xf32, #tpu.memory_space<hbm>>
      %dma_wait3A_15 = arith.constant 0 : i32
      %dma_wait3A_16 = tpu.memref_slice %arg8[%mul3A_2, %dma_wait3A_15] : memref<10112x128xf32, #tpu.memory_space<vmem_shared>> -> memref<632x128xf32, #tpu.memory_space<vmem_shared>>
      tpu.wait_dma2 semaphore(%run_scoped3A : memref<!tpu.dma_semaphore, #tpu.memory_space<semaphore_mem>>) src(%dma_wait3A_16 : memref<632x128xf32, #tpu.memory_space<vmem_shared>>) dst(%dma_wait3A_14 : memref<632x128xf32, #tpu.memory_space<hbm>>)
      tpu.yield
    }) : () -> ()
    return
  }
}

module attributes {stable_mosaic.version = 14 : i64} {
  func.func @_tc2_body(%arg0: i32, %arg1: memref<2x1024x128xf32, #tpu.memory_space<vmem>>, %arg2: memref<1024x128xf32, #tpu.memory_space<vmem>>, %arg3: memref<128x128xf32, #tpu.memory_space<vmem>>, %arg4: memref<1024x1xf32, #tpu.memory_space<vmem>>, %arg5: memref<1024x128xf32, #tpu.memory_space<vmem>>, %arg6: memref<1024x128xf32, #tpu.memory_space<vmem>>) attributes {dimension_semantics = [#tpu.dimension_semantics<arbitrary>], iteration_bounds = array<i64: 10>, scalar_prefetch = 0 : i64, scratch_operands = 0 : i64, tpu.core_type = #tpu.core_type<tc>, window_params = [{transform_indices = @transform_0, window_bounds = array<i64: 2, 1024, 128>}, {transform_indices = @transform_1, window_bounds = array<i64: 1024, 128>}, {pipeline_mode = #tpu.pipeline_mode<synchronous>, transform_indices = @transform_2, window_bounds = array<i64: 128, 128>}, {transform_indices = @transform_3, window_bounds = array<i64: 1024, 1>}, {transform_indices = @transform_4, window_bounds = array<i64: 1024, 128>}, {transform_indices = @transform_5, window_bounds = array<i64: 1024, 128>}]} {
    %get3A = arith.constant 0 : index
    %get3A_0 = arith.constant 0 : index
    %get3A_1 = arith.constant 0 : index
    %get3A_2 = vector.load %arg1[%get3A, %get3A_0, %get3A_1] : memref<2x1024x128xf32, #tpu.memory_space<vmem>>, vector<1x1024x1xf32>
    %get3A_3 = vector.shape_cast %get3A_2 : vector<1x1024x1xf32> to vector<1024x1xf32>
    %get3A_4 = arith.constant 1 : index
    %get3A_5 = arith.constant 0 : index
    %get3A_6 = arith.constant 0 : index
    %get3A_7 = vector.load %arg1[%get3A_4, %get3A_5, %get3A_6] : memref<2x1024x128xf32, #tpu.memory_space<vmem>>, vector<1x1024x1xf32>
    %get3A_8 = vector.shape_cast %get3A_7 : vector<1x1024x1xf32> to vector<1024x1xf32>
    %add3A = arith.addf %get3A_3, %get3A_8 : vector<1024x1xf32>
    %add3A_9 = arith.constant 1.000000e+00 : f32
    %add3A_10 = vector.broadcast %add3A_9 : f32 to vector<1024x1xf32>
    %add3A_11 = arith.addf %add3A, %add3A_10 : vector<1024x1xf32>
    %rsqrt3A = math.rsqrt %add3A_11 : vector<1024x1xf32>
    %swap3A = arith.constant 0 : index
    %swap3A_12 = arith.constant 0 : index
    %swap3A_13 = vector.load %arg4[%swap3A, %swap3A_12] : memref<1024x1xf32, #tpu.memory_space<vmem>>, vector<1024x1xf32>
    tpu.vector_store %arg4[%swap3A, %swap3A_12], %rsqrt3A {strides = array<i32>} : memref<1024x1xf32, #tpu.memory_space<vmem>>, vector<1024x1xf32>,
    %get3A_14 = arith.constant 0 : index
    %get3A_15 = arith.constant 0 : index
    %get3A_16 = vector.load %arg2[%get3A_14, %get3A_15] : memref<1024x128xf32, #tpu.memory_space<vmem>>, vector<1024x128xf32>
    %get3A_17 = arith.constant 0 : index
    %get3A_18 = arith.constant 0 : index
    %get3A_19 = vector.load %arg3[%get3A_17, %get3A_18] : memref<128x128xf32, #tpu.memory_space<vmem>>, vector<128x128xf32>
    %dot_general3A = arith.constant dense<0.000000e+00> : vector<1024x128xf32>
    %dot_general3A_20 = tpu.matmul %get3A_16, %get3A_19, %dot_general3A {dimension_numbers = #tpu.dot_dimension_numbers<[1], [0], [0], [1], [0, 0, 1, 1], [], []>, transpose_lhs_hint = false} : vector<1024x128xf32>, vector<128x128xf32>, vector<1024x128xf32> -> vector<1024x128xf32>
    %swap3A_21 = arith.constant 0 : index
    %swap3A_22 = arith.constant 0 : index
    %swap3A_23 = vector.load %arg5[%swap3A_21, %swap3A_22] : memref<1024x128xf32, #tpu.memory_space<vmem>>, vector<1024x128xf32>
    tpu.vector_store %arg5[%swap3A_21, %swap3A_22], %dot_general3A_20 {strides = array<i32>} : memref<1024x128xf32, #tpu.memory_space<vmem>>, vector<1024x128xf32>,
    %mul3A = vector.broadcast %rsqrt3A : vector<1024x1xf32> to vector<1024x128xf32>
    %mul3A_24 = arith.mulf %mul3A, %dot_general3A_20 : vector<1024x128xf32>
    %swap3A_25 = arith.constant 0 : index
    %swap3A_26 = arith.constant 0 : index
    %swap3A_27 = vector.load %arg6[%swap3A_25, %swap3A_26] : memref<1024x128xf32, #tpu.memory_space<vmem>>, vector<1024x128xf32>
    tpu.vector_store %arg6[%swap3A_25, %swap3A_26], %mul3A_24 {strides = array<i32>} : memref<1024x128xf32, #tpu.memory_space<vmem>>, vector<1024x128xf32>,
    return
  }
  func.func @transform_0(%arg0: i32) -> (i32, i32, i32) {
    %c0_i32 = arith.constant 0 : i32
    %c0_i32_0 = arith.constant 0 : i32
    %c0_i32_1 = arith.constant 0 : i32
    return %c0_i32, %arg0, %c0_i32_0 : i32, i32, i32
  }
  func.func @transform_1(%arg0: i32) -> (i32, i32) {
    %c0_i32 = arith.constant 0 : i32
    %c0_i32_0 = arith.constant 0 : i32
    return %arg0, %c0_i32 : i32, i32
  }
  func.func @transform_2(%arg0: i32) -> (i32, i32) {
    %c0_i32 = arith.constant 0 : i32
    %c0_i32_0 = arith.constant 0 : i32
    %c0_i32_1 = arith.constant 0 : i32
    return %c0_i32, %c0_i32_0 : i32, i32
  }
  func.func @transform_3(%arg0: i32) -> (i32, i32) {
    %c0_i32 = arith.constant 0 : i32
    %c0_i32_0 = arith.constant 0 : i32
    return %arg0, %c0_i32 : i32, i32
  }
  func.func @transform_4(%arg0: i32) -> (i32, i32) {
    %c0_i32 = arith.constant 0 : i32
    %c0_i32_0 = arith.constant 0 : i32
    return %arg0, %c0_i32 : i32, i32
  }
  func.func @transform_5(%arg0: i32) -> (i32, i32) {
    %c0_i32 = arith.constant 0 : i32
    %c0_i32_0 = arith.constant 0 : i32
    return %arg0, %c0_i32 : i32, i32
  }
}

module attributes {stable_mosaic.version = 14 : i64} {
  func.func @_tc4_body(%arg0: i32, %arg1: memref<2x1024x128xf32, #tpu.memory_space<vmem>>, %arg2: memref<1024x1xf32, #tpu.memory_space<vmem>>, %arg3: memref<1024x128xf32, #tpu.memory_space<vmem>>, %arg4: memref<128x128xf32, #tpu.memory_space<vmem>>, %arg5: memref<1x128xf32, #tpu.memory_space<vmem>>, %arg6: memref<1024x128xf32, #tpu.memory_space<vmem>>, %arg7: memref<1024x128xf32, #tpu.memory_space<vmem>>) attributes {dimension_semantics = [#tpu.dimension_semantics<arbitrary>], iteration_bounds = array<i64: 10>, scalar_prefetch = 0 : i64, scratch_operands = 0 : i64, tpu.core_type = #tpu.core_type<tc>, window_params = [{transform_indices = @transform_0, window_bounds = array<i64: 2, 1024, 128>}, {transform_indices = @transform_1, window_bounds = array<i64: 1024, 1>}, {transform_indices = @transform_2, window_bounds = array<i64: 1024, 128>}, {pipeline_mode = #tpu.pipeline_mode<synchronous>, transform_indices = @transform_3, window_bounds = array<i64: 128, 128>}, {pipeline_mode = #tpu.pipeline_mode<synchronous>, transform_indices = @transform_4, window_bounds = array<i64: 1, 128>}, {transform_indices = @transform_5, window_bounds = array<i64: 1024, 128>}, {transform_indices = @transform_6, window_bounds = array<i64: 1024, 128>}]} {
    %get3A = arith.constant 0 : index
    %get3A_0 = arith.constant 0 : index
    %get3A_1 = vector.load %arg2[%get3A, %get3A_0] : memref<1024x1xf32, #tpu.memory_space<vmem>>, vector<1024x1xf32>
    %get3A_2 = arith.constant 0 : index
    %get3A_3 = arith.constant 0 : index
    %get3A_4 = arith.constant 0 : index
    %get3A_5 = vector.load %arg1[%get3A_2, %get3A_3, %get3A_4] : memref<2x1024x128xf32, #tpu.memory_space<vmem>>, vector<1x1024x128xf32>
    %get3A_6 = vector.shape_cast %get3A_5 : vector<1x1024x128xf32> to vector<1024x128xf32>
    %get3A_7 = arith.constant 1 : index
    %get3A_8 = arith.constant 0 : index
    %get3A_9 = arith.constant 0 : index
    %get3A_10 = vector.load %arg1[%get3A_7, %get3A_8, %get3A_9] : memref<2x1024x128xf32, #tpu.memory_space<vmem>>, vector<1x1024x128xf32>
    %get3A_11 = vector.shape_cast %get3A_10 : vector<1x1024x128xf32> to vector<1024x128xf32>
    %add3A = arith.addf %get3A_6, %get3A_11 : vector<1024x128xf32>
    %mul3A = vector.broadcast %get3A_1 : vector<1024x1xf32> to vector<1024x128xf32>
    %mul3A_12 = arith.mulf %mul3A, %add3A : vector<1024x128xf32>
    %mul3A_13 = arith.mulf %get3A_1, %get3A_1 : vector<1024x1xf32>
    %get3A_14 = arith.constant 0 : index
    %get3A_15 = arith.constant 0 : index
    %get3A_16 = vector.load %arg3[%get3A_14, %get3A_15] : memref<1024x128xf32, #tpu.memory_space<vmem>>, vector<1024x128xf32>
    %mul3A_17 = vector.broadcast %mul3A_13 : vector<1024x1xf32> to vector<1024x128xf32>
    %mul3A_18 = arith.mulf %mul3A_17, %get3A_16 : vector<1024x128xf32>
    %add3A_19 = arith.addf %mul3A_12, %mul3A_18 : vector<1024x128xf32>
    %get3A_20 = arith.constant 0 : index
    %get3A_21 = arith.constant 0 : index
    %get3A_22 = vector.load %arg5[%get3A_20, %get3A_21] : memref<1x128xf32, #tpu.memory_space<vmem>>, vector<1x128xf32>
    %add3A_23 = vector.broadcast %get3A_22 : vector<1x128xf32> to vector<1024x128xf32>
    %add3A_24 = arith.addf %add3A_19, %add3A_23 : vector<1024x128xf32>
    %max3A = arith.constant 0.000000e+00 : f32
    %max3A_25 = vector.broadcast %max3A : f32 to vector<1024x128xf32>
    %max3A_26 = arith.maximumf %add3A_24, %max3A_25 : vector<1024x128xf32>
    %get3A_27 = arith.constant 0 : index
    %get3A_28 = arith.constant 0 : index
    %get3A_29 = vector.load %arg4[%get3A_27, %get3A_28] : memref<128x128xf32, #tpu.memory_space<vmem>>, vector<128x128xf32>
    %dot_general3A = arith.constant dense<0.000000e+00> : vector<1024x128xf32>
    %dot_general3A_30 = tpu.matmul %max3A_26, %get3A_29, %dot_general3A {dimension_numbers = #tpu.dot_dimension_numbers<[1], [0], [0], [1], [0, 0, 1, 1], [], []>, transpose_lhs_hint = false} : vector<1024x128xf32>, vector<128x128xf32>, vector<1024x128xf32> -> vector<1024x128xf32>
    %swap3A = arith.constant 0 : index
    %swap3A_31 = arith.constant 0 : index
    %swap3A_32 = vector.load %arg6[%swap3A, %swap3A_31] : memref<1024x128xf32, #tpu.memory_space<vmem>>, vector<1024x128xf32>
    tpu.vector_store %arg6[%swap3A, %swap3A_31], %dot_general3A_30 {strides = array<i32>} : memref<1024x128xf32, #tpu.memory_space<vmem>>, vector<1024x128xf32>,
    %mul3A_33 = vector.broadcast %get3A_1 : vector<1024x1xf32> to vector<1024x128xf32>
    %mul3A_34 = arith.mulf %mul3A_33, %dot_general3A_30 : vector<1024x128xf32>
    %swap3A_35 = arith.constant 0 : index
    %swap3A_36 = arith.constant 0 : index
    %swap3A_37 = vector.load %arg7[%swap3A_35, %swap3A_36] : memref<1024x128xf32, #tpu.memory_space<vmem>>, vector<1024x128xf32>
    tpu.vector_store %arg7[%swap3A_35, %swap3A_36], %mul3A_34 {strides = array<i32>} : memref<1024x128xf32, #tpu.memory_space<vmem>>, vector<1024x128xf32>,
    return
  }
  func.func @transform_0(%arg0: i32) -> (i32, i32, i32) {
    %c0_i32 = arith.constant 0 : i32
    %c0_i32_0 = arith.constant 0 : i32
    %c0_i32_1 = arith.constant 0 : i32
    return %c0_i32, %arg0, %c0_i32_0 : i32, i32, i32
  }
  func.func @transform_1(%arg0: i32) -> (i32, i32) {
    %c0_i32 = arith.constant 0 : i32
    %c0_i32_0 = arith.constant 0 : i32
    return %arg0, %c0_i32 : i32, i32
  }
  func.func @transform_2(%arg0: i32) -> (i32, i32) {
    %c0_i32 = arith.constant 0 : i32
    %c0_i32_0 = arith.constant 0 : i32
    return %arg0, %c0_i32 : i32, i32
  }
  func.func @transform_3(%arg0: i32) -> (i32, i32) {
    %c0_i32 = arith.constant 0 : i32
    %c0_i32_0 = arith.constant 0 : i32
    %c0_i32_1 = arith.constant 0 : i32
    return %c0_i32, %c0_i32_0 : i32, i32
  }
  func.func @transform_4(%arg0: i32) -> (i32, i32) {
    %c0_i32 = arith.constant 0 : i32
    %c0_i32_0 = arith.constant 0 : i32
    %c0_i32_1 = arith.constant 0 : i32
    return %c0_i32, %c0_i32_0 : i32, i32
  }
  func.func @transform_5(%arg0: i32) -> (i32, i32) {
    %c0_i32 = arith.constant 0 : i32
    %c0_i32_0 = arith.constant 0 : i32
    return %arg0, %c0_i32 : i32, i32
  }
  func.func @transform_6(%arg0: i32) -> (i32, i32) {
    %c0_i32 = arith.constant 0 : i32
    %c0_i32_0 = arith.constant 0 : i32
    return %arg0, %c0_i32 : i32, i32
  }
}

module attributes {stable_mosaic.version = 14 : i64} {
  func.func @_tc6_body(%arg0: i32, %arg1: memref<2x1024x128xf32, #tpu.memory_space<vmem>>, %arg2: memref<1024x1xf32, #tpu.memory_space<vmem>>, %arg3: memref<1024x128xf32, #tpu.memory_space<vmem>>, %arg4: memref<1x128xf32, #tpu.memory_space<vmem>>, %arg5: memref<1024x128xf32, #tpu.memory_space<vmem>>) attributes {dimension_semantics = [#tpu.dimension_semantics<arbitrary>], iteration_bounds = array<i64: 10>, scalar_prefetch = 0 : i64, scratch_operands = 0 : i64, tpu.core_type = #tpu.core_type<tc>, window_params = [{transform_indices = @transform_0, window_bounds = array<i64: 2, 1024, 128>}, {transform_indices = @transform_1, window_bounds = array<i64: 1024, 1>}, {transform_indices = @transform_2, window_bounds = array<i64: 1024, 128>}, {pipeline_mode = #tpu.pipeline_mode<synchronous>, transform_indices = @transform_3, window_bounds = array<i64: 1, 128>}, {transform_indices = @transform_4, window_bounds = array<i64: 1024, 128>}]} {
    %get3A = arith.constant 0 : index
    %get3A_0 = arith.constant 0 : index
    %get3A_1 = vector.load %arg2[%get3A, %get3A_0] : memref<1024x1xf32, #tpu.memory_space<vmem>>, vector<1024x1xf32>
    %get3A_2 = arith.constant 0 : index
    %get3A_3 = arith.constant 0 : index
    %get3A_4 = arith.constant 0 : index
    %get3A_5 = vector.load %arg1[%get3A_2, %get3A_3, %get3A_4] : memref<2x1024x128xf32, #tpu.memory_space<vmem>>, vector<1x1024x128xf32>
    %get3A_6 = vector.shape_cast %get3A_5 : vector<1x1024x128xf32> to vector<1024x128xf32>
    %get3A_7 = arith.constant 1 : index
    %get3A_8 = arith.constant 0 : index
    %get3A_9 = arith.constant 0 : index
    %get3A_10 = vector.load %arg1[%get3A_7, %get3A_8, %get3A_9] : memref<2x1024x128xf32, #tpu.memory_space<vmem>>, vector<1x1024x128xf32>
    %get3A_11 = vector.shape_cast %get3A_10 : vector<1x1024x128xf32> to vector<1024x128xf32>
    %add3A = arith.addf %get3A_6, %get3A_11 : vector<1024x128xf32>
    %mul3A = vector.broadcast %get3A_1 : vector<1024x1xf32> to vector<1024x128xf32>
    %mul3A_12 = arith.mulf %mul3A, %add3A : vector<1024x128xf32>
    %mul3A_13 = arith.mulf %get3A_1, %get3A_1 : vector<1024x1xf32>
    %get3A_14 = arith.constant 0 : index
    %get3A_15 = arith.constant 0 : index
    %get3A_16 = vector.load %arg3[%get3A_14, %get3A_15] : memref<1024x128xf32, #tpu.memory_space<vmem>>, vector<1024x128xf32>
    %mul3A_17 = vector.broadcast %mul3A_13 : vector<1024x1xf32> to vector<1024x128xf32>
    %mul3A_18 = arith.mulf %mul3A_17, %get3A_16 : vector<1024x128xf32>
    %add3A_19 = arith.addf %mul3A_12, %mul3A_18 : vector<1024x128xf32>
    %get3A_20 = arith.constant 0 : index
    %get3A_21 = arith.constant 0 : index
    %get3A_22 = vector.load %arg4[%get3A_20, %get3A_21] : memref<1x128xf32, #tpu.memory_space<vmem>>, vector<1x128xf32>
    %add3A_23 = vector.broadcast %get3A_22 : vector<1x128xf32> to vector<1024x128xf32>
    %add3A_24 = arith.addf %add3A_19, %add3A_23 : vector<1024x128xf32>
    %swap3A = arith.constant 0 : index
    %swap3A_25 = arith.constant 0 : index
    %swap3A_26 = vector.load %arg5[%swap3A, %swap3A_25] : memref<1024x128xf32, #tpu.memory_space<vmem>>, vector<1024x128xf32>
    tpu.vector_store %arg5[%swap3A, %swap3A_25], %add3A_24 {strides = array<i32>} : memref<1024x128xf32, #tpu.memory_space<vmem>>, vector<1024x128xf32>,
    return
  }
  func.func @transform_0(%arg0: i32) -> (i32, i32, i32) {
    %c0_i32 = arith.constant 0 : i32
    %c0_i32_0 = arith.constant 0 : i32
    %c0_i32_1 = arith.constant 0 : i32
    return %c0_i32, %arg0, %c0_i32_0 : i32, i32, i32
  }
  func.func @transform_1(%arg0: i32) -> (i32, i32) {
    %c0_i32 = arith.constant 0 : i32
    %c0_i32_0 = arith.constant 0 : i32
    return %arg0, %c0_i32 : i32, i32
  }
  func.func @transform_2(%arg0: i32) -> (i32, i32) {
    %c0_i32 = arith.constant 0 : i32
    %c0_i32_0 = arith.constant 0 : i32
    return %arg0, %c0_i32 : i32, i32
  }
  func.func @transform_3(%arg0: i32) -> (i32, i32) {
    %c0_i32 = arith.constant 0 : i32
    %c0_i32_0 = arith.constant 0 : i32
    %c0_i32_1 = arith.constant 0 : i32
    return %c0_i32, %c0_i32_0 : i32, i32
  }
  func.func @transform_4(%arg0: i32) -> (i32, i32) {
    %c0_i32 = arith.constant 0 : i32
    %c0_i32_0 = arith.constant 0 : i32
    return %arg0, %c0_i32 : i32, i32
  }
}

</mosaic_0001>

<sc_bundles>
// kernel: kernel.11.cloned.1.call-start
scs
__scs_entry_jumppad:
0x0: {  	(pc) =	sbr.rel $0x88, $3  }
0x1: {  	(tag) =	ssettag $0x0;
	lr =	simm.s32 $0x1  }
0x2: {  	[smem:$0x3F99] =	sst lr;
	_ =	strace $0xD0000000  }
0x3: {  	_ = 	snop  }
0x4: {  	_ = 	snop  }
0x5: {  	_ = 	snop  }
0x6: {  	_ = 	snop  }
0x7: {  	_ = 	snop  }
__scs_overlays_trampoline_lowered:
0x8: {  	[smem:$0x3FA8] =	sst s0  }
0x9: {  	[smem:$0x3FA9] =	sst s1  }
0xa: {  	[smem:$0x3FAA] =	sst s2  }
0xb: {  	[smem:$0x3FAB] =	sst s3  }
0xc: {  	[smem:$0x3FAC] =	sst s4  }
0xd: {  	[smem:$0x3FAD] =	sst s5  }
0xe: {  	[smem:$0x3FAE] =	sst s6  }
0xf: {  	[smem:$0x3FAF] =	sst s7  }
0x10: {  	[smem:$0x3FB0] =	sst s8  }
0x11: {  	[smem:$0x3FB1] =	sst s9;
	s0 =	simm.s32 @!p0 $0x0  }
0x12: {  	s1 =	sld [smem:$0x3F97];
	s0 =	simm.s32 @p0 $0x1  }
0x13: {  	[smem:$0x3FB2] =	sst s0;
	s0 =	simm.s32 @!p1 $0x0  }
0x14: {  	s2 =	sld [smem:$0x3F96];
	s0 =	simm.s32 @p1 $0x1  }
0x15: {  	[smem:$0x3FB3] =	sst s0;
	s0 =	simm.s32 @!p2 $0x0  }
0x16: {  	s3 =	sld [smem:$0x3FDB];
	s0 =	simm.s32 @p2 $0x1  }
0x17: {  	s4 =	simm.s32 $0x1BF5;
	[smem:$0x3FB5] =	sst s0  }
0x18: {  	s0 =	sld [smem:$0x3F98];
	_ =	swait.ge [sflag:s4], $0x0  }
0x19: {  	s7 =	sld [smem:$0x3F99]  }
0x1a: {  	s8 =	sadd.s32 $0xFFFFE003, lr  }
0x1b: {  	s9 =	sadd.s32 $0xFFFFFEF7, lr;
	s5 =	simm.s32 $0xFFFFFFFF;
	p2 =	slt.u32 s8, $0xFFFFF086  }
0x1c: {  	p1 =	slt.u32 s9, $0xF7A;
	s5 =	simm.s32 @!p2 $0x0  }
0x1d: {  	s5 =	simm.s32 @p1 $0x1;
	p0 =	seq.s32 s7, s2  }
0x1e: {  	s7 =	smul.u32 @!p0 $0xF7A, s2;
	p2 =	seq.s32 @!p0 s5, $0x0  }
0x1f: {  	s9 =	smul.u32 $0xF7A, s1;
	s8 =	simm.s32 @!p0 $0x1BF5;
	p2 =	por !p2, p0  }
0x20: {  	[sflag:s8] =	ssyncset.s32 @!p0 $0xFFFFF086;
	s6 =	sadd.s32 @!p0 s3, s7;
	s7 =	simm.s32 @!p0 $0x108  }
0x21: {  	s3 =	sadd.s32 s3, s9;
	s6 =	sadd.s32 @!p0 $0x88, s6;
	s7 =	simm.s32 @p2 $0x1082  }
0x22: {  	[simem:s7], [sflag:s8] =	dma.local @!p0 [hbm:s6], $0xF7A  }
0x23: {  	s9 =	sor.u32 $0xD0000000, s2;
	s6 =	simm.s32 $0x108;
	_ =	swait.ge @!p0 [sflag:s8], $0x0  }
0x24: {  	s3 =	sadd.s32 $0x88, s3;
	s6 =	simm.s32 @!p1 $0x1082;
	[sflag:s4] =	ssyncset.s32 $0xFFFFF086  }
0x25: {  	[simem:s6], [sflag:s4] =	dma.local [hbm:s3], $0xF7A  }
0x26: {  	[smem:$0x3F99] =	sst s1;
	(tag) =	ssettag s2;
	_ =	strace s9  }
0x27: {  	s1 =	sld [smem:$0x3FA9]  }
0x28: {  	s2 =	sld [smem:$0x3FAA]  }
0x29: {  	s4 =	sld [smem:$0x3FAC]  }
0x2a: {  	p0 =	seq.s32 s5, $0x0;
	s5 =	sld [smem:$0x3FAD]  }
0x2b: {  	s6 =	sld [smem:$0x3FAE]  }
0x2c: {  	s7 =	sld [smem:$0x3FAF]  }
0x2d: {  	s3 =	simm.s32 $0x108;
	s8 =	sld [smem:$0x3FB0]  }
0x2e: {  	s3 =	simm.s32 @!p0 $0x1082;
	s9 =	sld [smem:$0x3FB1]  }
0x2f: {  	lr =	sadd.s32 s0, s3;
	s0 =	sld [smem:$0x3FA8]  }
0x30: {  	s3 =	sld [smem:$0x3FAB]  }
0x31: {  	[smem:$0x3FB4] =	sst s10  }
0x32: {  	s10 =	sld [smem:$0x3FB2];
	_ =	sdelay $0x3  }
0x33: {  	p0 =	seq.s32 s10, $0x1;
	s10 =	sld [smem:$0x3FB4];
	_ =	sdelay $0x3  }
0x34: {  	[smem:$0x3FB4] =	sst s10  }
0x35: {  	s10 =	sld [smem:$0x3FB3];
	_ =	sdelay $0x3  }
0x36: {  	p1 =	seq.s32 s10, $0x1;
	s10 =	sld [smem:$0x3FB4];
	_ =	sdelay $0x3  }
0x37: {  	[smem:$0x3FB4] =	sst s10  }
0x38: {  	s10 =	sld [smem:$0x3FB5]  }
0x39: {  	_ = 	snop;
	(pc) =	sbr.ind lr, $3  }
0x3a: {  	_ = 	snop  }
0x3b: {  	_ = 	snop  }
0x3c: {  	p2 =	seq.s32 s10, $0x1;
	s10 =	sld [smem:$0x3FB4]  }
0x3d: {  	_ =	shalt  }
0x3e: {  	_ =	shalt  }
0x3f: {  	_ =	shalt  }
0x40: {  	_ =	shalt  }
0x41: {  	_ =	shalt  }
0x42: {  	_ =	shalt  }
0x43: {  	_ =	shalt  }
0x44: {  	_ =	shalt  }
0x45: {  	_ =	shalt  }
0x46: {  	_ =	shalt  }
0x47: {  	_ =	shalt  }
0x48: {  	_ =	shalt  }
0x49: {  	_ =	shalt  }
0x4a: {  	_ =	shalt  }
0x4b: {  	_ =	shalt  }
0x4c: {  	_ =	shalt  }
0x4d: {  	_ =	shalt  }
0x4e: {  	_ =	shalt  }
0x4f: {  	_ =	shalt  }
0x50: {  	_ =	shalt  }
0x51: {  	_ =	shalt  }
0x52: {  	_ =	shalt  }
0x53: {  	_ =	shalt  }
0x54: {  	_ =	shalt  }
0x55: {  	_ =	shalt  }
0x56: {  	_ =	shalt  }
0x57: {  	_ =	shalt  }
0x58: {  	_ =	shalt  }
0x59: {  	_ =	shalt  }
0x5a: {  	_ =	shalt  }
0x5b: {  	_ =	shalt  }
0x5c: {  	_ =	shalt  }
0x5d: {  	_ =	shalt  }
0x5e: {  	_ =	shalt  }
0x5f: {  	_ =	shalt  }
0x60: {  	_ =	shalt  }
0x61: {  	_ =	shalt  }
0x62: {  	_ =	shalt  }
0x63: {  	_ =	shalt  }
0x64: {  	_ =	shalt  }
0x65: {  	_ =	shalt  }
0x66: {  	_ =	shalt  }
0x67: {  	_ =	shalt  }
0x68: {  	_ =	shalt  }
0x69: {  	_ =	shalt  }
0x6a: {  	_ =	shalt  }
0x6b: {  	_ =	shalt  }
0x6c: {  	_ =	shalt  }
0x6d: {  	_ =	shalt  }
0x6e: {  	_ =	shalt  }
0x6f: {  	_ =	shalt  }
0x70: {  	_ =	shalt  }
0x71: {  	_ =	shalt  }
0x72: {  	_ =	shalt  }
0x73: {  	_ =	shalt  }
0x74: {  	_ =	shalt  }
0x75: {  	_ =	shalt  }
0x76: {  	_ =	shalt  }
0x77: {  	_ =	shalt  }
0x78: {  	_ =	shalt  }
0x79: {  	_ =	shalt  }
0x7a: {  	_ =	shalt  }
0x7b: {  	_ =	shalt  }
0x7c: {  	_ =	shalt  }
0x7d: {  	_ =	shalt  }
0x7e: {  	_ =	shalt  }
0x7f: {  	_ =	shalt  }
0x80: {  	_ =	shalt  }
0x81: {  	_ =	shalt  }
0x82: {  	_ =	shalt  }
0x83: {  	_ =	shalt  }
0x84: {  	_ =	shalt  }
0x85: {  	_ =	shalt  }
0x86: {  	_ =	shalt  }
0x87: {  	_ =	shalt  }
.Lfunc_end0:
.L_simem_size_0:
called_computation.1_lowered:
.L_overlay_start_0:
0x88: {  	s2 =	sld [smem:$0x3FD9]  }
0x89: {  	s3 =	sld [smem:$0x3FFE];
	_ =	sdelay $0x1  }
0x8a: {  	s1 =	srdreg.scid  }
0x8b: {  	s0 =	sand.u32 $0x1, s1  }
0x8c: {  	s14 =	sshll.u32 s0, $0xA;
	s2 =	sadd.s32 s3, s2  }
0x8d: {  	s2 =	sadd.s32 s2, s14  }
0x8e: {  	[smem:$0x3FC0] =	sst s2  }
0x8f: {  	_ = 	snop  }
0x90: {  	s2 =	sld [smem:$0x3FD0];
	_ =	sdelay $0x2  }
0x91: {  	s15 =	simm.s32 $0xA;
	s4 =	simm.s32 $0x10  }
0x92: {  	[smem:s4], [sflag:s15] =	dma.local [hbm:s2], $0x1  }
0x93: {  	_ =	swait.eq [sflag:s15], $0x1  }
0x94: {  	[sflag:s15] =	ssyncset.done $0x0  }
0x95: {  	[sflag:s15] =	ssyncadd.s32 $0xFFFFFFFF  }
0x96: {  	s16 =	sld [smem:$0x10];
	(tm) =	ssettm $0x1  }
0x97: {  	s17 =	sld [smem:$0x3FFB];
	_ =	sdelay $0x3  }
0x98: {  	_ =	strace s17  }
0x99: {  	s3 =	sld [smem:$0x3FFC];
	_ =	sdelay $0x3  }
0x9a: {  	_ =	strace s3  }
0x9b: {  	s3 =	sld [smem:$0x3FFD];
	_ =	sdelay $0x3  }
0x9c: {  	_ =	strace s3  }
0x9d: {  	_ =	strace $0x8FFFFFFF  }
0x9e: {  	s18 =	sld [smem:$0x3FDB];
	_ =	sdelay $0x1  }
0x9f: {  	s19 =	simm.s32 $_scs_section_size  }
0xa0: {  	s5 =	simm.s32 $_size__tile_overlayer_lowered;
	s6 =	simm.s32 $_tile_overlayer_lowered  }
0xa1: {  	s22 =	simm.s32 $0x1BFF;
	s21 =	sshll.u32 s6, $0x1;
	s3 =	sadd.s32 s19, s18  }
0xa2: {  	s7 =	simm.s32 $0x0;
	s20 =	sshll.u32 s5, $0x1;
	s5 =	sadd.s32 s21, s3  }
0xa3: {  	[timem:s7], [sflag:s22] =	dma.local [hbm:s5], s20  }
0xa4: {  	_ =	swait.ge [sflag:s22], s20  }
0xa5: {  	s4 =	ssub.s32 $0x0, s20;
	[sflag:s22] =	ssyncset.done $0x0  }
0xa6: {  	[sflag:s22] =	ssyncadd.s32 s4;
	_ =	sdelay $0x1  }
0xa7: {  	s23 =	simm.s32 $0x1B8B  }
0xa8: {  	_ =	swait.ge [sflag:s23], $0x1  }
0xa9: {  	[sflag:s23] =	ssyncset.done $0x0  }
0xaa: {  	s25 =	simm.s32 $0x1B8E;
	s24 =	sld [smem:$0x3FFE];
	[sflag:s23] =	ssyncadd.s32 $0xFFFFFFFF  }
0xab: {  	s26 =	simm.s32 $execute0_lowered;
	[smem:$0x3FD2] =	sst s25  }
0xac: {  	s5 =	sshll.u32 s26, $0x1;
	_ =	strace $0x80000049;
	[dreg:$0x1] =	wrdreg $0xFFFFFFFF  }
0xad: {  	s28 =	simm.s32 $_size_execute0_lowered;
	s3 =	sadd.s32 s3, s5;
	[dreg:$0x0] =	wrdreg $0x0  }
0xae: {  	s5 =	sshll.u32 s28, $0x1;
	[dreg:$0x2] =	wrdreg s3  }
0xaf: {  	[dreg:$0x3] =	wrdreg s5  }
0xb0: {  	[dreg:$0x4] =	wrdreg $0xC0  }
0xb1: {  	_ =	task [dreg:s7], $0x5FFFF  }
0xb2: {  	[dreg:$0x1] =	wrdreg $0xFFFFFFFF  }
0xb3: {  	[dreg:$0x0] =	wrdreg $0x60  }
0xb4: {  	[dreg:$0x2] =	wrdreg s24  }
0xb5: {  	[dreg:$0x3] =	wrdreg s16  }
0xb6: {  	[dreg:$0x4] =	wrdreg $0xBC000  }
0xb7: {  	[dreg:$0x5] =	wrdreg $0x9  }
0xb8: {  	_ =	task.clear_ibuf [dreg:s7], $0x6FFFF;
	_ =	strace $0x90000049  }
0xb9: {  	s29 =	simm.s32 $0x9;
	_ =	strace $0x8000004B  }
0xba: {  	_ =	swait.ge [sflag:s29], $0x1  }
0xbb: {  	[sflag:s29] =	ssyncadd.s32 $0xFFFFFFFF  }
0xbc: {  	_ =	strace $0x9000004B  }
0xbd: {  	_ =	sfence  }
0xbe: {  	s30 =	sld [smem:$0x0];
	_ =	sdelay $0x2  }
0xbf: {  	s31 =	sshll.u32 s1, $0xD;
	s1 =	sshrl.u32 s1, $0x2  }
0xc0: {  	s3 =	sand.u32 $0x4000, s31;
	s1 =	sadd.s32 s1, s30  }
0xc1: {  	s0 =	sor.u32 s3, s0;
	s1 =	sshll.u32 s1, $0x11  }
0xc2: {  	s0 =	sor.u32 s1, s0  }
0xc3: {  	s0 =	sadd.s32 $0x8F2B, s0  }
0xc4: {  	[sflag:s0] =	ssyncadd.remote.s32 $0x1  }
0xc5: {  	_ =	sfence.sel $0xFFFF  }
0xc6: {  	[dreg:$0x0] =	wrdreg $0xFFFFFFFF;
	(pc) =	sbr.abs _section_cstart, $3  }
0xc7: {  	[dreg:$0x1] =	wrdreg $0xFFFFFFFF  }
0xc8: {  	_ =	task.clear_ibuf [dreg:s7], $0x2FFFF;
	_ =	strace $0x9FFFFFFF  }
0xc9: {  	(tm) =	ssettm $0x7FFFFFFF  }
tec
execute0_lowered:
.L_overlay_start_1:
0x0: {  	(tag) =	ssettag $0x1  }
0x1: {  	s0 =	srdreg.scid  }
0x2: {  	s11 =	stileid.u32;
	s1 =	rddreg [dreg:$0x0]  }
0x3: {  	s5 =	rddreg [dreg:$0x1];
	s3 =	simm.s32 $0x0;
	s14 =	simm.s32 $0x9  }
0x4: {  	s15 =	simm.s32 $0x80;
	s18 =	simm.s32 $0x40;
	s28 =	simm.s32 $0x6  }
0x5: {  	s29 =	simm.s32 $0x3;
	s30 =	simm.s32 $0x7;
	s31 =	simm.s32 $0x4  }
0x6: {  	s0 =	sand.u32 $0x1, s0;
	s2 =	sshll.u32 s11, $0x1;
	[smem:$0x7FF] =	sst s3  }
0x7: {  	s9 =	smul.u32 $0x13C00, s11;
	s4 =	sadd.s32 $0x4C00, s1;
	s10 =	sadd.s32 $0x2400, s1  }
0x8: {  	s19 =	smul.u32 $0x4F000, s11;
	s20 =	sshrl.u32 s11, $0x2;
	s24 =	sshll.u32 s11, $0x6  }
0x9: {  	s6 =	sor.u32 s0, s2;
	s2 =	rddreg [dreg:$0x2];
	s8 =	smul.u32 $0x13C000, s0  }
0xa: {  	_ =	strace $0x8000004A;
	[dreg:$0x4] =	wrdreg s10;
	s10 =	smul.u32 $0x14000, s20  }
0xb: {  	s0 =	ssub.s32 $0x2, s0;
	s20 =	simm.s32 $0x5C00;
	s7 =	smul.u32 $0x5000, s6  }
0xc: {  	s6 =	sshll.u32 s6, $0x7;
	s21 =	sshrl.u32 s0, $0x1;
	s22 =	sshrl.u32 s19, $0x2  }
0xd: {  	s19 =	simm.s32 $0x3C00;
	s8 =	sadd.s32 s9, s8;
	s6 =	sand.u32 $0x380, s6  }
0xe: {  	s0 =	ssub.s32 s0, s21;
	s21 =	simm.s32 $0x7C00;
	s7 =	sshrl.u32 s7, $0x3  }
0xf: {  	s8 =	sshrl.u32 s8, $0x3;
	s23 =	sor.u32 s10, s6;
	s6 =	sor.u32 $0x1C09, s24  }
0x10: {  	s0 =	smax.u32 s0, $0x1;
	s24 =	simm.s32 $0x1;
	s7 =	sadd.s32 s7, s1  }
0x11: {  	s1 =	sadd.s32 s8, s1;
	s8 =	sadd.s32 s22, s2;
	s10 =	sadd.s32 $0xA000, s23  }
0x12: {  	s9 =	sshrl.u32 s23, $0x3;
	[dreg:$0xa] =	wrdreg s0;
	s22 =	simm.s32 $0xC0  }
0x13: {  	s23 =	simm.s32 $0x9C00;
	s0 =	simm.s32 $0x3A00;
	s9 =	sadd.s32 s5, s9  }
0x14: {  	s10 =	sshrl.u32 s10, $0x3;
	s25 =	sadd.s32 $0x54400, s7;
	[dreg:$0x5] =	wrdreg s9  }
0x15: {  	s26 =	sadd.s32 $0x54900, s7;
	s1 =	sadd.s32 $0x68400, s1;
	[dreg:$0x6] =	wrdreg s25  }
0x16: {  	s13 =	sshrl.u32 s8, $0x3;
	s7 =	simm.s32 $0x3B00;
	[dreg:$0x8] =	wrdreg s26  }
0x17: {  	s8 =	simm.s32 $0x3B80;
	s5 =	sadd.s32 s5, s10;
	[dreg:$0x9] =	wrdreg s1  }
0x18: {  	s25 =	simm.s32 $0x5;
	s26 =	simm.s32 $0x2;
	s1 =	simm.s32 $0x8  }
0x19: {  	s9 =	simm.s32 $0x0;
	[dreg:$0x7] =	wrdreg s5;
	s5 =	simm.s32 $0x3A80  }
.LBB2_1:
0x1a: {  	s10 =	rddreg [dreg:$0x4]  }
0x1b: {  	[spmem:s13], [sflag:s6] =	dma.local [hbm:s10], $0x2780  }
0x1c: {  	_ =	swait.ge [sflag:s14], $0x2780  }
0x1d: {  	[sflag:s14] =	ssyncset.done $0x0  }
0x1e: {  	[sflag:s14] =	ssyncadd.s32 $0xFFFFD880  }
0x1f: {  	[bflag:$0x0] =	sbarrier.arrive $0xFFFF  }
0x20: {  	s11 =	simm.s32 $0x400;
	s12 =	rddreg [dreg:$0x5]  }
0x21: {  	[tilespmem:s3], [sflag:$0x9] =	stream.strided.gather [hbm4b:s12+s15], $0x1400, s11, s15, $0x38;
	[tilespmem:$0x1F800] =	vst v63  }
0x22: {  	_ =	swait.ge [sflag:s14], $0x1400  }
0x23: {  	[sflag:s14] =	ssyncset.done $0x0  }
0x24: {  	s17 =	simm.s32 $0x1400;
	s16 =	rddreg [dreg:$0x6];
	[sflag:s14] =	ssyncadd.s32 $0xFFFFEC00  }
0x25: {  	[tilespmem:s17], [sflag:$0x9] =	stream.linear.gather [hbm4b:s16+s3], $0x2800, $0x38;
	[tilespmem:$0x1F800] =	vst v63  }
0x26: {  	_ =	swait.ge [sflag:s14], $0x2800  }
0x27: {  	[sflag:s14] =	ssyncset.done $0x0  }
0x28: {  	[sflag:s14] =	ssyncadd.s32 $0xFFFFD800  }
0x29: {  	[tilespmem:s19], [sflag:$0x1] =	stream.indirect.gather [hbm4b:s4+s18], $0x80, s3, s18, $0xb8;
	[tilespmem:$0x1F800] =	vst v63  }
0x2a: {  	_ = 	snop  }
0x2b: {  	[tilespmem:s20], [sflag:$0x2] =	stream.indirect.gather [hbm4b:s4+s18], $0x80, s18, s18, $0xb8;
	[tilespmem:$0x1F800] =	vst v63  }
0x2c: {  	_ = 	snop  }
0x2d: {  	[tilespmem:s21], [sflag:$0x3] =	stream.indirect.gather [hbm4b:s4+s18], $0x80, s15, s18, $0xb8;
	[tilespmem:$0x1F800] =	vst v63  }
0x2e: {  	_ = 	snop  }
0x2f: {  	[tilespmem:s23], [sflag:$0x4] =	stream.indirect.gather [hbm4b:s4+s18], $0x80, s22, s18, $0xb8;
	[tilespmem:$0x1F800] =	vst v63  }
0x30: {  	_ =	swait.ge [sflag:s24], $0x2000  }
0x31: {  	[sflag:s24] =	ssyncset.done $0x0  }
0x32: {  	s12 =	simm.s32 $0x1400;
	[sflag:s24] =	ssyncadd.s32 $0xFFFFE000  }
0x33: {  	[spmem:s2] =	stream.indirect.scatter.add.f32 [tilespmem:s19], [sflag:$0x5], $0x80, s12, s18, $0xb8;
	[tilespmem:$0x1F800] =	vst v63  }
0x34: {  	_ =	swait.ge [sflag:s25], $0x2000  }
0x35: {  	[sflag:s25] =	ssyncset.done $0x0  }
0x36: {  	s16 =	simm.s32 $0x100;
	[sflag:s25] =	ssyncadd.s32 $0xFFFFE000  }
0x37: {  	[tilespmem:s19], [sflag:$0x1] =	stream.indirect.gather [hbm4b:s4+s18], $0x80, s16, s18, $0xb8;
	[tilespmem:$0x1F800] =	vst v63  }
0x38: {  	_ =	swait.ge [sflag:s26], $0x2000  }
0x39: {  	[sflag:s26] =	ssyncset.done $0x0  }
0x3a: {  	s17 =	simm.s32 $0x1480;
	[sflag:s26] =	ssyncadd.s32 $0xFFFFE000  }
0x3b: {  	[spmem:s2] =	stream.indirect.scatter.add.f32 [tilespmem:s20], [sflag:$0x6], $0x80, s17, s18, $0xb8;
	[tilespmem:$0x1F800] =	vst v63  }
0x3c: {  	_ =	swait.ge [sflag:s28], $0x2000  }
0x3d: {  	[sflag:s28] =	ssyncset.done $0x0  }
0x3e: {  	s11 =	simm.s32 $0x140;
	[sflag:s28] =	ssyncadd.s32 $0xFFFFE000  }
0x3f: {  	[tilespmem:s20], [sflag:$0x2] =	stream.indirect.gather [hbm4b:s4+s18], $0x80, s11, s18, $0xb8;
	[tilespmem:$0x1F800] =	vst v63  }
0x40: {  	_ =	swait.ge [sflag:s29], $0x2000  }
0x41: {  	[sflag:s29] =	ssyncset.done $0x0  }
0x42: {  	s12 =	simm.s32 $0x1500;
	[sflag:s29] =	ssyncadd.s32 $0xFFFFE000  }
0x43: {  	[spmem:s2] =	stream.indirect.scatter.add.f32 [tilespmem:s21], [sflag:$0x7], $0x80, s12, s18, $0xb8;
	[tilespmem:$0x1F800] =	vst v63  }
0x44: {  	_ =	swait.ge [sflag:s30], $0x2000  }
0x45: {  	[sflag:s30] =	ssyncset.done $0x0  }
0x46: {  	s16 =	simm.s32 $0x180;
	[sflag:s30] =	ssyncadd.s32 $0xFFFFE000  }
0x47: {  	[tilespmem:s21], [sflag:$0x3] =	stream.indirect.gather [hbm4b:s4+s18], $0x80, s16, s18, $0xb8;
	[tilespmem:$0x1F800] =	vst v63  }
0x48: {  	_ =	swait.ge [sflag:s31], $0x2000  }
0x49: {  	[sflag:s31] =	ssyncset.done $0x0  }
0x4a: {  	s17 =	simm.s32 $0x1580;
	[sflag:s31] =	ssyncadd.s32 $0xFFFFE000  }
0x4b: {  	[spmem:s2] =	stream.indirect.scatter.add.f32 [tilespmem:s23], [sflag:$0x8], $0x80, s17, s18, $0xb8;
	[tilespmem:$0x1F800] =	vst v63  }
0x4c: {  	_ =	swait.ge [sflag:s1], $0x2000  }
0x4d: {  	s10 =	simm.s32 $0x1C0;
	[sflag:s1] =	ssyncset.done $0x0  }
0x4e: {  	s11 =	simm.s32 $0x2C0;
	s16 =	simm.s32 $0x800;
	[sflag:s1] =	ssyncadd.s32 $0xFFFFE000  }
.LBB2_2:
0x4f: {  	[tilespmem:s23], [sflag:$0x4] =	stream.indirect.gather [hbm4b:s4+s18], $0x80, s10, s18, $0xb8;
	[tilespmem:$0x1F800] =	vst v63  }
0x50: {  	s17 =	smov.u32 s16;
	s10 =	smov.u32 s11  }
0x51: {  	p0 =	sne.s32 s16, $0x9000;
	s16 =	sadd.s32 $0x800, s16;
	_ =	swait.ge [sflag:s24], $0x2000  }
0x52: {  	s17 =	sshra.s32 s17, $0x2;
	[sflag:s24] =	ssyncset.done $0x0  }
0x53: {  	s12 =	sadd.s32 $0x1400, s17;
	[sflag:s24] =	ssyncadd.s32 $0xFFFFE000  }
0x54: {  	[spmem:s2] =	stream.indirect.scatter.add.f32 [tilespmem:s19], [sflag:$0x5], $0x80, s12, s18, $0xb8;
	[tilespmem:$0x1F800] =	vst v63  }
0x55: {  	_ =	swait.ge [sflag:s25], $0x2000  }
0x56: {  	[sflag:s25] =	ssyncset.done $0x0  }
0x57: {  	s12 =	sadd.s32 $0xFFFFFF40, s11;
	[sflag:s25] =	ssyncadd.s32 $0xFFFFE000  }
0x58: {  	[tilespmem:s19], [sflag:$0x1] =	stream.indirect.gather [hbm4b:s4+s18], $0x80, s12, s18, $0xb8;
	[tilespmem:$0x1F800] =	vst v63  }
0x59: {  	_ =	swait.ge [sflag:s26], $0x2000  }
0x5a: {  	[sflag:s26] =	ssyncset.done $0x0  }
0x5b: {  	s12 =	sadd.s32 $0x1480, s17;
	[sflag:s26] =	ssyncadd.s32 $0xFFFFE000  }
0x5c: {  	[spmem:s2] =	stream.indirect.scatter.add.f32 [tilespmem:s20], [sflag:$0x6], $0x80, s12, s18, $0xb8;
	[tilespmem:$0x1F800] =	vst v63  }
0x5d: {  	_ =	swait.ge [sflag:s28], $0x2000  }
0x5e: {  	[sflag:s28] =	ssyncset.done $0x0  }
0x5f: {  	s12 =	sadd.s32 $0xFFFFFF80, s11;
	[sflag:s28] =	ssyncadd.s32 $0xFFFFE000  }
0x60: {  	[tilespmem:s20], [sflag:$0x2] =	stream.indirect.gather [hbm4b:s4+s18], $0x80, s12, s18, $0xb8;
	[tilespmem:$0x1F800] =	vst v63  }
0x61: {  	_ =	swait.ge [sflag:s29], $0x2000  }
0x62: {  	[sflag:s29] =	ssyncset.done $0x0  }
0x63: {  	s12 =	sadd.s32 $0x1500, s17;
	[sflag:s29] =	ssyncadd.s32 $0xFFFFE000  }
0x64: {  	[spmem:s2] =	stream.indirect.scatter.add.f32 [tilespmem:s21], [sflag:$0x7], $0x80, s12, s18, $0xb8;
	[tilespmem:$0x1F800] =	vst v63  }
0x65: {  	_ =	swait.ge [sflag:s30], $0x2000  }
0x66: {  	[sflag:s30] =	ssyncset.done $0x0  }
0x67: {  	s12 =	sadd.s32 $0xFFFFFFC0, s11;
	[sflag:s30] =	ssyncadd.s32 $0xFFFFE000  }
0x68: {  	[tilespmem:s21], [sflag:$0x3] =	stream.indirect.gather [hbm4b:s4+s18], $0x80, s12, s18, $0xb8;
	[tilespmem:$0x1F800] =	vst v63  }
0x69: {  	_ =	swait.ge [sflag:s31], $0x2000  }
0x6a: {  	[sflag:s31] =	ssyncset.done $0x0  }
.Ltmp0:
0x6b: {  	s12 =	sadd.s32 $0x1580, s17;
	[sflag:s31] =	ssyncadd.s32 $0xFFFFE000;
	(pc) =	sbr.rel @p0 .LBB2_2-.Ltmp0, $4  }
0x6c: {  	[spmem:s2] =	stream.indirect.scatter.add.f32 [tilespmem:s23], [sflag:$0x8], $0x80, s12, s18, $0xb8;
	[tilespmem:$0x1F800] =	vst v63  }
0x6d: {  	_ =	swait.ge [sflag:s1], $0x2000  }
0x6e: {  	[sflag:s1] =	ssyncset.done $0x0  }
0x6f: {  	s11 =	sadd.s32 $0x100, s11;
	[sflag:s1] =	ssyncadd.s32 $0xFFFFE000  }
0x70: {  	[tilespmem:s23], [sflag:$0x4] =	stream.indirect.gather [hbm4b:s4+s18], $0x80, s10, s18, $0xb8;
	[tilespmem:$0x1F800] =	vst v63  }
0x71: {  	_ =	swait.ge [sflag:s24], $0x2000  }
0x72: {  	[sflag:s24] =	ssyncset.done $0x0  }
0x73: {  	[sflag:s24] =	ssyncadd.s32 $0xFFFFE000  }
0x74: {  	[spmem:s2] =	stream.indirect.scatter.add.f32 [tilespmem:s19], [sflag:$0x5], $0x80, s0, s18, $0xb8;
	[tilespmem:$0x1F800] =	vst v63  }
0x75: {  	_ =	swait.ge [sflag:s26], $0x2000  }
0x76: {  	[sflag:s26] =	ssyncset.done $0x0  }
0x77: {  	[sflag:s26] =	ssyncadd.s32 $0xFFFFE000  }
0x78: {  	[spmem:s2] =	stream.indirect.scatter.add.f32 [tilespmem:s20], [sflag:$0x6], $0x80, s5, s18, $0xb8;
	[tilespmem:$0x1F800] =	vst v63  }
0x79: {  	_ =	swait.ge [sflag:s29], $0x2000  }
0x7a: {  	[sflag:s29] =	ssyncset.done $0x0  }
0x7b: {  	[sflag:s29] =	ssyncadd.s32 $0xFFFFE000  }
0x7c: {  	[spmem:s2] =	stream.indirect.scatter.add.f32 [tilespmem:s21], [sflag:$0x7], $0x80, s7, s18, $0xb8;
	[tilespmem:$0x1F800] =	vst v63  }
0x7d: {  	_ =	swait.ge [sflag:s31], $0x2000  }
0x7e: {  	[sflag:s31] =	ssyncset.done $0x0  }
0x7f: {  	[sflag:s31] =	ssyncadd.s32 $0xFFFFE000  }
0x80: {  	[spmem:s2] =	stream.indirect.scatter.add.f32 [tilespmem:s23], [sflag:$0x8], $0x80, s8, s18, $0xb8;
	[tilespmem:$0x1F800] =	vst v63  }
0x81: {  	_ =	swait.ge [sflag:s25], $0x2000  }
0x82: {  	[sflag:s25] =	ssyncset.done $0x0  }
0x83: {  	[sflag:s25] =	ssyncadd.s32 $0xFFFFE000  }
0x84: {  	_ =	swait.ge [sflag:s28], $0x2000  }
0x85: {  	[sflag:s28] =	ssyncset.done $0x0  }
0x86: {  	[sflag:s28] =	ssyncadd.s32 $0xFFFFE000  }
0x87: {  	_ =	swait.ge [sflag:s30], $0x2000  }
0x88: {  	[sflag:s30] =	ssyncset.done $0x0  }
0x89: {  	[sflag:s30] =	ssyncadd.s32 $0xFFFFE000  }
0x8a: {  	_ =	swait.ge [sflag:s1], $0x2000  }
0x8b: {  	s10 =	simm.s32 $0x0;
	[sflag:s1] =	ssyncset.done $0x0  }
0x8c: {  	s12 =	simm.s32 $0x400;
	s11 =	rddreg [dreg:$0x7];
	[sflag:s1] =	ssyncadd.s32 $0xFFFFE000  }
0x8d: {  	[tilespmem:s10], [sflag:$0x9] =	stream.strided.gather [hbm4b:s11+s15], $0x1400, s12, s15, $0x38;
	[tilespmem:$0x1F800] =	vst v63  }
0x8e: {  	_ =	swait.ge [sflag:s14], $0x1400  }
0x8f: {  	[sflag:s14] =	ssyncset.done $0x0  }
0x90: {  	s17 =	simm.s32 $0x1400;
	s16 =	rddreg [dreg:$0x8];
	[sflag:s14] =	ssyncadd.s32 $0xFFFFEC00  }
0x91: {  	[tilespmem:s17], [sflag:$0x9] =	stream.linear.gather [hbm4b:s16+s10], $0x2800, $0x38;
	[tilespmem:$0x1F800] =	vst v63  }
0x92: {  	_ =	swait.ge [sflag:s14], $0x2800  }
0x93: {  	[sflag:s14] =	ssyncset.done $0x0  }
0x94: {  	[sflag:s14] =	ssyncadd.s32 $0xFFFFD800  }
0x95: {  	[tilespmem:s19], [sflag:$0x1] =	stream.indirect.gather [hbm4b:s4+s18], $0x80, s10, s18, $0xb8;
	[tilespmem:$0x1F800] =	vst v63  }
0x96: {  	_ = 	snop  }
0x97: {  	[tilespmem:s20], [sflag:$0x2] =	stream.indirect.gather [hbm4b:s4+s18], $0x80, s18, s18, $0xb8;
	[tilespmem:$0x1F800] =	vst v63  }
0x98: {  	_ = 	snop  }
0x99: {  	[tilespmem:s21], [sflag:$0x3] =	stream.indirect.gather [hbm4b:s4+s18], $0x80, s15, s18, $0xb8;
	[tilespmem:$0x1F800] =	vst v63  }
0x9a: {  	_ = 	snop  }
0x9b: {  	[tilespmem:s23], [sflag:$0x4] =	stream.indirect.gather [hbm4b:s4+s18], $0x80, s22, s18, $0xb8;
	[tilespmem:$0x1F800] =	vst v63  }
0x9c: {  	_ =	swait.ge [sflag:s24], $0x2000  }
0x9d: {  	[sflag:s24] =	ssyncset.done $0x0  }
0x9e: {  	s12 =	simm.s32 $0x1400;
	[sflag:s24] =	ssyncadd.s32 $0xFFFFE000  }
0x9f: {  	[spmem:s2] =	stream.indirect.scatter.add.f32 [tilespmem:s19], [sflag:$0x5], $0x80, s12, s18, $0xb8;
	[tilespmem:$0x1F800] =	vst v63  }
0xa0: {  	_ =	swait.ge [sflag:s25], $0x2000  }
0xa1: {  	[sflag:s25] =	ssyncset.done $0x0  }
0xa2: {  	s16 =	simm.s32 $0x100;
	[sflag:s25] =	ssyncadd.s32 $0xFFFFE000  }
0xa3: {  	[tilespmem:s19], [sflag:$0x1] =	stream.indirect.gather [hbm4b:s4+s18], $0x80, s16, s18, $0xb8;
	[tilespmem:$0x1F800] =	vst v63  }
0xa4: {  	_ =	swait.ge [sflag:s26], $0x2000  }
0xa5: {  	[sflag:s26] =	ssyncset.done $0x0  }
0xa6: {  	s17 =	simm.s32 $0x1480;
	[sflag:s26] =	ssyncadd.s32 $0xFFFFE000  }
0xa7: {  	[spmem:s2] =	stream.indirect.scatter.add.f32 [tilespmem:s20], [sflag:$0x6], $0x80, s17, s18, $0xb8;
	[tilespmem:$0x1F800] =	vst v63  }
0xa8: {  	_ =	swait.ge [sflag:s28], $0x2000  }
0xa9: {  	[sflag:s28] =	ssyncset.done $0x0  }
0xaa: {  	s11 =	simm.s32 $0x140;
	[sflag:s28] =	ssyncadd.s32 $0xFFFFE000  }
0xab: {  	[tilespmem:s20], [sflag:$0x2] =	stream.indirect.gather [hbm4b:s4+s18], $0x80, s11, s18, $0xb8;
	[tilespmem:$0x1F800] =	vst v63  }
0xac: {  	_ =	swait.ge [sflag:s29], $0x2000  }
0xad: {  	[sflag:s29] =	ssyncset.done $0x0  }
0xae: {  	s12 =	simm.s32 $0x1500;
	[sflag:s29] =	ssyncadd.s32 $0xFFFFE000  }
0xaf: {  	[spmem:s2] =	stream.indirect.scatter.add.f32 [tilespmem:s21], [sflag:$0x7], $0x80, s12, s18, $0xb8;
	[tilespmem:$0x1F800] =	vst v63  }
0xb0: {  	_ =	swait.ge [sflag:s30], $0x2000  }
0xb1: {  	[sflag:s30] =	ssyncset.done $0x0  }
0xb2: {  	s16 =	simm.s32 $0x180;
	[sflag:s30] =	ssyncadd.s32 $0xFFFFE000  }
0xb3: {  	[tilespmem:s21], [sflag:$0x3] =	stream.indirect.gather [hbm4b:s4+s18], $0x80, s16, s18, $0xb8;
	[tilespmem:$0x1F800] =	vst v63  }
0xb4: {  	_ =	swait.ge [sflag:s31], $0x2000  }
0xb5: {  	[sflag:s31] =	ssyncset.done $0x0  }
0xb6: {  	s17 =	simm.s32 $0x1580;
	[sflag:s31] =	ssyncadd.s32 $0xFFFFE000  }
0xb7: {  	[spmem:s2] =	stream.indirect.scatter.add.f32 [tilespmem:s23], [sflag:$0x8], $0x80, s17, s18, $0xb8;
	[tilespmem:$0x1F800] =	vst v63  }
0xb8: {  	_ =	swait.ge [sflag:s1], $0x2000  }
0xb9: {  	s10 =	simm.s32 $0x1C0;
	[sflag:s1] =	ssyncset.done $0x0  }
0xba: {  	s11 =	simm.s32 $0x2C0;
	s16 =	simm.s32 $0x800;
	[sflag:s1] =	ssyncadd.s32 $0xFFFFE000  }
.LBB2_4:
0xbb: {  	[tilespmem:s23], [sflag:$0x4] =	stream.indirect.gather [hbm4b:s4+s18], $0x80, s10, s18, $0xb8;
	[tilespmem:$0x1F800] =	vst v63  }
0xbc: {  	s12 =	smov.u32 s16;
	s10 =	smov.u32 s11  }
0xbd: {  	p0 =	sne.s32 s16, $0x9000;
	s16 =	sadd.s32 $0x800, s16;
	_ =	swait.ge [sflag:s24], $0x2000  }
0xbe: {  	s12 =	sshra.s32 s12, $0x2;
	[sflag:s24] =	ssyncset.done $0x0  }
0xbf: {  	s17 =	sadd.s32 $0x1400, s12;
	[sflag:s24] =	ssyncadd.s32 $0xFFFFE000  }
0xc0: {  	[spmem:s2] =	stream.indirect.scatter.add.f32 [tilespmem:s19], [sflag:$0x5], $0x80, s17, s18, $0xb8;
	[tilespmem:$0x1F800] =	vst v63  }
0xc1: {  	_ =	swait.ge [sflag:s25], $0x2000  }
0xc2: {  	[sflag:s25] =	ssyncset.done $0x0  }
0xc3: {  	s17 =	sadd.s32 $0xFFFFFF40, s11;
	[sflag:s25] =	ssyncadd.s32 $0xFFFFE000  }
0xc4: {  	[tilespmem:s19], [sflag:$0x1] =	stream.indirect.gather [hbm4b:s4+s18], $0x80, s17, s18, $0xb8;
	[tilespmem:$0x1F800] =	vst v63  }
0xc5: {  	_ =	swait.ge [sflag:s26], $0x2000  }
0xc6: {  	[sflag:s26] =	ssyncset.done $0x0  }
0xc7: {  	s17 =	sadd.s32 $0x1480, s12;
	[sflag:s26] =	ssyncadd.s32 $0xFFFFE000  }
0xc8: {  	[spmem:s2] =	stream.indirect.scatter.add.f32 [tilespmem:s20], [sflag:$0x6], $0x80, s17, s18, $0xb8;
	[tilespmem:$0x1F800] =	vst v63  }
0xc9: {  	_ =	swait.ge [sflag:s28], $0x2000  }
0xca: {  	[sflag:s28] =	ssyncset.done $0x0  }
0xcb: {  	s17 =	sadd.s32 $0xFFFFFF80, s11;
	[sflag:s28] =	ssyncadd.s32 $0xFFFFE000  }
0xcc: {  	[tilespmem:s20], [sflag:$0x2] =	stream.indirect.gather [hbm4b:s4+s18], $0x80, s17, s18, $0xb8;
	[tilespmem:$0x1F800] =	vst v63  }
0xcd: {  	_ =	swait.ge [sflag:s29], $0x2000  }
0xce: {  	[sflag:s29] =	ssyncset.done $0x0  }
0xcf: {  	s17 =	sadd.s32 $0x1500, s12;
	[sflag:s29] =	ssyncadd.s32 $0xFFFFE000  }
0xd0: {  	[spmem:s2] =	stream.indirect.scatter.add.f32 [tilespmem:s21], [sflag:$0x7], $0x80, s17, s18, $0xb8;
	[tilespmem:$0x1F800] =	vst v63  }
0xd1: {  	_ =	swait.ge [sflag:s30], $0x2000  }
0xd2: {  	[sflag:s30] =	ssyncset.done $0x0  }
0xd3: {  	s17 =	sadd.s32 $0xFFFFFFC0, s11;
	[sflag:s30] =	ssyncadd.s32 $0xFFFFE000  }
0xd4: {  	[tilespmem:s21], [sflag:$0x3] =	stream.indirect.gather [hbm4b:s4+s18], $0x80, s17, s18, $0xb8;
	[tilespmem:$0x1F800] =	vst v63  }
0xd5: {  	_ =	swait.ge [sflag:s31], $0x2000  }
0xd6: {  	[sflag:s31] =	ssyncset.done $0x0  }
.Ltmp1:
0xd7: {  	s12 =	sadd.s32 $0x1580, s12;
	[sflag:s31] =	ssyncadd.s32 $0xFFFFE000;
	(pc) =	sbr.rel @p0 .LBB2_4-.Ltmp1, $4  }
0xd8: {  	[spmem:s2] =	stream.indirect.scatter.add.f32 [tilespmem:s23], [sflag:$0x8], $0x80, s12, s18, $0xb8;
	[tilespmem:$0x1F800] =	vst v63  }
0xd9: {  	_ =	swait.ge [sflag:s1], $0x2000  }
0xda: {  	[sflag:s1] =	ssyncset.done $0x0  }
0xdb: {  	s11 =	sadd.s32 $0x100, s11;
	[sflag:s1] =	ssyncadd.s32 $0xFFFFE000  }
0xdc: {  	[tilespmem:s23], [sflag:$0x4] =	stream.indirect.gather [hbm4b:s4+s18], $0x80, s10, s18, $0xb8;
	[tilespmem:$0x1F800] =	vst v63  }
0xdd: {  	_ =	swait.ge [sflag:s24], $0x2000  }
0xde: {  	[sflag:s24] =	ssyncset.done $0x0  }
0xdf: {  	[sflag:s24] =	ssyncadd.s32 $0xFFFFE000  }
0xe0: {  	[spmem:s2] =	stream.indirect.scatter.add.f32 [tilespmem:s19], [sflag:$0x5], $0x80, s0, s18, $0xb8;
	[tilespmem:$0x1F800] =	vst v63  }
0xe1: {  	_ =	swait.ge [sflag:s26], $0x2000  }
0xe2: {  	[sflag:s26] =	ssyncset.done $0x0  }
0xe3: {  	[sflag:s26] =	ssyncadd.s32 $0xFFFFE000  }
0xe4: {  	[spmem:s2] =	stream.indirect.scatter.add.f32 [tilespmem:s20], [sflag:$0x6], $0x80, s5, s18, $0xb8;
	[tilespmem:$0x1F800] =	vst v63  }
0xe5: {  	_ =	swait.ge [sflag:s29], $0x2000  }
0xe6: {  	[sflag:s29] =	ssyncset.done $0x0  }
0xe7: {  	[sflag:s29] =	ssyncadd.s32 $0xFFFFE000  }
0xe8: {  	[spmem:s2] =	stream.indirect.scatter.add.f32 [tilespmem:s21], [sflag:$0x7], $0x80, s7, s18, $0xb8;
	[tilespmem:$0x1F800] =	vst v63  }
0xe9: {  	_ =	swait.ge [sflag:s31], $0x2000  }
0xea: {  	[sflag:s31] =	ssyncset.done $0x0  }
0xeb: {  	[sflag:s31] =	ssyncadd.s32 $0xFFFFE000  }
0xec: {  	[spmem:s2] =	stream.indirect.scatter.add.f32 [tilespmem:s23], [sflag:$0x8], $0x80, s8, s18, $0xb8;
	[tilespmem:$0x1F800] =	vst v63  }
0xed: {  	_ =	swait.ge [sflag:s25], $0x2000  }
0xee: {  	[sflag:s25] =	ssyncset.done $0x0  }
0xef: {  	[sflag:s25] =	ssyncadd.s32 $0xFFFFE000  }
0xf0: {  	_ =	swait.ge [sflag:s28], $0x2000  }
0xf1: {  	[sflag:s28] =	ssyncset.done $0x0  }
0xf2: {  	[sflag:s28] =	ssyncadd.s32 $0xFFFFE000  }
0xf3: {  	_ =	swait.ge [sflag:s30], $0x2000  }
0xf4: {  	[sflag:s30] =	ssyncset.done $0x0  }
0xf5: {  	[sflag:s30] =	ssyncadd.s32 $0xFFFFE000  }
0xf6: {  	_ =	swait.ge [sflag:s1], $0x2000  }
0xf7: {  	[sflag:s1] =	ssyncset.done $0x0  }
0xf8: {  	[sflag:s1] =	ssyncadd.s32 $0xFFFFE000  }
0xf9: {  	[bflag:$0x0] =	sbarrier.arrive $0xFFFF  }
0xfa: {  	s16 =	rddreg [dreg:$0x9]  }
0xfb: {  	[hbm:s16], [sflag:s6] =	dma.local [spmem:s13], $0x2780  }
0xfc: {  	_ =	swait.ge [sflag:s14], $0x2780  }
0xfd: {  	s9 =	sadd.s32 $0x1, s9;
	s17 =	rddreg [dreg:$0xa]  }
0xfe: {  	p0 =	sne.s32 s9, s17  }
.Ltmp2:
0xff: {  	_ = 	snop;
	(pc) =	sbr.rel @p0 .LBB2_1-.Ltmp2, $3  }
0x100: {  	_ =	sdelay $0x1  }
0x101: {  	[sflag:s14] =	ssyncset.done $0x0  }
0x102: {  	[sflag:s14] =	ssyncadd.s32 $0xFFFFD880  }
0x103: {  	_ =	sfence.sel $0x180000  }
0x104: {  	[bflag:$0x0] =	sbarrier.arrive $0xFFFF  }
0x105: {  	_ =	strace $0x9000004A  }
0x106: {  	s0 =	stileid.u32;
	[bflag:$0x2] =	sbarrier.arrive $0xFFFF  }
0x107: {  	p0 =	sne.s32 s0, $0x0;
	s0 =	rddreg [dreg:$0x3]  }
0x108: {  	s0 =	sadd.s32 @!p0 $0x100000, s0  }
0x109: {  	[sflag:s0] =	ssyncadd.tile.s32 @!p0 $0x1;
	_ =	shalt  }
.Lfunc_end2:
_tile_overlayer_lowered:
.L_overlay_start_2:
0x10a: {  	(tag) =	ssettag $0x2  }
0x10b: {  	s0 =	rddreg [dreg:$0x0];
	s2 =	stileid.u32  }
0x10c: {  	s1 =	rddreg [dreg:$0x1];
	p0 =	sne.s32 s2, $0x0  }
0x10d: {  	s3 =	rddreg [dreg:$0x2];
	[bflag:$0x3] =	sbarrier.arrive $0xFFFF;
	s2 =	simm.s32 @!p0 $0x1C09  }
0x10e: {  	[timem:s3], [sflag:s2] =	dma.local @!p0 [hbm:s0], s1  }
0x10f: {  	s0 =	simm.s32 @!p0 $0x9  }
0x110: {  	_ =	swait.ge @!p0 [sflag:s0], s1  }
0x111: {  	s1 =	ssub.s32 @!p0 $0x0, s1;
	[sflag:s0] =	ssyncset.done @!p0 $0x0  }
0x112: {  	[sflag:s0] =	ssyncadd.s32 @!p0 s1  }
0x113: {  	[bflag:$0x3] =	sbarrier.arrive $0xFFFF  }
0x114: {  	_ =	shalt  }

// kernel: kernel.14.cloned.1.call-start
scs
__scs_entry_jumppad:
0x0: {  	(pc) =	sbr.rel $0x88, $3  }
0x1: {  	(tag) =	ssettag $0x0;
	lr =	simm.s32 $0x1  }
0x2: {  	[smem:$0x3F99] =	sst lr;
	_ =	strace $0xD0000000  }
0x3: {  	_ = 	snop  }
0x4: {  	_ = 	snop  }
0x5: {  	_ = 	snop  }
0x6: {  	_ = 	snop  }
0x7: {  	_ = 	snop  }
__scs_overlays_trampoline_lowered:
0x8: {  	[smem:$0x3FA8] =	sst s0  }
0x9: {  	[smem:$0x3FA9] =	sst s1  }
0xa: {  	[smem:$0x3FAA] =	sst s2  }
0xb: {  	[smem:$0x3FAB] =	sst s3  }
0xc: {  	[smem:$0x3FAC] =	sst s4  }
0xd: {  	[smem:$0x3FAD] =	sst s5  }
0xe: {  	[smem:$0x3FAE] =	sst s6  }
0xf: {  	[smem:$0x3FAF] =	sst s7  }
0x10: {  	[smem:$0x3FB0] =	sst s8  }
0x11: {  	[smem:$0x3FB1] =	sst s9;
	s0 =	simm.s32 @!p0 $0x0  }
0x12: {  	s1 =	sld [smem:$0x3F97];
	s0 =	simm.s32 @p0 $0x1  }
0x13: {  	[smem:$0x3FB2] =	sst s0;
	s0 =	simm.s32 @!p1 $0x0  }
0x14: {  	s2 =	sld [smem:$0x3F96];
	s0 =	simm.s32 @p1 $0x1  }
0x15: {  	[smem:$0x3FB3] =	sst s0;
	s0 =	simm.s32 @!p2 $0x0  }
0x16: {  	s3 =	sld [smem:$0x3FDB];
	s0 =	simm.s32 @p2 $0x1  }
0x17: {  	s4 =	simm.s32 $0x1BF5;
	[smem:$0x3FB5] =	sst s0  }
0x18: {  	s0 =	sld [smem:$0x3F98];
	_ =	swait.ge [sflag:s4], $0x0  }
0x19: {  	s7 =	sld [smem:$0x3F99]  }
0x1a: {  	s8 =	sadd.s32 $0xFFFFE003, lr  }
0x1b: {  	s9 =	sadd.s32 $0xFFFFFEF7, lr;
	s5 =	simm.s32 $0xFFFFFFFF;
	p2 =	slt.u32 s8, $0xFFFFF086  }
0x1c: {  	p1 =	slt.u32 s9, $0xF7A;
	s5 =	simm.s32 @!p2 $0x0  }
0x1d: {  	s5 =	simm.s32 @p1 $0x1;
	p0 =	seq.s32 s7, s2  }
0x1e: {  	s7 =	smul.u32 @!p0 $0xF7A, s2;
	p2 =	seq.s32 @!p0 s5, $0x0  }
0x1f: {  	s9 =	smul.u32 $0xF7A, s1;
	s8 =	simm.s32 @!p0 $0x1BF5;
	p2 =	por !p2, p0  }
0x20: {  	[sflag:s8] =	ssyncset.s32 @!p0 $0xFFFFF086;
	s6 =	sadd.s32 @!p0 s3, s7;
	s7 =	simm.s32 @!p0 $0x108  }
0x21: {  	s3 =	sadd.s32 s3, s9;
	s6 =	sadd.s32 @!p0 $0x88, s6;
	s7 =	simm.s32 @p2 $0x1082  }
0x22: {  	[simem:s7], [sflag:s8] =	dma.local @!p0 [hbm:s6], $0xF7A  }
0x23: {  	s9 =	sor.u32 $0xD0000000, s2;
	s6 =	simm.s32 $0x108;
	_ =	swait.ge @!p0 [sflag:s8], $0x0  }
0x24: {  	s3 =	sadd.s32 $0x88, s3;
	s6 =	simm.s32 @!p1 $0x1082;
	[sflag:s4] =	ssyncset.s32 $0xFFFFF086  }
0x25: {  	[simem:s6], [sflag:s4] =	dma.local [hbm:s3], $0xF7A  }
0x26: {  	[smem:$0x3F99] =	sst s1;
	(tag) =	ssettag s2;
	_ =	strace s9  }
0x27: {  	s1 =	sld [smem:$0x3FA9]  }
0x28: {  	s2 =	sld [smem:$0x3FAA]  }
0x29: {  	s4 =	sld [smem:$0x3FAC]  }
0x2a: {  	p0 =	seq.s32 s5, $0x0;
	s5 =	sld [smem:$0x3FAD]  }
0x2b: {  	s6 =	sld [smem:$0x3FAE]  }
0x2c: {  	s7 =	sld [smem:$0x3FAF]  }
0x2d: {  	s3 =	simm.s32 $0x108;
	s8 =	sld [smem:$0x3FB0]  }
0x2e: {  	s3 =	simm.s32 @!p0 $0x1082;
	s9 =	sld [smem:$0x3FB1]  }
0x2f: {  	lr =	sadd.s32 s0, s3;
	s0 =	sld [smem:$0x3FA8]  }
0x30: {  	s3 =	sld [smem:$0x3FAB]  }
0x31: {  	[smem:$0x3FB4] =	sst s10  }
0x32: {  	s10 =	sld [smem:$0x3FB2];
	_ =	sdelay $0x3  }
0x33: {  	p0 =	seq.s32 s10, $0x1;
	s10 =	sld [smem:$0x3FB4];
	_ =	sdelay $0x3  }
0x34: {  	[smem:$0x3FB4] =	sst s10  }
0x35: {  	s10 =	sld [smem:$0x3FB3];
	_ =	sdelay $0x3  }
0x36: {  	p1 =	seq.s32 s10, $0x1;
	s10 =	sld [smem:$0x3FB4];
	_ =	sdelay $0x3  }
0x37: {  	[smem:$0x3FB4] =	sst s10  }
0x38: {  	s10 =	sld [smem:$0x3FB5]  }
0x39: {  	_ = 	snop;
	(pc) =	sbr.ind lr, $3  }
0x3a: {  	_ = 	snop  }
0x3b: {  	_ = 	snop  }
0x3c: {  	p2 =	seq.s32 s10, $0x1;
	s10 =	sld [smem:$0x3FB4]  }
0x3d: {  	_ =	shalt  }
0x3e: {  	_ =	shalt  }
0x3f: {  	_ =	shalt  }
0x40: {  	_ =	shalt  }
0x41: {  	_ =	shalt  }
0x42: {  	_ =	shalt  }
0x43: {  	_ =	shalt  }
0x44: {  	_ =	shalt  }
0x45: {  	_ =	shalt  }
0x46: {  	_ =	shalt  }
0x47: {  	_ =	shalt  }
0x48: {  	_ =	shalt  }
0x49: {  	_ =	shalt  }
0x4a: {  	_ =	shalt  }
0x4b: {  	_ =	shalt  }
0x4c: {  	_ =	shalt  }
0x4d: {  	_ =	shalt  }
0x4e: {  	_ =	shalt  }
0x4f: {  	_ =	shalt  }
0x50: {  	_ =	shalt  }
0x51: {  	_ =	shalt  }
0x52: {  	_ =	shalt  }
0x53: {  	_ =	shalt  }
0x54: {  	_ =	shalt  }
0x55: {  	_ =	shalt  }
0x56: {  	_ =	shalt  }
0x57: {  	_ =	shalt  }
0x58: {  	_ =	shalt  }
0x59: {  	_ =	shalt  }
0x5a: {  	_ =	shalt  }
0x5b: {  	_ =	shalt  }
0x5c: {  	_ =	shalt  }
0x5d: {  	_ =	shalt  }
0x5e: {  	_ =	shalt  }
0x5f: {  	_ =	shalt  }
0x60: {  	_ =	shalt  }
0x61: {  	_ =	shalt  }
0x62: {  	_ =	shalt  }
0x63: {  	_ =	shalt  }
0x64: {  	_ =	shalt  }
0x65: {  	_ =	shalt  }
0x66: {  	_ =	shalt  }
0x67: {  	_ =	shalt  }
0x68: {  	_ =	shalt  }
0x69: {  	_ =	shalt  }
0x6a: {  	_ =	shalt  }
0x6b: {  	_ =	shalt  }
0x6c: {  	_ =	shalt  }
0x6d: {  	_ =	shalt  }
0x6e: {  	_ =	shalt  }
0x6f: {  	_ =	shalt  }
0x70: {  	_ =	shalt  }
0x71: {  	_ =	shalt  }
0x72: {  	_ =	shalt  }
0x73: {  	_ =	shalt  }
0x74: {  	_ =	shalt  }
0x75: {  	_ =	shalt  }
0x76: {  	_ =	shalt  }
0x77: {  	_ =	shalt  }
0x78: {  	_ =	shalt  }
0x79: {  	_ =	shalt  }
0x7a: {  	_ =	shalt  }
0x7b: {  	_ =	shalt  }
0x7c: {  	_ =	shalt  }
0x7d: {  	_ =	shalt  }
0x7e: {  	_ =	shalt  }
0x7f: {  	_ =	shalt  }
0x80: {  	_ =	shalt  }
0x81: {  	_ =	shalt  }
0x82: {  	_ =	shalt  }
0x83: {  	_ =	shalt  }
0x84: {  	_ =	shalt  }
0x85: {  	_ =	shalt  }
0x86: {  	_ =	shalt  }
0x87: {  	_ =	shalt  }
.Lfunc_end0:
.L_simem_size_0:
called_computation.2_lowered:
.L_overlay_start_0:
0x88: {  	s2 =	sld [smem:$0x3FD9]  }
0x89: {  	s3 =	sld [smem:$0x3FFE];
	_ =	sdelay $0x1  }
0x8a: {  	s1 =	srdreg.scid  }
0x8b: {  	s0 =	sand.u32 $0x1, s1  }
0x8c: {  	s14 =	sshll.u32 s0, $0xA;
	s2 =	sadd.s32 s3, s2  }
0x8d: {  	s2 =	sadd.s32 s2, s14  }
0x8e: {  	[smem:$0x3FC0] =	sst s2  }
0x8f: {  	_ = 	snop  }
0x90: {  	s2 =	sld [smem:$0x3FD0];
	_ =	sdelay $0x2  }
0x91: {  	s15 =	simm.s32 $0xA;
	s4 =	simm.s32 $0x10  }
0x92: {  	[smem:s4], [sflag:s15] =	dma.local [hbm:s2], $0x1  }
0x93: {  	_ =	swait.eq [sflag:s15], $0x1  }
0x94: {  	[sflag:s15] =	ssyncset.done $0x0  }
0x95: {  	[sflag:s15] =	ssyncadd.s32 $0xFFFFFFFF  }
0x96: {  	s16 =	sld [smem:$0x10];
	(tm) =	ssettm $0x1  }
0x97: {  	s17 =	sld [smem:$0x3FFB];
	_ =	sdelay $0x3  }
0x98: {  	_ =	strace s17  }
0x99: {  	s3 =	sld [smem:$0x3FFC];
	_ =	sdelay $0x3  }
0x9a: {  	_ =	strace s3  }
0x9b: {  	s3 =	sld [smem:$0x3FFD];
	_ =	sdelay $0x3  }
0x9c: {  	_ =	strace s3  }
0x9d: {  	_ =	strace $0x8FFFFFFF  }
0x9e: {  	s18 =	sld [smem:$0x3FDB];
	_ =	sdelay $0x1  }
0x9f: {  	s19 =	simm.s32 $_scs_section_size  }
0xa0: {  	s5 =	simm.s32 $_size__tile_overlayer_lowered;
	s6 =	simm.s32 $_tile_overlayer_lowered  }
0xa1: {  	s22 =	simm.s32 $0x1BFF;
	s21 =	sshll.u32 s6, $0x1;
	s3 =	sadd.s32 s19, s18  }
0xa2: {  	s7 =	simm.s32 $0x0;
	s20 =	sshll.u32 s5, $0x1;
	s5 =	sadd.s32 s21, s3  }
0xa3: {  	[timem:s7], [sflag:s22] =	dma.local [hbm:s5], s20  }
0xa4: {  	_ =	swait.ge [sflag:s22], s20  }
0xa5: {  	s4 =	ssub.s32 $0x0, s20;
	[sflag:s22] =	ssyncset.done $0x0  }
0xa6: {  	[sflag:s22] =	ssyncadd.s32 s4;
	_ =	sdelay $0x1  }
0xa7: {  	s23 =	simm.s32 $0x1B8B  }
0xa8: {  	_ =	swait.ge [sflag:s23], $0x1  }
0xa9: {  	[sflag:s23] =	ssyncset.done $0x0  }
0xaa: {  	s25 =	simm.s32 $0x1B8E;
	s24 =	sld [smem:$0x3FFE];
	[sflag:s23] =	ssyncadd.s32 $0xFFFFFFFF  }
0xab: {  	s26 =	simm.s32 $execute0_lowered;
	[smem:$0x3FD2] =	sst s25  }
0xac: {  	s5 =	sshll.u32 s26, $0x1;
	_ =	strace $0x8000004C;
	[dreg:$0x1] =	wrdreg $0xFFFFFFFF  }
0xad: {  	s28 =	simm.s32 $_size_execute0_lowered;
	s3 =	sadd.s32 s3, s5;
	[dreg:$0x0] =	wrdreg $0x0  }
0xae: {  	s5 =	sshll.u32 s28, $0x1;
	[dreg:$0x2] =	wrdreg s3  }
0xaf: {  	[dreg:$0x3] =	wrdreg s5  }
0xb0: {  	[dreg:$0x4] =	wrdreg $0xC0  }
0xb1: {  	_ =	task [dreg:s7], $0x5FFFF  }
0xb2: {  	[dreg:$0x1] =	wrdreg $0xFFFFFFFF  }
0xb3: {  	[dreg:$0x0] =	wrdreg $0x60  }
0xb4: {  	[dreg:$0x2] =	wrdreg s24  }
0xb5: {  	[dreg:$0x3] =	wrdreg s16  }
0xb6: {  	[dreg:$0x4] =	wrdreg $0xBC000  }
0xb7: {  	[dreg:$0x5] =	wrdreg $0x9  }
0xb8: {  	_ =	task.clear_ibuf [dreg:s7], $0x6FFFF;
	_ =	strace $0x9000004C  }
0xb9: {  	s29 =	simm.s32 $0x9;
	_ =	strace $0x8000004E  }
0xba: {  	_ =	swait.ge [sflag:s29], $0x1  }
0xbb: {  	[sflag:s29] =	ssyncadd.s32 $0xFFFFFFFF  }
0xbc: {  	_ =	strace $0x9000004E  }
0xbd: {  	_ =	sfence  }
0xbe: {  	s30 =	sld [smem:$0x0];
	_ =	sdelay $0x2  }
0xbf: {  	s31 =	sshll.u32 s1, $0xD;
	s1 =	sshrl.u32 s1, $0x2  }
0xc0: {  	s3 =	sand.u32 $0x4000, s31;
	s1 =	sadd.s32 s1, s30  }
0xc1: {  	s0 =	sor.u32 s3, s0;
	s1 =	sshll.u32 s1, $0x11  }
0xc2: {  	s0 =	sor.u32 s1, s0  }
0xc3: {  	s0 =	sadd.s32 $0x8F2B, s0  }
0xc4: {  	[sflag:s0] =	ssyncadd.remote.s32 $0x1  }
0xc5: {  	_ =	sfence.sel $0xFFFF  }
0xc6: {  	[dreg:$0x0] =	wrdreg $0xFFFFFFFF;
	(pc) =	sbr.abs _section_cstart, $3  }
0xc7: {  	[dreg:$0x1] =	wrdreg $0xFFFFFFFF  }
0xc8: {  	_ =	task.clear_ibuf [dreg:s7], $0x2FFFF;
	_ =	strace $0x9FFFFFFF  }
0xc9: {  	(tm) =	ssettm $0x7FFFFFFF  }
tec
execute0_lowered:
.L_overlay_start_1:
0x0: {  	(tag) =	ssettag $0x1  }
0x1: {  	s0 =	srdreg.scid  }
0x2: {  	s11 =	stileid.u32;
	s1 =	rddreg [dreg:$0x0]  }
0x3: {  	s5 =	rddreg [dreg:$0x1];
	s3 =	simm.s32 $0x0;
	s14 =	simm.s32 $0x9  }
0x4: {  	s15 =	simm.s32 $0x80;
	s18 =	simm.s32 $0x40;
	s28 =	simm.s32 $0x6  }
0x5: {  	s29 =	simm.s32 $0x3;
	s30 =	simm.s32 $0x7;
	s31 =	simm.s32 $0x4  }
0x6: {  	s0 =	sand.u32 $0x1, s0;
	s2 =	sshll.u32 s11, $0x1;
	[smem:$0x7FF] =	sst s3  }
0x7: {  	s9 =	smul.u32 $0x13C00, s11;
	s4 =	sadd.s32 $0x4C00, s1;
	s10 =	sadd.s32 $0x2400, s1  }
0x8: {  	s19 =	smul.u32 $0x4F000, s11;
	s20 =	sshrl.u32 s11, $0x2;
	s24 =	sshll.u32 s11, $0x6  }
0x9: {  	s6 =	sor.u32 s0, s2;
	s2 =	rddreg [dreg:$0x2];
	s8 =	smul.u32 $0x13C000, s0  }
0xa: {  	_ =	strace $0x8000004D;
	[dreg:$0x4] =	wrdreg s10;
	s10 =	smul.u32 $0x14000, s20  }
0xb: {  	s0 =	ssub.s32 $0x2, s0;
	s20 =	simm.s32 $0x5C00;
	s7 =	smul.u32 $0x5000, s6  }
0xc: {  	s6 =	sshll.u32 s6, $0x7;
	s21 =	sshrl.u32 s0, $0x1;
	s22 =	sshrl.u32 s19, $0x2  }
0xd: {  	s19 =	simm.s32 $0x3C00;
	s8 =	sadd.s32 s9, s8;
	s6 =	sand.u32 $0x380, s6  }
0xe: {  	s0 =	ssub.s32 s0, s21;
	s21 =	simm.s32 $0x7C00;
	s7 =	sshrl.u32 s7, $0x3  }
0xf: {  	s8 =	sshrl.u32 s8, $0x3;
	s23 =	sor.u32 s10, s6;
	s6 =	sor.u32 $0x1C09, s24  }
0x10: {  	s0 =	smax.u32 s0, $0x1;
	s24 =	simm.s32 $0x1;
	s7 =	sadd.s32 s7, s1  }
0x11: {  	s1 =	sadd.s32 s8, s1;
	s8 =	sadd.s32 s22, s2;
	s10 =	sadd.s32 $0xA000, s23  }
0x12: {  	s9 =	sshrl.u32 s23, $0x3;
	[dreg:$0xa] =	wrdreg s0;
	s22 =	simm.s32 $0xC0  }
0x13: {  	s23 =	simm.s32 $0x9C00;
	s0 =	simm.s32 $0x3A00;
	s9 =	sadd.s32 s5, s9  }
0x14: {  	s10 =	sshrl.u32 s10, $0x3;
	s25 =	sadd.s32 $0x54400, s7;
	[dreg:$0x5] =	wrdreg s9  }
0x15: {  	s26 =	sadd.s32 $0x54900, s7;
	s1 =	sadd.s32 $0x68400, s1;
	[dreg:$0x6] =	wrdreg s25  }
0x16: {  	s13 =	sshrl.u32 s8, $0x3;
	s7 =	simm.s32 $0x3B00;
	[dreg:$0x8] =	wrdreg s26  }
0x17: {  	s8 =	simm.s32 $0x3B80;
	s5 =	sadd.s32 s5, s10;
	[dreg:$0x9] =	wrdreg s1  }
0x18: {  	s25 =	simm.s32 $0x5;
	s26 =	simm.s32 $0x2;
	s1 =	simm.s32 $0x8  }
0x19: {  	s9 =	simm.s32 $0x0;
	[dreg:$0x7] =	wrdreg s5;
	s5 =	simm.s32 $0x3A80  }
.LBB2_1:
0x1a: {  	s10 =	rddreg [dreg:$0x4]  }
0x1b: {  	[spmem:s13], [sflag:s6] =	dma.local [hbm:s10], $0x2780  }
0x1c: {  	_ =	swait.ge [sflag:s14], $0x2780  }
0x1d: {  	[sflag:s14] =	ssyncset.done $0x0  }
0x1e: {  	[sflag:s14] =	ssyncadd.s32 $0xFFFFD880  }
0x1f: {  	[bflag:$0x0] =	sbarrier.arrive $0xFFFF  }
0x20: {  	s11 =	simm.s32 $0x400;
	s12 =	rddreg [dreg:$0x5]  }
0x21: {  	[tilespmem:s3], [sflag:$0x9] =	stream.strided.gather [hbm4b:s12+s15], $0x1400, s11, s15, $0x38;
	[tilespmem:$0x1F800] =	vst v63  }
0x22: {  	_ =	swait.ge [sflag:s14], $0x1400  }
0x23: {  	[sflag:s14] =	ssyncset.done $0x0  }
0x24: {  	s17 =	simm.s32 $0x1400;
	s16 =	rddreg [dreg:$0x6];
	[sflag:s14] =	ssyncadd.s32 $0xFFFFEC00  }
0x25: {  	[tilespmem:s17], [sflag:$0x9] =	stream.linear.gather [hbm4b:s16+s3], $0x2800, $0x38;
	[tilespmem:$0x1F800] =	vst v63  }
0x26: {  	_ =	swait.ge [sflag:s14], $0x2800  }
0x27: {  	[sflag:s14] =	ssyncset.done $0x0  }
0x28: {  	[sflag:s14] =	ssyncadd.s32 $0xFFFFD800  }
0x29: {  	[tilespmem:s19], [sflag:$0x1] =	stream.indirect.gather [hbm4b:s4+s18], $0x80, s3, s18, $0xb8;
	[tilespmem:$0x1F800] =	vst v63  }
0x2a: {  	_ = 	snop  }
0x2b: {  	[tilespmem:s20], [sflag:$0x2] =	stream.indirect.gather [hbm4b:s4+s18], $0x80, s18, s18, $0xb8;
	[tilespmem:$0x1F800] =	vst v63  }
0x2c: {  	_ = 	snop  }
0x2d: {  	[tilespmem:s21], [sflag:$0x3] =	stream.indirect.gather [hbm4b:s4+s18], $0x80, s15, s18, $0xb8;
	[tilespmem:$0x1F800] =	vst v63  }
0x2e: {  	_ = 	snop  }
0x2f: {  	[tilespmem:s23], [sflag:$0x4] =	stream.indirect.gather [hbm4b:s4+s18], $0x80, s22, s18, $0xb8;
	[tilespmem:$0x1F800] =	vst v63  }
0x30: {  	_ =	swait.ge [sflag:s24], $0x2000  }
0x31: {  	[sflag:s24] =	ssyncset.done $0x0  }
0x32: {  	s12 =	simm.s32 $0x1400;
	[sflag:s24] =	ssyncadd.s32 $0xFFFFE000  }
0x33: {  	[spmem:s2] =	stream.indirect.scatter.add.f32 [tilespmem:s19], [sflag:$0x5], $0x80, s12, s18, $0xb8;
	[tilespmem:$0x1F800] =	vst v63  }
0x34: {  	_ =	swait.ge [sflag:s25], $0x2000  }
0x35: {  	[sflag:s25] =	ssyncset.done $0x0  }
0x36: {  	s16 =	simm.s32 $0x100;
	[sflag:s25] =	ssyncadd.s32 $0xFFFFE000  }
0x37: {  	[tilespmem:s19], [sflag:$0x1] =	stream.indirect.gather [hbm4b:s4+s18], $0x80, s16, s18, $0xb8;
	[tilespmem:$0x1F800] =	vst v63  }
0x38: {  	_ =	swait.ge [sflag:s26], $0x2000  }
0x39: {  	[sflag:s26] =	ssyncset.done $0x0  }
0x3a: {  	s17 =	simm.s32 $0x1480;
	[sflag:s26] =	ssyncadd.s32 $0xFFFFE000  }
0x3b: {  	[spmem:s2] =	stream.indirect.scatter.add.f32 [tilespmem:s20], [sflag:$0x6], $0x80, s17, s18, $0xb8;
	[tilespmem:$0x1F800] =	vst v63  }
0x3c: {  	_ =	swait.ge [sflag:s28], $0x2000  }
0x3d: {  	[sflag:s28] =	ssyncset.done $0x0  }
0x3e: {  	s11 =	simm.s32 $0x140;
	[sflag:s28] =	ssyncadd.s32 $0xFFFFE000  }
0x3f: {  	[tilespmem:s20], [sflag:$0x2] =	stream.indirect.gather [hbm4b:s4+s18], $0x80, s11, s18, $0xb8;
	[tilespmem:$0x1F800] =	vst v63  }
0x40: {  	_ =	swait.ge [sflag:s29], $0x2000  }
0x41: {  	[sflag:s29] =	ssyncset.done $0x0  }
0x42: {  	s12 =	simm.s32 $0x1500;
	[sflag:s29] =	ssyncadd.s32 $0xFFFFE000  }
0x43: {  	[spmem:s2] =	stream.indirect.scatter.add.f32 [tilespmem:s21], [sflag:$0x7], $0x80, s12, s18, $0xb8;
	[tilespmem:$0x1F800] =	vst v63  }
0x44: {  	_ =	swait.ge [sflag:s30], $0x2000  }
0x45: {  	[sflag:s30] =	ssyncset.done $0x0  }
0x46: {  	s16 =	simm.s32 $0x180;
	[sflag:s30] =	ssyncadd.s32 $0xFFFFE000  }
0x47: {  	[tilespmem:s21], [sflag:$0x3] =	stream.indirect.gather [hbm4b:s4+s18], $0x80, s16, s18, $0xb8;
	[tilespmem:$0x1F800] =	vst v63  }
0x48: {  	_ =	swait.ge [sflag:s31], $0x2000  }
0x49: {  	[sflag:s31] =	ssyncset.done $0x0  }
0x4a: {  	s17 =	simm.s32 $0x1580;
	[sflag:s31] =	ssyncadd.s32 $0xFFFFE000  }
0x4b: {  	[spmem:s2] =	stream.indirect.scatter.add.f32 [tilespmem:s23], [sflag:$0x8], $0x80, s17, s18, $0xb8;
	[tilespmem:$0x1F800] =	vst v63  }
0x4c: {  	_ =	swait.ge [sflag:s1], $0x2000  }
0x4d: {  	s10 =	simm.s32 $0x1C0;
	[sflag:s1] =	ssyncset.done $0x0  }
0x4e: {  	s11 =	simm.s32 $0x2C0;
	s16 =	simm.s32 $0x800;
	[sflag:s1] =	ssyncadd.s32 $0xFFFFE000  }
.LBB2_2:
0x4f: {  	[tilespmem:s23], [sflag:$0x4] =	stream.indirect.gather [hbm4b:s4+s18], $0x80, s10, s18, $0xb8;
	[tilespmem:$0x1F800] =	vst v63  }
0x50: {  	s17 =	smov.u32 s16;
	s10 =	smov.u32 s11  }
0x51: {  	p0 =	sne.s32 s16, $0x9000;
	s16 =	sadd.s32 $0x800, s16;
	_ =	swait.ge [sflag:s24], $0x2000  }
0x52: {  	s17 =	sshra.s32 s17, $0x2;
	[sflag:s24] =	ssyncset.done $0x0  }
0x53: {  	s12 =	sadd.s32 $0x1400, s17;
	[sflag:s24] =	ssyncadd.s32 $0xFFFFE000  }
0x54: {  	[spmem:s2] =	stream.indirect.scatter.add.f32 [tilespmem:s19], [sflag:$0x5], $0x80, s12, s18, $0xb8;
	[tilespmem:$0x1F800] =	vst v63  }
0x55: {  	_ =	swait.ge [sflag:s25], $0x2000  }
0x56: {  	[sflag:s25] =	ssyncset.done $0x0  }
0x57: {  	s12 =	sadd.s32 $0xFFFFFF40, s11;
	[sflag:s25] =	ssyncadd.s32 $0xFFFFE000  }
0x58: {  	[tilespmem:s19], [sflag:$0x1] =	stream.indirect.gather [hbm4b:s4+s18], $0x80, s12, s18, $0xb8;
	[tilespmem:$0x1F800] =	vst v63  }
0x59: {  	_ =	swait.ge [sflag:s26], $0x2000  }
0x5a: {  	[sflag:s26] =	ssyncset.done $0x0  }
0x5b: {  	s12 =	sadd.s32 $0x1480, s17;
	[sflag:s26] =	ssyncadd.s32 $0xFFFFE000  }
0x5c: {  	[spmem:s2] =	stream.indirect.scatter.add.f32 [tilespmem:s20], [sflag:$0x6], $0x80, s12, s18, $0xb8;
	[tilespmem:$0x1F800] =	vst v63  }
0x5d: {  	_ =	swait.ge [sflag:s28], $0x2000  }
0x5e: {  	[sflag:s28] =	ssyncset.done $0x0  }
0x5f: {  	s12 =	sadd.s32 $0xFFFFFF80, s11;
	[sflag:s28] =	ssyncadd.s32 $0xFFFFE000  }
0x60: {  	[tilespmem:s20], [sflag:$0x2] =	stream.indirect.gather [hbm4b:s4+s18], $0x80, s12, s18, $0xb8;
	[tilespmem:$0x1F800] =	vst v63  }
0x61: {  	_ =	swait.ge [sflag:s29], $0x2000  }
0x62: {  	[sflag:s29] =	ssyncset.done $0x0  }
0x63: {  	s12 =	sadd.s32 $0x1500, s17;
	[sflag:s29] =	ssyncadd.s32 $0xFFFFE000  }
0x64: {  	[spmem:s2] =	stream.indirect.scatter.add.f32 [tilespmem:s21], [sflag:$0x7], $0x80, s12, s18, $0xb8;
	[tilespmem:$0x1F800] =	vst v63  }
0x65: {  	_ =	swait.ge [sflag:s30], $0x2000  }
0x66: {  	[sflag:s30] =	ssyncset.done $0x0  }
0x67: {  	s12 =	sadd.s32 $0xFFFFFFC0, s11;
	[sflag:s30] =	ssyncadd.s32 $0xFFFFE000  }
0x68: {  	[tilespmem:s21], [sflag:$0x3] =	stream.indirect.gather [hbm4b:s4+s18], $0x80, s12, s18, $0xb8;
	[tilespmem:$0x1F800] =	vst v63  }
0x69: {  	_ =	swait.ge [sflag:s31], $0x2000  }
0x6a: {  	[sflag:s31] =	ssyncset.done $0x0  }
.Ltmp0:
0x6b: {  	s12 =	sadd.s32 $0x1580, s17;
	[sflag:s31] =	ssyncadd.s32 $0xFFFFE000;
	(pc) =	sbr.rel @p0 .LBB2_2-.Ltmp0, $4  }
0x6c: {  	[spmem:s2] =	stream.indirect.scatter.add.f32 [tilespmem:s23], [sflag:$0x8], $0x80, s12, s18, $0xb8;
	[tilespmem:$0x1F800] =	vst v63  }
0x6d: {  	_ =	swait.ge [sflag:s1], $0x2000  }
0x6e: {  	[sflag:s1] =	ssyncset.done $0x0  }
0x6f: {  	s11 =	sadd.s32 $0x100, s11;
	[sflag:s1] =	ssyncadd.s32 $0xFFFFE000  }
0x70: {  	[tilespmem:s23], [sflag:$0x4] =	stream.indirect.gather [hbm4b:s4+s18], $0x80, s10, s18, $0xb8;
	[tilespmem:$0x1F800] =	vst v63  }
0x71: {  	_ =	swait.ge [sflag:s24], $0x2000  }
0x72: {  	[sflag:s24] =	ssyncset.done $0x0  }
0x73: {  	[sflag:s24] =	ssyncadd.s32 $0xFFFFE000  }
0x74: {  	[spmem:s2] =	stream.indirect.scatter.add.f32 [tilespmem:s19], [sflag:$0x5], $0x80, s0, s18, $0xb8;
	[tilespmem:$0x1F800] =	vst v63  }
0x75: {  	_ =	swait.ge [sflag:s26], $0x2000  }
0x76: {  	[sflag:s26] =	ssyncset.done $0x0  }
0x77: {  	[sflag:s26] =	ssyncadd.s32 $0xFFFFE000  }
0x78: {  	[spmem:s2] =	stream.indirect.scatter.add.f32 [tilespmem:s20], [sflag:$0x6], $0x80, s5, s18, $0xb8;
	[tilespmem:$0x1F800] =	vst v63  }
0x79: {  	_ =	swait.ge [sflag:s29], $0x2000  }
0x7a: {  	[sflag:s29] =	ssyncset.done $0x0  }
0x7b: {  	[sflag:s29] =	ssyncadd.s32 $0xFFFFE000  }
0x7c: {  	[spmem:s2] =	stream.indirect.scatter.add.f32 [tilespmem:s21], [sflag:$0x7], $0x80, s7, s18, $0xb8;
	[tilespmem:$0x1F800] =	vst v63  }
0x7d: {  	_ =	swait.ge [sflag:s31], $0x2000  }
0x7e: {  	[sflag:s31] =	ssyncset.done $0x0  }
0x7f: {  	[sflag:s31] =	ssyncadd.s32 $0xFFFFE000  }
0x80: {  	[spmem:s2] =	stream.indirect.scatter.add.f32 [tilespmem:s23], [sflag:$0x8], $0x80, s8, s18, $0xb8;
	[tilespmem:$0x1F800] =	vst v63  }
0x81: {  	_ =	swait.ge [sflag:s25], $0x2000  }
0x82: {  	[sflag:s25] =	ssyncset.done $0x0  }
0x83: {  	[sflag:s25] =	ssyncadd.s32 $0xFFFFE000  }
0x84: {  	_ =	swait.ge [sflag:s28], $0x2000  }
0x85: {  	[sflag:s28] =	ssyncset.done $0x0  }
0x86: {  	[sflag:s28] =	ssyncadd.s32 $0xFFFFE000  }
0x87: {  	_ =	swait.ge [sflag:s30], $0x2000  }
0x88: {  	[sflag:s30] =	ssyncset.done $0x0  }
0x89: {  	[sflag:s30] =	ssyncadd.s32 $0xFFFFE000  }
0x8a: {  	_ =	swait.ge [sflag:s1], $0x2000  }
0x8b: {  	s10 =	simm.s32 $0x0;
	[sflag:s1] =	ssyncset.done $0x0  }
0x8c: {  	s12 =	simm.s32 $0x400;
	s11 =	rddreg [dreg:$0x7];
	[sflag:s1] =	ssyncadd.s32 $0xFFFFE000  }
0x8d: {  	[tilespmem:s10], [sflag:$0x9] =	stream.strided.gather [hbm4b:s11+s15], $0x1400, s12, s15, $0x38;
	[tilespmem:$0x1F800] =	vst v63  }
0x8e: {  	_ =	swait.ge [sflag:s14], $0x1400  }
0x8f: {  	[sflag:s14] =	ssyncset.done $0x0  }
0x90: {  	s17 =	simm.s32 $0x1400;
	s16 =	rddreg [dreg:$0x8];
	[sflag:s14] =	ssyncadd.s32 $0xFFFFEC00  }
0x91: {  	[tilespmem:s17], [sflag:$0x9] =	stream.linear.gather [hbm4b:s16+s10], $0x2800, $0x38;
	[tilespmem:$0x1F800] =	vst v63  }
0x92: {  	_ =	swait.ge [sflag:s14], $0x2800  }
0x93: {  	[sflag:s14] =	ssyncset.done $0x0  }
0x94: {  	[sflag:s14] =	ssyncadd.s32 $0xFFFFD800  }
0x95: {  	[tilespmem:s19], [sflag:$0x1] =	stream.indirect.gather [hbm4b:s4+s18], $0x80, s10, s18, $0xb8;
	[tilespmem:$0x1F800] =	vst v63  }
0x96: {  	_ = 	snop  }
0x97: {  	[tilespmem:s20], [sflag:$0x2] =	stream.indirect.gather [hbm4b:s4+s18], $0x80, s18, s18, $0xb8;
	[tilespmem:$0x1F800] =	vst v63  }
0x98: {  	_ = 	snop  }
0x99: {  	[tilespmem:s21], [sflag:$0x3] =	stream.indirect.gather [hbm4b:s4+s18], $0x80, s15, s18, $0xb8;
	[tilespmem:$0x1F800] =	vst v63  }
0x9a: {  	_ = 	snop  }
0x9b: {  	[tilespmem:s23], [sflag:$0x4] =	stream.indirect.gather [hbm4b:s4+s18], $0x80, s22, s18, $0xb8;
	[tilespmem:$0x1F800] =	vst v63  }
0x9c: {  	_ =	swait.ge [sflag:s24], $0x2000  }
0x9d: {  	[sflag:s24] =	ssyncset.done $0x0  }
0x9e: {  	s12 =	simm.s32 $0x1400;
	[sflag:s24] =	ssyncadd.s32 $0xFFFFE000  }
0x9f: {  	[spmem:s2] =	stream.indirect.scatter.add.f32 [tilespmem:s19], [sflag:$0x5], $0x80, s12, s18, $0xb8;
	[tilespmem:$0x1F800] =	vst v63  }
0xa0: {  	_ =	swait.ge [sflag:s25], $0x2000  }
0xa1: {  	[sflag:s25] =	ssyncset.done $0x0  }
0xa2: {  	s16 =	simm.s32 $0x100;
	[sflag:s25] =	ssyncadd.s32 $0xFFFFE000  }
0xa3: {  	[tilespmem:s19], [sflag:$0x1] =	stream.indirect.gather [hbm4b:s4+s18], $0x80, s16, s18, $0xb8;
	[tilespmem:$0x1F800] =	vst v63  }
0xa4: {  	_ =	swait.ge [sflag:s26], $0x2000  }
0xa5: {  	[sflag:s26] =	ssyncset.done $0x0  }
0xa6: {  	s17 =	simm.s32 $0x1480;
	[sflag:s26] =	ssyncadd.s32 $0xFFFFE000  }
0xa7: {  	[spmem:s2] =	stream.indirect.scatter.add.f32 [tilespmem:s20], [sflag:$0x6], $0x80, s17, s18, $0xb8;
	[tilespmem:$0x1F800] =	vst v63  }
0xa8: {  	_ =	swait.ge [sflag:s28], $0x2000  }
0xa9: {  	[sflag:s28] =	ssyncset.done $0x0  }
0xaa: {  	s11 =	simm.s32 $0x140;
	[sflag:s28] =	ssyncadd.s32 $0xFFFFE000  }
0xab: {  	[tilespmem:s20], [sflag:$0x2] =	stream.indirect.gather [hbm4b:s4+s18], $0x80, s11, s18, $0xb8;
	[tilespmem:$0x1F800] =	vst v63  }
0xac: {  	_ =	swait.ge [sflag:s29], $0x2000  }
0xad: {  	[sflag:s29] =	ssyncset.done $0x0  }
0xae: {  	s12 =	simm.s32 $0x1500;
	[sflag:s29] =	ssyncadd.s32 $0xFFFFE000  }
0xaf: {  	[spmem:s2] =	stream.indirect.scatter.add.f32 [tilespmem:s21], [sflag:$0x7], $0x80, s12, s18, $0xb8;
	[tilespmem:$0x1F800] =	vst v63  }
0xb0: {  	_ =	swait.ge [sflag:s30], $0x2000  }
0xb1: {  	[sflag:s30] =	ssyncset.done $0x0  }
0xb2: {  	s16 =	simm.s32 $0x180;
	[sflag:s30] =	ssyncadd.s32 $0xFFFFE000  }
0xb3: {  	[tilespmem:s21], [sflag:$0x3] =	stream.indirect.gather [hbm4b:s4+s18], $0x80, s16, s18, $0xb8;
	[tilespmem:$0x1F800] =	vst v63  }
0xb4: {  	_ =	swait.ge [sflag:s31], $0x2000  }
0xb5: {  	[sflag:s31] =	ssyncset.done $0x0  }
0xb6: {  	s17 =	simm.s32 $0x1580;
	[sflag:s31] =	ssyncadd.s32 $0xFFFFE000  }
0xb7: {  	[spmem:s2] =	stream.indirect.scatter.add.f32 [tilespmem:s23], [sflag:$0x8], $0x80, s17, s18, $0xb8;
	[tilespmem:$0x1F800] =	vst v63  }
0xb8: {  	_ =	swait.ge [sflag:s1], $0x2000  }
0xb9: {  	s10 =	simm.s32 $0x1C0;
	[sflag:s1] =	ssyncset.done $0x0  }
0xba: {  	s11 =	simm.s32 $0x2C0;
	s16 =	simm.s32 $0x800;
	[sflag:s1] =	ssyncadd.s32 $0xFFFFE000  }
.LBB2_4:
0xbb: {  	[tilespmem:s23], [sflag:$0x4] =	stream.indirect.gather [hbm4b:s4+s18], $0x80, s10, s18, $0xb8;
	[tilespmem:$0x1F800] =	vst v63  }
0xbc: {  	s12 =	smov.u32 s16;
	s10 =	smov.u32 s11  }
0xbd: {  	p0 =	sne.s32 s16, $0x9000;
	s16 =	sadd.s32 $0x800, s16;
	_ =	swait.ge [sflag:s24], $0x2000  }
0xbe: {  	s12 =	sshra.s32 s12, $0x2;
	[sflag:s24] =	ssyncset.done $0x0  }
0xbf: {  	s17 =	sadd.s32 $0x1400, s12;
	[sflag:s24] =	ssyncadd.s32 $0xFFFFE000  }
0xc0: {  	[spmem:s2] =	stream.indirect.scatter.add.f32 [tilespmem:s19], [sflag:$0x5], $0x80, s17, s18, $0xb8;
	[tilespmem:$0x1F800] =	vst v63  }
0xc1: {  	_ =	swait.ge [sflag:s25], $0x2000  }
0xc2: {  	[sflag:s25] =	ssyncset.done $0x0  }
0xc3: {  	s17 =	sadd.s32 $0xFFFFFF40, s11;
	[sflag:s25] =	ssyncadd.s32 $0xFFFFE000  }
0xc4: {  	[tilespmem:s19], [sflag:$0x1] =	stream.indirect.gather [hbm4b:s4+s18], $0x80, s17, s18, $0xb8;
	[tilespmem:$0x1F800] =	vst v63  }
0xc5: {  	_ =	swait.ge [sflag:s26], $0x2000  }
0xc6: {  	[sflag:s26] =	ssyncset.done $0x0  }
0xc7: {  	s17 =	sadd.s32 $0x1480, s12;
	[sflag:s26] =	ssyncadd.s32 $0xFFFFE000  }
0xc8: {  	[spmem:s2] =	stream.indirect.scatter.add.f32 [tilespmem:s20], [sflag:$0x6], $0x80, s17, s18, $0xb8;
	[tilespmem:$0x1F800] =	vst v63  }
0xc9: {  	_ =	swait.ge [sflag:s28], $0x2000  }
0xca: {  	[sflag:s28] =	ssyncset.done $0x0  }
0xcb: {  	s17 =	sadd.s32 $0xFFFFFF80, s11;
	[sflag:s28] =	ssyncadd.s32 $0xFFFFE000  }
0xcc: {  	[tilespmem:s20], [sflag:$0x2] =	stream.indirect.gather [hbm4b:s4+s18], $0x80, s17, s18, $0xb8;
	[tilespmem:$0x1F800] =	vst v63  }
0xcd: {  	_ =	swait.ge [sflag:s29], $0x2000  }
0xce: {  	[sflag:s29] =	ssyncset.done $0x0  }
0xcf: {  	s17 =	sadd.s32 $0x1500, s12;
	[sflag:s29] =	ssyncadd.s32 $0xFFFFE000  }
0xd0: {  	[spmem:s2] =	stream.indirect.scatter.add.f32 [tilespmem:s21], [sflag:$0x7], $0x80, s17, s18, $0xb8;
	[tilespmem:$0x1F800] =	vst v63  }
0xd1: {  	_ =	swait.ge [sflag:s30], $0x2000  }
0xd2: {  	[sflag:s30] =	ssyncset.done $0x0  }
0xd3: {  	s17 =	sadd.s32 $0xFFFFFFC0, s11;
	[sflag:s30] =	ssyncadd.s32 $0xFFFFE000  }
0xd4: {  	[tilespmem:s21], [sflag:$0x3] =	stream.indirect.gather [hbm4b:s4+s18], $0x80, s17, s18, $0xb8;
	[tilespmem:$0x1F800] =	vst v63  }
0xd5: {  	_ =	swait.ge [sflag:s31], $0x2000  }
0xd6: {  	[sflag:s31] =	ssyncset.done $0x0  }
.Ltmp1:
0xd7: {  	s12 =	sadd.s32 $0x1580, s12;
	[sflag:s31] =	ssyncadd.s32 $0xFFFFE000;
	(pc) =	sbr.rel @p0 .LBB2_4-.Ltmp1, $4  }
0xd8: {  	[spmem:s2] =	stream.indirect.scatter.add.f32 [tilespmem:s23], [sflag:$0x8], $0x80, s12, s18, $0xb8;
	[tilespmem:$0x1F800] =	vst v63  }
0xd9: {  	_ =	swait.ge [sflag:s1], $0x2000  }
0xda: {  	[sflag:s1] =	ssyncset.done $0x0  }
0xdb: {  	s11 =	sadd.s32 $0x100, s11;
	[sflag:s1] =	ssyncadd.s32 $0xFFFFE000  }
0xdc: {  	[tilespmem:s23], [sflag:$0x4] =	stream.indirect.gather [hbm4b:s4+s18], $0x80, s10, s18, $0xb8;
	[tilespmem:$0x1F800] =	vst v63  }
0xdd: {  	_ =	swait.ge [sflag:s24], $0x2000  }
0xde: {  	[sflag:s24] =	ssyncset.done $0x0  }
0xdf: {  	[sflag:s24] =	ssyncadd.s32 $0xFFFFE000  }
0xe0: {  	[spmem:s2] =	stream.indirect.scatter.add.f32 [tilespmem:s19], [sflag:$0x5], $0x80, s0, s18, $0xb8;
	[tilespmem:$0x1F800] =	vst v63  }
0xe1: {  	_ =	swait.ge [sflag:s26], $0x2000  }
0xe2: {  	[sflag:s26] =	ssyncset.done $0x0  }
0xe3: {  	[sflag:s26] =	ssyncadd.s32 $0xFFFFE000  }
0xe4: {  	[spmem:s2] =	stream.indirect.scatter.add.f32 [tilespmem:s20], [sflag:$0x6], $0x80, s5, s18, $0xb8;
	[tilespmem:$0x1F800] =	vst v63  }
0xe5: {  	_ =	swait.ge [sflag:s29], $0x2000  }
0xe6: {  	[sflag:s29] =	ssyncset.done $0x0  }
0xe7: {  	[sflag:s29] =	ssyncadd.s32 $0xFFFFE000  }
0xe8: {  	[spmem:s2] =	stream.indirect.scatter.add.f32 [tilespmem:s21], [sflag:$0x7], $0x80, s7, s18, $0xb8;
	[tilespmem:$0x1F800] =	vst v63  }
0xe9: {  	_ =	swait.ge [sflag:s31], $0x2000  }
0xea: {  	[sflag:s31] =	ssyncset.done $0x0  }
0xeb: {  	[sflag:s31] =	ssyncadd.s32 $0xFFFFE000  }
0xec: {  	[spmem:s2] =	stream.indirect.scatter.add.f32 [tilespmem:s23], [sflag:$0x8], $0x80, s8, s18, $0xb8;
	[tilespmem:$0x1F800] =	vst v63  }
0xed: {  	_ =	swait.ge [sflag:s25], $0x2000  }
0xee: {  	[sflag:s25] =	ssyncset.done $0x0  }
0xef: {  	[sflag:s25] =	ssyncadd.s32 $0xFFFFE000  }
0xf0: {  	_ =	swait.ge [sflag:s28], $0x2000  }
0xf1: {  	[sflag:s28] =	ssyncset.done $0x0  }
0xf2: {  	[sflag:s28] =	ssyncadd.s32 $0xFFFFE000  }
0xf3: {  	_ =	swait.ge [sflag:s30], $0x2000  }
0xf4: {  	[sflag:s30] =	ssyncset.done $0x0  }
0xf5: {  	[sflag:s30] =	ssyncadd.s32 $0xFFFFE000  }
0xf6: {  	_ =	swait.ge [sflag:s1], $0x2000  }
0xf7: {  	[sflag:s1] =	ssyncset.done $0x0  }
0xf8: {  	[sflag:s1] =	ssyncadd.s32 $0xFFFFE000  }
0xf9: {  	[bflag:$0x0] =	sbarrier.arrive $0xFFFF  }
0xfa: {  	s16 =	rddreg [dreg:$0x9]  }
0xfb: {  	[hbm:s16], [sflag:s6] =	dma.local [spmem:s13], $0x2780  }
0xfc: {  	_ =	swait.ge [sflag:s14], $0x2780  }
0xfd: {  	s9 =	sadd.s32 $0x1, s9;
	s17 =	rddreg [dreg:$0xa]  }
0xfe: {  	p0 =	sne.s32 s9, s17  }
.Ltmp2:
0xff: {  	_ = 	snop;
	(pc) =	sbr.rel @p0 .LBB2_1-.Ltmp2, $3  }
0x100: {  	_ =	sdelay $0x1  }
0x101: {  	[sflag:s14] =	ssyncset.done $0x0  }
0x102: {  	[sflag:s14] =	ssyncadd.s32 $0xFFFFD880  }
0x103: {  	_ =	sfence.sel $0x180000  }
0x104: {  	[bflag:$0x0] =	sbarrier.arrive $0xFFFF  }
0x105: {  	_ =	strace $0x9000004D  }
0x106: {  	s0 =	stileid.u32;
	[bflag:$0x2] =	sbarrier.arrive $0xFFFF  }
0x107: {  	p0 =	sne.s32 s0, $0x0;
	s0 =	rddreg [dreg:$0x3]  }
0x108: {  	s0 =	sadd.s32 @!p0 $0x100000, s0  }
0x109: {  	[sflag:s0] =	ssyncadd.tile.s32 @!p0 $0x1;
	_ =	shalt  }
.Lfunc_end2:
_tile_overlayer_lowered:
.L_overlay_start_2:
0x10a: {  	(tag) =	ssettag $0x2  }
0x10b: {  	s0 =	rddreg [dreg:$0x0];
	s2 =	stileid.u32  }
0x10c: {  	s1 =	rddreg [dreg:$0x1];
	p0 =	sne.s32 s2, $0x0  }
0x10d: {  	s3 =	rddreg [dreg:$0x2];
	[bflag:$0x3] =	sbarrier.arrive $0xFFFF;
	s2 =	simm.s32 @!p0 $0x1C09  }
0x10e: {  	[timem:s3], [sflag:s2] =	dma.local @!p0 [hbm:s0], s1  }
0x10f: {  	s0 =	simm.s32 @!p0 $0x9  }
0x110: {  	_ =	swait.ge @!p0 [sflag:s0], s1  }
0x111: {  	s1 =	ssub.s32 @!p0 $0x0, s1;
	[sflag:s0] =	ssyncset.done @!p0 $0x0  }
0x112: {  	[sflag:s0] =	ssyncadd.s32 @!p0 s1  }
0x113: {  	[bflag:$0x3] =	sbarrier.arrive $0xFFFF  }
0x114: {  	_ =	shalt  }

// kernel: kernel.8.cloned.1.call-start
scs
__scs_entry_jumppad:
0x0: {  	(pc) =	sbr.rel $0x88, $3  }
0x1: {  	(tag) =	ssettag $0x0;
	lr =	simm.s32 $0x1  }
0x2: {  	[smem:$0x3F99] =	sst lr;
	_ =	strace $0xD0000000  }
0x3: {  	_ = 	snop  }
0x4: {  	_ = 	snop  }
0x5: {  	_ = 	snop  }
0x6: {  	_ = 	snop  }
0x7: {  	_ = 	snop  }
__scs_overlays_trampoline_lowered:
0x8: {  	[smem:$0x3FA8] =	sst s0  }
0x9: {  	[smem:$0x3FA9] =	sst s1  }
0xa: {  	[smem:$0x3FAA] =	sst s2  }
0xb: {  	[smem:$0x3FAB] =	sst s3  }
0xc: {  	[smem:$0x3FAC] =	sst s4  }
0xd: {  	[smem:$0x3FAD] =	sst s5  }
0xe: {  	[smem:$0x3FAE] =	sst s6  }
0xf: {  	[smem:$0x3FAF] =	sst s7  }
0x10: {  	[smem:$0x3FB0] =	sst s8  }
0x11: {  	[smem:$0x3FB1] =	sst s9;
	s0 =	simm.s32 @!p0 $0x0  }
0x12: {  	s1 =	sld [smem:$0x3F97];
	s0 =	simm.s32 @p0 $0x1  }
0x13: {  	[smem:$0x3FB2] =	sst s0;
	s0 =	simm.s32 @!p1 $0x0  }
0x14: {  	s2 =	sld [smem:$0x3F96];
	s0 =	simm.s32 @p1 $0x1  }
0x15: {  	[smem:$0x3FB3] =	sst s0;
	s0 =	simm.s32 @!p2 $0x0  }
0x16: {  	s3 =	sld [smem:$0x3FDB];
	s0 =	simm.s32 @p2 $0x1  }
0x17: {  	s4 =	simm.s32 $0x1BF5;
	[smem:$0x3FB5] =	sst s0  }
0x18: {  	s0 =	sld [smem:$0x3F98];
	_ =	swait.ge [sflag:s4], $0x0  }
0x19: {  	s7 =	sld [smem:$0x3F99]  }
0x1a: {  	s8 =	sadd.s32 $0xFFFFE003, lr  }
0x1b: {  	s9 =	sadd.s32 $0xFFFFFEF7, lr;
	s5 =	simm.s32 $0xFFFFFFFF;
	p2 =	slt.u32 s8, $0xFFFFF086  }
0x1c: {  	p1 =	slt.u32 s9, $0xF7A;
	s5 =	simm.s32 @!p2 $0x0  }
0x1d: {  	s5 =	simm.s32 @p1 $0x1;
	p0 =	seq.s32 s7, s2  }
0x1e: {  	s7 =	smul.u32 @!p0 $0xF7A, s2;
	p2 =	seq.s32 @!p0 s5, $0x0  }
0x1f: {  	s9 =	smul.u32 $0xF7A, s1;
	s8 =	simm.s32 @!p0 $0x1BF5;
	p2 =	por !p2, p0  }
0x20: {  	[sflag:s8] =	ssyncset.s32 @!p0 $0xFFFFF086;
	s6 =	sadd.s32 @!p0 s3, s7;
	s7 =	simm.s32 @!p0 $0x108  }
0x21: {  	s3 =	sadd.s32 s3, s9;
	s6 =	sadd.s32 @!p0 $0x88, s6;
	s7 =	simm.s32 @p2 $0x1082  }
0x22: {  	[simem:s7], [sflag:s8] =	dma.local @!p0 [hbm:s6], $0xF7A  }
0x23: {  	s9 =	sor.u32 $0xD0000000, s2;
	s6 =	simm.s32 $0x108;
	_ =	swait.ge @!p0 [sflag:s8], $0x0  }
0x24: {  	s3 =	sadd.s32 $0x88, s3;
	s6 =	simm.s32 @!p1 $0x1082;
	[sflag:s4] =	ssyncset.s32 $0xFFFFF086  }
0x25: {  	[simem:s6], [sflag:s4] =	dma.local [hbm:s3], $0xF7A  }
0x26: {  	[smem:$0x3F99] =	sst s1;
	(tag) =	ssettag s2;
	_ =	strace s9  }
0x27: {  	s1 =	sld [smem:$0x3FA9]  }
0x28: {  	s2 =	sld [smem:$0x3FAA]  }
0x29: {  	s4 =	sld [smem:$0x3FAC]  }
0x2a: {  	p0 =	seq.s32 s5, $0x0;
	s5 =	sld [smem:$0x3FAD]  }
0x2b: {  	s6 =	sld [smem:$0x3FAE]  }
0x2c: {  	s7 =	sld [smem:$0x3FAF]  }
0x2d: {  	s3 =	simm.s32 $0x108;
	s8 =	sld [smem:$0x3FB0]  }
0x2e: {  	s3 =	simm.s32 @!p0 $0x1082;
	s9 =	sld [smem:$0x3FB1]  }
0x2f: {  	lr =	sadd.s32 s0, s3;
	s0 =	sld [smem:$0x3FA8]  }
0x30: {  	s3 =	sld [smem:$0x3FAB]  }
0x31: {  	[smem:$0x3FB4] =	sst s10  }
0x32: {  	s10 =	sld [smem:$0x3FB2];
	_ =	sdelay $0x3  }
0x33: {  	p0 =	seq.s32 s10, $0x1;
	s10 =	sld [smem:$0x3FB4];
	_ =	sdelay $0x3  }
0x34: {  	[smem:$0x3FB4] =	sst s10  }
0x35: {  	s10 =	sld [smem:$0x3FB3];
	_ =	sdelay $0x3  }
0x36: {  	p1 =	seq.s32 s10, $0x1;
	s10 =	sld [smem:$0x3FB4];
	_ =	sdelay $0x3  }
0x37: {  	[smem:$0x3FB4] =	sst s10  }
0x38: {  	s10 =	sld [smem:$0x3FB5]  }
0x39: {  	_ = 	snop;
	(pc) =	sbr.ind lr, $3  }
0x3a: {  	_ = 	snop  }
0x3b: {  	_ = 	snop  }
0x3c: {  	p2 =	seq.s32 s10, $0x1;
	s10 =	sld [smem:$0x3FB4]  }
0x3d: {  	_ =	shalt  }
0x3e: {  	_ =	shalt  }
0x3f: {  	_ =	shalt  }
0x40: {  	_ =	shalt  }
0x41: {  	_ =	shalt  }
0x42: {  	_ =	shalt  }
0x43: {  	_ =	shalt  }
0x44: {  	_ =	shalt  }
0x45: {  	_ =	shalt  }
0x46: {  	_ =	shalt  }
0x47: {  	_ =	shalt  }
0x48: {  	_ =	shalt  }
0x49: {  	_ =	shalt  }
0x4a: {  	_ =	shalt  }
0x4b: {  	_ =	shalt  }
0x4c: {  	_ =	shalt  }
0x4d: {  	_ =	shalt  }
0x4e: {  	_ =	shalt  }
0x4f: {  	_ =	shalt  }
0x50: {  	_ =	shalt  }
0x51: {  	_ =	shalt  }
0x52: {  	_ =	shalt  }
0x53: {  	_ =	shalt  }
0x54: {  	_ =	shalt  }
0x55: {  	_ =	shalt  }
0x56: {  	_ =	shalt  }
0x57: {  	_ =	shalt  }
0x58: {  	_ =	shalt  }
0x59: {  	_ =	shalt  }
0x5a: {  	_ =	shalt  }
0x5b: {  	_ =	shalt  }
0x5c: {  	_ =	shalt  }
0x5d: {  	_ =	shalt  }
0x5e: {  	_ =	shalt  }
0x5f: {  	_ =	shalt  }
0x60: {  	_ =	shalt  }
0x61: {  	_ =	shalt  }
0x62: {  	_ =	shalt  }
0x63: {  	_ =	shalt  }
0x64: {  	_ =	shalt  }
0x65: {  	_ =	shalt  }
0x66: {  	_ =	shalt  }
0x67: {  	_ =	shalt  }
0x68: {  	_ =	shalt  }
0x69: {  	_ =	shalt  }
0x6a: {  	_ =	shalt  }
0x6b: {  	_ =	shalt  }
0x6c: {  	_ =	shalt  }
0x6d: {  	_ =	shalt  }
0x6e: {  	_ =	shalt  }
0x6f: {  	_ =	shalt  }
0x70: {  	_ =	shalt  }
0x71: {  	_ =	shalt  }
0x72: {  	_ =	shalt  }
0x73: {  	_ =	shalt  }
0x74: {  	_ =	shalt  }
0x75: {  	_ =	shalt  }
0x76: {  	_ =	shalt  }
0x77: {  	_ =	shalt  }
0x78: {  	_ =	shalt  }
0x79: {  	_ =	shalt  }
0x7a: {  	_ =	shalt  }
0x7b: {  	_ =	shalt  }
0x7c: {  	_ =	shalt  }
0x7d: {  	_ =	shalt  }
0x7e: {  	_ =	shalt  }
0x7f: {  	_ =	shalt  }
0x80: {  	_ =	shalt  }
0x81: {  	_ =	shalt  }
0x82: {  	_ =	shalt  }
0x83: {  	_ =	shalt  }
0x84: {  	_ =	shalt  }
0x85: {  	_ =	shalt  }
0x86: {  	_ =	shalt  }
0x87: {  	_ =	shalt  }
.Lfunc_end0:
.L_simem_size_0:
called_computation_lowered:
.L_overlay_start_0:
0x88: {  	s2 =	sld [smem:$0x3FD9]  }
0x89: {  	s3 =	sld [smem:$0x3FFE];
	_ =	sdelay $0x1  }
0x8a: {  	s1 =	srdreg.scid  }
0x8b: {  	s0 =	sand.u32 $0x1, s1  }
0x8c: {  	s14 =	sshll.u32 s0, $0xA;
	s2 =	sadd.s32 s3, s2  }
0x8d: {  	s2 =	sadd.s32 s2, s14  }
0x8e: {  	[smem:$0x3FC0] =	sst s2  }
0x8f: {  	_ = 	snop  }
0x90: {  	s2 =	sld [smem:$0x3FD0];
	_ =	sdelay $0x2  }
0x91: {  	s15 =	simm.s32 $0xA;
	s4 =	simm.s32 $0x10  }
0x92: {  	[smem:s4], [sflag:s15] =	dma.local [hbm:s2], $0x1  }
0x93: {  	_ =	swait.eq [sflag:s15], $0x1  }
0x94: {  	[sflag:s15] =	ssyncset.done $0x0  }
0x95: {  	[sflag:s15] =	ssyncadd.s32 $0xFFFFFFFF  }
0x96: {  	s16 =	sld [smem:$0x11];
	(tm) =	ssettm $0x1  }
0x97: {  	s17 =	sld [smem:$0x3FFB];
	_ =	sdelay $0x3  }
0x98: {  	_ =	strace s17  }
0x99: {  	s3 =	sld [smem:$0x3FFC];
	_ =	sdelay $0x3  }
0x9a: {  	_ =	strace s3  }
0x9b: {  	s3 =	sld [smem:$0x3FFD];
	_ =	sdelay $0x3  }
0x9c: {  	_ =	strace s3  }
0x9d: {  	_ =	strace $0x8FFFFFFF  }
0x9e: {  	s18 =	sld [smem:$0x3FDB];
	_ =	sdelay $0x1  }
0x9f: {  	s19 =	simm.s32 $_scs_section_size  }
0xa0: {  	s5 =	simm.s32 $_size__tile_overlayer_lowered;
	s6 =	simm.s32 $_tile_overlayer_lowered  }
0xa1: {  	s22 =	simm.s32 $0x1BFF;
	s21 =	sshll.u32 s6, $0x1;
	s3 =	sadd.s32 s19, s18  }
0xa2: {  	s7 =	simm.s32 $0x0;
	s20 =	sshll.u32 s5, $0x1;
	s5 =	sadd.s32 s21, s3  }
0xa3: {  	[timem:s7], [sflag:s22] =	dma.local [hbm:s5], s20  }
0xa4: {  	_ =	swait.ge [sflag:s22], s20  }
0xa5: {  	s4 =	ssub.s32 $0x0, s20;
	[sflag:s22] =	ssyncset.done $0x0  }
0xa6: {  	[sflag:s22] =	ssyncadd.s32 s4;
	_ =	sdelay $0x1  }
0xa7: {  	s23 =	simm.s32 $0x1B8B  }
0xa8: {  	_ =	swait.ge [sflag:s23], $0x1  }
0xa9: {  	[sflag:s23] =	ssyncset.done $0x0  }
0xaa: {  	s25 =	simm.s32 $0x1B8E;
	s24 =	sld [smem:$0x3FFE];
	[sflag:s23] =	ssyncadd.s32 $0xFFFFFFFF  }
0xab: {  	s26 =	simm.s32 $execute0_lowered;
	[smem:$0x3FD2] =	sst s25  }
0xac: {  	s5 =	sshll.u32 s26, $0x1;
	_ =	strace $0x80000046;
	[dreg:$0x1] =	wrdreg $0xFFFFFFFF  }
0xad: {  	s28 =	simm.s32 $_size_execute0_lowered;
	s3 =	sadd.s32 s3, s5;
	[dreg:$0x0] =	wrdreg $0x0  }
0xae: {  	s5 =	sshll.u32 s28, $0x1;
	[dreg:$0x2] =	wrdreg s3  }
0xaf: {  	[dreg:$0x3] =	wrdreg s5  }
0xb0: {  	[dreg:$0x4] =	wrdreg $0xC0  }
0xb1: {  	_ =	task [dreg:s7], $0x5FFFF  }
0xb2: {  	[dreg:$0x1] =	wrdreg $0xFFFFFFFF  }
0xb3: {  	[dreg:$0x0] =	wrdreg $0x60  }
0xb4: {  	[dreg:$0x2] =	wrdreg s16  }
0xb5: {  	[dreg:$0x3] =	wrdreg s24  }
0xb6: {  	[dreg:$0x4] =	wrdreg $0x68000  }
0xb7: {  	[dreg:$0x5] =	wrdreg $0x9  }
0xb8: {  	_ =	task.clear_ibuf [dreg:s7], $0x6FFFF;
	_ =	strace $0x90000046  }
0xb9: {  	s29 =	simm.s32 $0x9;
	_ =	strace $0x80000048  }
0xba: {  	_ =	swait.ge [sflag:s29], $0x1  }
0xbb: {  	[sflag:s29] =	ssyncadd.s32 $0xFFFFFFFF  }
0xbc: {  	_ =	strace $0x90000048  }
0xbd: {  	_ =	sfence  }
0xbe: {  	s30 =	sld [smem:$0x0];
	_ =	sdelay $0x2  }
0xbf: {  	s31 =	sshll.u32 s1, $0xD;
	s1 =	sshrl.u32 s1, $0x2  }
0xc0: {  	s3 =	sand.u32 $0x4000, s31;
	s1 =	sadd.s32 s1, s30  }
0xc1: {  	s0 =	sor.u32 s3, s0;
	s1 =	sshll.u32 s1, $0x11  }
0xc2: {  	s0 =	sor.u32 s1, s0  }
0xc3: {  	s0 =	sadd.s32 $0x8F2B, s0  }
0xc4: {  	[sflag:s0] =	ssyncadd.remote.s32 $0x1  }
0xc5: {  	_ =	sfence.sel $0xFFFF  }
0xc6: {  	[dreg:$0x0] =	wrdreg $0xFFFFFFFF;
	(pc) =	sbr.abs _section_cstart, $3  }
0xc7: {  	[dreg:$0x1] =	wrdreg $0xFFFFFFFF  }
0xc8: {  	_ =	task.clear_ibuf [dreg:s7], $0x2FFFF;
	_ =	strace $0x9FFFFFFF  }
0xc9: {  	(tm) =	ssettm $0x7FFFFFFF  }
tec
execute0_lowered:
.L_overlay_start_1:
0x0: {  	(tag) =	ssettag $0x1  }
0x1: {  	s7 =	rddreg [dreg:$0x0]  }
0x2: {  	s6 =	rddreg [dreg:$0x1]  }
0x3: {  	s0 =	srdreg.scid;
	s2 =	rddreg [dreg:$0x2]  }
0x4: {  	s1 =	stileid.u32;
	s3 =	simm.s32 $0x0;
	s13 =	simm.s32 $0x80  }
0x5: {  	s14 =	simm.s32 $0x1;
	s8 =	sand.u32 $0x1, s0;
	s0 =	rddreg [dreg:$0x3]  }
0x6: {  	s15 =	simm.s32 $0x0;
	s5 =	smul.u32 $0x13C00, s1;
	[smem:$0x7FF] =	sst s3  }
0x7: {  	s11 =	smul.u32 $0x4F000, s1;
	s12 =	sshll.u32 s1, $0x1;
	s31 =	sshll.u32 s1, $0x6  }
0x8: {  	s4 =	smul.u32 $0x13C000, s8;
	_ =	strace $0x80000047;
	s10 =	ssub.s32 $0x2, s8  }
0x9: {  	s8 =	sor.u32 s8, s12;
	s12 =	simm.s32 $0x2800;
	s30 =	sshrl.u32 s10, $0x1  }
0xa: {  	s11 =	sshrl.u32 s11, $0x2;
	s8 =	smul.u32 $0x500, s8;
	s9 =	sadd.s32 s5, s4  }
0xb: {  	s4 =	sadd.s32 $0x4C00, s6;
	s5 =	sadd.s32 $0x2400, s6;
	s9 =	sshrl.u32 s9, $0x3  }
0xc: {  	s10 =	ssub.s32 s10, s30;
	s11 =	sadd.s32 s11, s2;
	s9 =	sadd.s32 s9, s6  }
0xd: {  	s7 =	sadd.s32 s7, s8;
	s6 =	sor.u32 $0x1C02, s31;
	s8 =	sadd.s32 $0x5400, s9  }
0xe: {  	s9 =	smax.u32 s10, $0x1;
	s10 =	sshrl.u32 s11, $0x3;
	s11 =	simm.s32 $0x2  }
.LBB2_1:
0xf: {  	[spmem:s10], [sflag:s6] =	dma.local [hbm:s5], $0x2780  }
0x10: {  	_ =	swait.ge [sflag:s11], $0x2780  }
0x11: {  	[sflag:s11] =	ssyncset.done $0x0  }
0x12: {  	[sflag:s11] =	ssyncadd.s32 $0xFFFFD880  }
0x13: {  	[tilespmem:s12], [sflag:$0x2] =	stream.linear.gather [hbm4b:s4+s3], $0x4000, $0x38;
	[tilespmem:$0x1A400] =	vst v63  }
0x14: {  	_ =	swait.ge [sflag:s11], $0x4000  }
0x15: {  	[sflag:s11] =	ssyncset.done $0x0  }
0x16: {  	[sflag:s11] =	ssyncadd.s32 $0xFFFFC000  }
0x17: {  	[tilespmem:s3], [sflag:$0x2] =	stream.linear.gather [hbm4b:s7+s3], $0x2800, $0x38;
	[tilespmem:$0x1A400] =	vst v63  }
0x18: {  	_ =	swait.ge [sflag:s11], $0x2800  }
0x19: {  	[sflag:s11] =	ssyncset.done $0x0  }
0x1a: {  	[sflag:s11] =	ssyncadd.s32 $0xFFFFD800  }
0x1b: {  	s16 =	simm.s32 $0x0;
	[bflag:$0x0] =	sbarrier.arrive $0xFFFF  }
0x1c: {  	[spmem:s2] =	stream.indirect.scatter.add.f32 [tilespmem:s12], [sflag:$0x1], $0x80, s16, s13, $0xb8;
	[tilespmem:$0x1A400] =	vst v63  }
0x1d: {  	s24 =	simm.s32 $0x80  }
0x1e: {  	[spmem:s2] =	stream.indirect.scatter.add.f32 [tilespmem:s12], [sflag:$0x1], $0x80, s24, s13, $0xb8;
	[tilespmem:$0x1A400] =	vst v63  }
0x1f: {  	s25 =	simm.s32 $0x100  }
0x20: {  	[spmem:s2] =	stream.indirect.scatter.add.f32 [tilespmem:s12], [sflag:$0x1], $0x80, s25, s13, $0xb8;
	[tilespmem:$0x1A400] =	vst v63  }
0x21: {  	s26 =	simm.s32 $0x180  }
0x22: {  	[spmem:s2] =	stream.indirect.scatter.add.f32 [tilespmem:s12], [sflag:$0x1], $0x80, s26, s13, $0xb8;
	[tilespmem:$0x1A400] =	vst v63  }
0x23: {  	s28 =	simm.s32 $0x200  }
0x24: {  	[spmem:s2] =	stream.indirect.scatter.add.f32 [tilespmem:s12], [sflag:$0x1], $0x80, s28, s13, $0xb8;
	[tilespmem:$0x1A400] =	vst v63  }
0x25: {  	s29 =	simm.s32 $0x280  }
0x26: {  	[spmem:s2] =	stream.indirect.scatter.add.f32 [tilespmem:s12], [sflag:$0x1], $0x80, s29, s13, $0xb8;
	[tilespmem:$0x1A400] =	vst v63  }
0x27: {  	s30 =	simm.s32 $0x300  }
0x28: {  	[spmem:s2] =	stream.indirect.scatter.add.f32 [tilespmem:s12], [sflag:$0x1], $0x80, s30, s13, $0xb8;
	[tilespmem:$0x1A400] =	vst v63  }
0x29: {  	s31 =	simm.s32 $0x380  }
0x2a: {  	[spmem:s2] =	stream.indirect.scatter.add.f32 [tilespmem:s12], [sflag:$0x1], $0x80, s31, s13, $0xb8;
	[tilespmem:$0x1A400] =	vst v63  }
0x2b: {  	_ =	swait.ge [sflag:s14], $0x4000  }
0x2c: {  	[sflag:s14] =	ssyncset.done $0x0  }
0x2d: {  	[sflag:s14] =	ssyncadd.s32 $0xFFFFC000  }
0x2e: {  	_ =	swait.ge [sflag:s14], $0x4000  }
0x2f: {  	[sflag:s14] =	ssyncset.done $0x0  }
0x30: {  	[sflag:s14] =	ssyncadd.s32 $0xFFFFC000  }
0x31: {  	_ =	swait.ge [sflag:s14], $0x4000  }
0x32: {  	[sflag:s14] =	ssyncset.done $0x0  }
0x33: {  	[sflag:s14] =	ssyncadd.s32 $0xFFFFC000  }
0x34: {  	_ =	swait.ge [sflag:s14], $0x4000  }
0x35: {  	[sflag:s14] =	ssyncset.done $0x0  }
0x36: {  	[sflag:s14] =	ssyncadd.s32 $0xFFFFC000  }
0x37: {  	_ =	swait.ge [sflag:s14], $0x4000  }
0x38: {  	[sflag:s14] =	ssyncset.done $0x0  }
0x39: {  	[sflag:s14] =	ssyncadd.s32 $0xFFFFC000  }
0x3a: {  	_ =	swait.ge [sflag:s14], $0x4000  }
0x3b: {  	[sflag:s14] =	ssyncset.done $0x0  }
0x3c: {  	[sflag:s14] =	ssyncadd.s32 $0xFFFFC000  }
0x3d: {  	_ =	swait.ge [sflag:s14], $0x4000  }
0x3e: {  	[sflag:s14] =	ssyncset.done $0x0  }
0x3f: {  	[sflag:s14] =	ssyncadd.s32 $0xFFFFC000  }
0x40: {  	_ =	swait.ge [sflag:s14], $0x4000  }
0x41: {  	s18 =	simm.s32 $0x2000;
	s16 =	simm.s32 $0x1000;
	[sflag:s14] =	ssyncset.done $0x0  }
.LBB2_2:
0x42: {  	s19 =	sshra.s32 s16, $0x2  }
0x43: {  	[sflag:s14] =	ssyncadd.s32 $0xFFFFC000;
	s16 =	smov.u32 s18;
	s17 =	sadd.s32 $0x1000, s18  }
0x44: {  	[spmem:s2] =	stream.indirect.scatter.add.f32 [tilespmem:s12], [sflag:$0x1], $0x80, s19, s13, $0xb8;
	[tilespmem:$0x1A400] =	vst v63  }
0x45: {  	p0 =	sne.s32 s18, $0x9000;
	s18 =	sadd.s32 $0x80, s19  }
0x46: {  	[spmem:s2] =	stream.indirect.scatter.add.f32 [tilespmem:s12], [sflag:$0x1], $0x80, s18, s13, $0xb8;
	[tilespmem:$0x1A400] =	vst v63  }
0x47: {  	s18 =	sadd.s32 $0x100, s19  }
0x48: {  	[spmem:s2] =	stream.indirect.scatter.add.f32 [tilespmem:s12], [sflag:$0x1], $0x80, s18, s13, $0xb8;
	[tilespmem:$0x1A400] =	vst v63  }
0x49: {  	s18 =	sadd.s32 $0x180, s19  }
0x4a: {  	[spmem:s2] =	stream.indirect.scatter.add.f32 [tilespmem:s12], [sflag:$0x1], $0x80, s18, s13, $0xb8;
	[tilespmem:$0x1A400] =	vst v63  }
0x4b: {  	s18 =	sadd.s32 $0x200, s19  }
0x4c: {  	[spmem:s2] =	stream.indirect.scatter.add.f32 [tilespmem:s12], [sflag:$0x1], $0x80, s18, s13, $0xb8;
	[tilespmem:$0x1A400] =	vst v63  }
0x4d: {  	s18 =	sadd.s32 $0x280, s19  }
0x4e: {  	[spmem:s2] =	stream.indirect.scatter.add.f32 [tilespmem:s12], [sflag:$0x1], $0x80, s18, s13, $0xb8;
	[tilespmem:$0x1A400] =	vst v63  }
0x4f: {  	s18 =	sadd.s32 $0x300, s19  }
0x50: {  	[spmem:s2] =	stream.indirect.scatter.add.f32 [tilespmem:s12], [sflag:$0x1], $0x80, s18, s13, $0xb8;
	[tilespmem:$0x1A400] =	vst v63  }
0x51: {  	s18 =	sadd.s32 $0x380, s19  }
0x52: {  	[spmem:s2] =	stream.indirect.scatter.add.f32 [tilespmem:s12], [sflag:$0x1], $0x80, s18, s13, $0xb8;
	[tilespmem:$0x1A400] =	vst v63  }
0x53: {  	_ =	swait.ge [sflag:s14], $0x4000  }
0x54: {  	[sflag:s14] =	ssyncset.done $0x0  }
0x55: {  	[sflag:s14] =	ssyncadd.s32 $0xFFFFC000  }
0x56: {  	_ =	swait.ge [sflag:s14], $0x4000  }
0x57: {  	[sflag:s14] =	ssyncset.done $0x0  }
0x58: {  	[sflag:s14] =	ssyncadd.s32 $0xFFFFC000  }
0x59: {  	_ =	swait.ge [sflag:s14], $0x4000  }
0x5a: {  	[sflag:s14] =	ssyncset.done $0x0  }
0x5b: {  	[sflag:s14] =	ssyncadd.s32 $0xFFFFC000  }
0x5c: {  	_ =	swait.ge [sflag:s14], $0x4000  }
0x5d: {  	[sflag:s14] =	ssyncset.done $0x0  }
0x5e: {  	[sflag:s14] =	ssyncadd.s32 $0xFFFFC000  }
0x5f: {  	_ =	swait.ge [sflag:s14], $0x4000  }
0x60: {  	[sflag:s14] =	ssyncset.done $0x0  }
0x61: {  	[sflag:s14] =	ssyncadd.s32 $0xFFFFC000  }
0x62: {  	_ =	swait.ge [sflag:s14], $0x4000  }
0x63: {  	[sflag:s14] =	ssyncset.done $0x0  }
0x64: {  	[sflag:s14] =	ssyncadd.s32 $0xFFFFC000  }
.Ltmp0:
0x65: {  	_ =	swait.ge [sflag:s14], $0x4000;
	(pc) =	sbr.rel @p0 .LBB2_2-.Ltmp0, $4  }
0x66: {  	[sflag:s14] =	ssyncset.done $0x0  }
0x67: {  	[sflag:s14] =	ssyncadd.s32 $0xFFFFC000  }
0x68: {  	_ =	swait.ge [sflag:s14], $0x4000  }
0x69: {  	s18 =	smov.u32 s17;
	[sflag:s14] =	ssyncset.done $0x0  }
0x6a: {  	s16 =	sshra.s32 s16, $0x2;
	[sflag:s14] =	ssyncadd.s32 $0xFFFFC000  }
0x6b: {  	[spmem:s2] =	stream.indirect.scatter.add.f32 [tilespmem:s12], [sflag:$0x1], $0x80, s16, s13, $0xb8;
	[tilespmem:$0x1A400] =	vst v63  }
0x6c: {  	s17 =	sadd.s32 $0x80, s16  }
0x6d: {  	[spmem:s2] =	stream.indirect.scatter.add.f32 [tilespmem:s12], [sflag:$0x1], $0x80, s17, s13, $0xb8;
	[tilespmem:$0x1A400] =	vst v63  }
0x6e: {  	s26 =	sadd.s32 $0x100, s16  }
0x6f: {  	[spmem:s2] =	stream.indirect.scatter.add.f32 [tilespmem:s12], [sflag:$0x1], $0x80, s26, s13, $0xb8;
	[tilespmem:$0x1A400] =	vst v63  }
0x70: {  	s28 =	sadd.s32 $0x180, s16  }
0x71: {  	[spmem:s2] =	stream.indirect.scatter.add.f32 [tilespmem:s12], [sflag:$0x1], $0x80, s28, s13, $0xb8;
	[tilespmem:$0x1A400] =	vst v63  }
0x72: {  	s29 =	sadd.s32 $0x200, s16  }
0x73: {  	[spmem:s2] =	stream.indirect.scatter.add.f32 [tilespmem:s12], [sflag:$0x1], $0x80, s29, s13, $0xb8;
	[tilespmem:$0x1A400] =	vst v63  }
0x74: {  	s30 =	sadd.s32 $0x280, s16  }
0x75: {  	[spmem:s2] =	stream.indirect.scatter.add.f32 [tilespmem:s12], [sflag:$0x1], $0x80, s30, s13, $0xb8;
	[tilespmem:$0x1A400] =	vst v63  }
0x76: {  	s31 =	sadd.s32 $0x300, s16  }
0x77: {  	[spmem:s2] =	stream.indirect.scatter.add.f32 [tilespmem:s12], [sflag:$0x1], $0x80, s31, s13, $0xb8;
	[tilespmem:$0x1A400] =	vst v63  }
0x78: {  	s16 =	sadd.s32 $0x380, s16  }
0x79: {  	[spmem:s2] =	stream.indirect.scatter.add.f32 [tilespmem:s12], [sflag:$0x1], $0x80, s16, s13, $0xb8;
	[tilespmem:$0x1A400] =	vst v63  }
0x7a: {  	_ =	swait.ge [sflag:s14], $0x4000  }
0x7b: {  	[sflag:s14] =	ssyncset.done $0x0  }
0x7c: {  	[sflag:s14] =	ssyncadd.s32 $0xFFFFC000  }
0x7d: {  	_ =	swait.ge [sflag:s14], $0x4000  }
0x7e: {  	[sflag:s14] =	ssyncset.done $0x0  }
0x7f: {  	[sflag:s14] =	ssyncadd.s32 $0xFFFFC000  }
0x80: {  	_ =	swait.ge [sflag:s14], $0x4000  }
0x81: {  	[sflag:s14] =	ssyncset.done $0x0  }
0x82: {  	[sflag:s14] =	ssyncadd.s32 $0xFFFFC000  }
0x83: {  	_ =	swait.ge [sflag:s14], $0x4000  }
0x84: {  	[sflag:s14] =	ssyncset.done $0x0  }
0x85: {  	[sflag:s14] =	ssyncadd.s32 $0xFFFFC000  }
0x86: {  	_ =	swait.ge [sflag:s14], $0x4000  }
0x87: {  	[sflag:s14] =	ssyncset.done $0x0  }
0x88: {  	[sflag:s14] =	ssyncadd.s32 $0xFFFFC000  }
0x89: {  	_ =	swait.ge [sflag:s14], $0x4000  }
0x8a: {  	[sflag:s14] =	ssyncset.done $0x0  }
0x8b: {  	[sflag:s14] =	ssyncadd.s32 $0xFFFFC000  }
0x8c: {  	_ =	swait.ge [sflag:s14], $0x4000  }
0x8d: {  	[sflag:s14] =	ssyncset.done $0x0  }
0x8e: {  	[sflag:s14] =	ssyncadd.s32 $0xFFFFC000  }
0x8f: {  	_ =	swait.ge [sflag:s14], $0x4000  }
0x90: {  	s15 =	sadd.s32 $0x1, s15;
	[sflag:s14] =	ssyncset.done $0x0  }
0x91: {  	p0 =	sne.s32 s15, s9;
	[sflag:s14] =	ssyncadd.s32 $0xFFFFC000  }
.Ltmp1:
0x92: {  	[bflag:$0x0] =	sbarrier.arrive $0xFFFF;
	(pc) =	sbr.rel @p0 .LBB2_1-.Ltmp1, $4  }
0x93: {  	[hbm:s8], [sflag:s6] =	dma.local [spmem:s10], $0x2780  }
0x94: {  	_ =	swait.ge [sflag:s11], $0x2780  }
0x95: {  	[sflag:s11] =	ssyncset.done $0x0  }
0x96: {  	[sflag:s11] =	ssyncadd.s32 $0xFFFFD880  }
0x97: {  	_ =	sfence.sel $0x180000  }
0x98: {  	[bflag:$0x0] =	sbarrier.arrive $0xFFFF  }
0x99: {  	p0 =	sne.s32 s1, $0x0;
	_ =	strace $0x90000047  }
0x9a: {  	s0 =	sadd.s32 @!p0 $0x100000, s0;
	[bflag:$0x2] =	sbarrier.arrive $0xFFFF  }
0x9b: {  	[sflag:s0] =	ssyncadd.tile.s32 @!p0 $0x1;
	_ =	shalt  }
.Lfunc_end2:
_tile_overlayer_lowered:
.L_overlay_start_2:
0x9c: {  	(tag) =	ssettag $0x2  }
0x9d: {  	s0 =	rddreg [dreg:$0x0];
	s2 =	stileid.u32  }
0x9e: {  	s1 =	rddreg [dreg:$0x1];
	p0 =	sne.s32 s2, $0x0  }
0x9f: {  	s3 =	rddreg [dreg:$0x2];
	[bflag:$0x3] =	sbarrier.arrive $0xFFFF;
	s2 =	simm.s32 @!p0 $0x1C02  }
0xa0: {  	[timem:s3], [sflag:s2] =	dma.local @!p0 [hbm:s0], s1  }
0xa1: {  	s0 =	simm.s32 @!p0 $0x2  }
0xa2: {  	_ =	swait.ge @!p0 [sflag:s0], s1  }
0xa3: {  	s1 =	ssub.s32 @!p0 $0x0, s1;
	[sflag:s0] =	ssyncset.done @!p0 $0x0  }
0xa4: {  	[sflag:s0] =	ssyncadd.s32 @!p0 s1  }
0xa5: {  	[bflag:$0x3] =	sbarrier.arrive $0xFFFF  }
0xa6: {  	_ =	shalt  }

</sc_bundles>
